<compile_context>
chip_gen: v7x
topology: tpu7x:2x2x1
jax: 0.10.2.dev20260603
libtpu: 0.0.44.dev20260713+nightly
codegen_flags: <defaults>
</compile_context>

<pallas_src>
import functools

import jax
import jax.numpy as jnp
from jax import lax
from jax.experimental import pallas as pl
from jax.experimental.pallas import tpu as pltpu
from jax.experimental.pallas import tpu_sc as plsc

B = 4096
F = 26
V = 100000
E = 16
L1 = 256
L2 = 64

NCORE = 2
NSUB = 16
FPC = F // NCORE
VRANGE = V // NSUB
VMAIN = 6400
VBLOCK = 6432
SCHUNK = 64
EPAD = 128
NOUT = B * F


def _floor128(x):
    return (x // 128) * 128


@functools.cache
def _make_sc_gather():
    mesh = plsc.VectorSubcoreMesh(core_axis_name="c", subcore_axis_name="s")
    return functools.partial(
        pl.kernel,
        out_type=jax.ShapeDtypeStruct((NOUT, EPAD), jnp.float32),
        mesh=mesh,
        scratch_types=[
            pltpu.VMEM((E, VBLOCK), jnp.float32),
            pltpu.VMEM((B,), jnp.int32),
            pltpu.VMEM((B + 32,), jnp.int32),
            pltpu.VMEM((2, SCHUNK, EPAD), jnp.float32),
            pltpu.VMEM((2, SCHUNK), jnp.int32),
            pltpu.SemaphoreType.DMA,
            pltpu.SemaphoreType.DMA,
            pltpu.SemaphoreType.DMA,
        ],
        compiler_params=pltpu.CompilerParams(needs_layout_passes=False),
    )(_sc_gather_body)


def _sc_gather_body(tab_hbm, idx_hbm, out_hbm, block_v, idx_v, wl_v, stage_v,
                    didx_v, sem0, sem1, sem_slab):
    c = lax.axis_index("c")
    s = lax.axis_index("s")
    lane = lax.iota(jnp.int32, 16)

    lo = s * VRANGE
    load_lo = jnp.where(s == NSUB - 1, V - VBLOCK, _floor128(lo))
    load_lo = pl.multiple_of(load_lo, 128)

    def _field(k, carry):
        f = c * FPC + k

        slab_copy = pltpu.async_copy(tab_hbm.at[f, :, pl.ds(load_lo, VMAIN)],
                                     block_v.at[:, pl.ds(0, VMAIN)], sem_slab)
        pltpu.sync_copy(idx_hbm.at[pl.ds(f * B, B)], idx_v)

        def _scan(g4, count):
            for u in range(4):
                base_b = (g4 * 4 + u) * 16
                v = idx_v[pl.ds(base_b, 16)]
                mask = (v >= lo) & (v < lo + VRANGE)
                inc = plsc.all_reduce_population_count(mask)[0]
                plsc.store_compressed(wl_v.at[pl.ds(count, 16)],
                                      base_b + lane, mask=mask)
                count = count + inc
            return count

        count = lax.fori_loop(0, B // 64, _scan, 0)

        slab_copy.wait()

        @pl.when(s == NSUB - 1)
        def _():
            pltpu.sync_copy(tab_hbm.at[f, :, pl.ds(V - 32, 32)],
                            block_v.at[:, pl.ds(VMAIN, 32)])

        nb = (count + SCHUNK - 1) // SCHUNK
        par, o0, o1 = carry

        def _blk(blk, oc):
            b0_, b1_ = oc
            buf = (par + blk) % 2

            @pl.when((buf == 0) & (b0_ == 1))
            def _():
                pltpu.make_async_copy(stage_v.at[0],
                                      out_hbm.at[didx_v.at[0]],
                                      sem0).wait()

            @pl.when((buf == 1) & (b1_ == 1))
            def _():
                pltpu.make_async_copy(stage_v.at[1],
                                      out_hbm.at[didx_v.at[1]],
                                      sem1).wait()
            b0 = wl_v[pl.ds(blk * SCHUNK, 16)][0]
            for gg in range(SCHUNK // 16):
                slot = blk * SCHUNK + gg * 16 + lane
                sm = slot < count
                b = wl_v[pl.ds(blk * SCHUNK + gg * 16, 16)]
                b = jnp.where(sm, b, b0)
                vv = plsc.load_gather(idx_v, [b])
                cols = vv - load_lo
                rows = gg * 16 + lane
                for e in range(E):
                    erow = jnp.full((16,), e, jnp.int32)
                    got = plsc.load_gather(block_v, [erow, cols])
                    plsc.store_scatter(stage_v.at[buf], [rows, erow], got)
                didx_v[buf, pl.ds(gg * 16, 16)] = b * F + f

            @pl.when(buf == 0)
            def _():
                pltpu.async_copy(stage_v.at[0], out_hbm.at[didx_v.at[0]],
                                 sem0)

            @pl.when(buf == 1)
            def _():
                pltpu.async_copy(stage_v.at[1], out_hbm.at[didx_v.at[1]],
                                 sem1)
            return (jnp.where(buf == 0, 1, b0_), jnp.where(buf == 1, 1, b1_))

        o0, o1 = lax.fori_loop(0, nb, _blk, (o0, o1))
        return ((par + nb) % 2, o0, o1)

    par, o0, o1 = lax.fori_loop(0, FPC, _field,
                                (jnp.int32(0), jnp.int32(0), jnp.int32(0)))

    @pl.when(o0 == 1)
    def _():
        pltpu.make_async_copy(stage_v.at[0], out_hbm.at[didx_v.at[0]],
                              sem0).wait()

    @pl.when(o1 == 1)
    def _():
        pltpu.make_async_copy(stage_v.at[1], out_hbm.at[didx_v.at[1]],
                              sem1).wait()


def _dense_body(x_ref, w1_ref, b1_ref, w2_ref, b2_ref, p_ref, out_ref):
    x = x_ref[...]
    h1 = jnp.dot(x, w1_ref[...], preferred_element_type=jnp.float32)
    h1 = jnp.maximum(h1 + b1_ref[...], 0.0)
    ux = jnp.dot(h1, w2_ref[...], preferred_element_type=jnp.float32)
    ux = jnp.maximum(ux + b2_ref[...], 0.0)
    mx_ = jnp.dot(ux, p_ref[...], preferred_element_type=jnp.float32)
    m = jnp.max(mx_, axis=-1, keepdims=True)
    ex = jnp.exp(mx_ - m)
    mx = (jnp.float32(F) * ex) / jnp.sum(ex, axis=-1, keepdims=True)

    j_ids = lax.broadcasted_iota(jnp.int32, (F, F * E), 1)
    f_ids = lax.broadcasted_iota(jnp.int32, (F, F * E), 0)
    st = jnp.where(j_ids // E == f_ids, 1.0, 0.0).astype(jnp.float32)
    mxr = jnp.dot(mx, st, preferred_element_type=jnp.float32)

    a = mxr * x
    jj = lax.broadcasted_iota(jnp.int32, (F * E, E), 0)
    ee = lax.broadcasted_iota(jnp.int32, (F * E, E), 1)
    sm = jnp.where(jj % E == ee, 1.0, 0.0).astype(jnp.float32)
    sum_v = jnp.dot(a, sm, preferred_element_type=jnp.float32)
    sum_sq = jnp.dot(a * a, sm, preferred_element_type=jnp.float32)
    out_ref[...] = 0.5 * jnp.sum(sum_v * sum_v - sum_sq, axis=-1,
                                 keepdims=True)


_BB = 1024


def _dense(x, W1, b1, W2, b2, P):
    return pl.pallas_call(
        _dense_body,
        grid=(B // _BB,),
        in_specs=[
            pl.BlockSpec((_BB, F * E), lambda i: (i, 0)),
            pl.BlockSpec((F * E, L1), lambda i: (0, 0)),
            pl.BlockSpec((1, L1), lambda i: (0, 0)),
            pl.BlockSpec((L1, L2), lambda i: (0, 0)),
            pl.BlockSpec((1, L2), lambda i: (0, 0)),
            pl.BlockSpec((L2, F), lambda i: (0, 0)),
        ],
        out_specs=pl.BlockSpec((_BB, 1), lambda i: (i, 0)),
        out_shape=jax.ShapeDtypeStruct((B, 1), jnp.float32),
    )(x, W1, b1, W2, b2, P)


def kernel(sparse, dense, tables, W1, b1, W2, b2, P):
    tab = tables.transpose(0, 2, 1)
    idx = sparse.T.reshape(F * B)
    rows = _make_sc_gather()(tab, idx)
    x = rows[:, :E].reshape(B, F * E)
    return _dense(x, W1, b1.reshape(1, L1), W2, b2.reshape(1, L2), P)

# --- scband reference (transcript-rebuilt; emitter-appended) ---
"""Pipeline reference for scband-ifm-5987184410764 (READ-ONLY COPY).

The authoritative reference and input builder live on the scoring server;
editing this copy changes nothing except your own understanding.
"""

import jax, jax.numpy as jnp
import numpy as np

B = 4096
F = 26
V = 100000
E = 16
D_DENSE = 13
L1 = 256
L2 = 64


def setup_inputs(seed: int = 0) -> dict:
    key = jax.random.key(seed)
    ks = jax.random.split(key, 9)
    sparse = jax.random.randint(ks[0], (B, F), 0, V, dtype=jnp.int32)
    dense = jax.random.normal(ks[1], (B, D_DENSE), dtype=jnp.float32)
    # per-field embedding tables stacked: [F, V, E]
    tables = jax.random.normal(ks[2], (F, V, E), dtype=jnp.float32) * 0.01
    # FEN DNN params: input_dim = F*E -> L1 -> L2
    W1 = jax.random.normal(ks[3], (F * E, L1), dtype=jnp.float32) * (1.0 / np.sqrt(F * E))
    b1 = jnp.zeros((L1,), dtype=jnp.float32)
    W2 = jax.random.normal(ks[4], (L1, L2), dtype=jnp.float32) * (1.0 / np.sqrt(L1))
    b2 = jnp.zeros((L2,), dtype=jnp.float32)
    # FEN projection P: [L2, F]
    P = jax.random.normal(ks[5], (L2, F), dtype=jnp.float32) * (1.0 / np.sqrt(L2))
    return {"sparse": sparse, "dense": dense, "tables": tables,
            "W1": W1, "b1": b1, "W2": W2, "b2": b2, "P": P}


def reference(sparse, dense, tables, W1, b1, W2, b2, P):
    # SparseEmbeddingLayer: gather per-field embeddings
    field_ids = jnp.arange(F)[None, :]                  # [1, F]
    emb = tables[field_ids, sparse]                     # [B, F, E]  (fm embed)
    fen_in = emb.reshape(emb.shape[0], F * E)           # [B, F*E]   (fen embed, axis=-1 concat)
    # DenseFeatCatLayer: concat dense feats (identity here)
    dense_deep_x = dense
    # FEN
    h1 = jax.nn.relu(jnp.dot(fen_in, W1) + b1)
    Ux = jax.nn.relu(jnp.dot(h1, W2) + b2)              # [B, L2]
    mx_ = jnp.dot(Ux, P)                                # [B, F]
    score = jax.nn.softmax(mx_, axis=-1)
    mx = jnp.float32(F) * score                         # h * score
    # input-aware reweighting of FM embeddings
    v = mx[:, :, None] * emb                            # [B, F, E]
    # FMInteraction: 0.5 * sum_e ((sum_f v)^2 - sum_f v^2)
    sum_v = jnp.sum(v, axis=1)                          # [B, E]
    sum_sq = jnp.sum(v * v, axis=1)                     # [B, E]
    fm_out = 0.5 * jnp.sum(sum_v * sum_v - sum_sq, axis=1, keepdims=True)  # [B, 1]
    return fm_out

if __name__ == "__main__":
    import jax
    _d = setup_inputs()
    print(jax.jit(kernel)(*tuple(_d.values())))

</pallas_src>

<mosaic_0001>
#map = affine_map<(d0, d1) -> (0, 0, 0)>
#map1 = affine_map<(d0, d1) -> (0)>
#map2 = affine_map<(d0, d1) -> (0, 0)>
module attributes {stable_mosaic.version = 14 : i64} {
  func.func @_sc_gather_body(%arg0: i32, %arg1: i32, %arg2: memref<26x16x100000xf32, #tpu.memory_space<hbm>>, %arg3: memref<106496xi32, #tpu.memory_space<hbm>>, %arg4: memref<106496x128xf32, #tpu.memory_space<hbm>>, %arg5: memref<16x6432xf32, #tpu.memory_space<vmem>>, %arg6: memref<4096xi32, #tpu.memory_space<vmem>>, %arg7: memref<4128xi32, #tpu.memory_space<vmem>>, %arg8: memref<2x64x128xf32, #tpu.memory_space<vmem>>, %arg9: memref<2x64xi32, #tpu.memory_space<vmem>>, %arg10: memref<!tpu.dma_semaphore, #tpu.memory_space<semaphore_mem>>, %arg11: memref<!tpu.dma_semaphore, #tpu.memory_space<semaphore_mem>>, %arg12: memref<!tpu.dma_semaphore, #tpu.memory_space<semaphore_mem>>) attributes {dimension_semantics = [#tpu.dimension_semantics<core_parallel>, #tpu.dimension_semantics<subcore_parallel>], iteration_bounds = array<i64: 2, 16>, scalar_prefetch = 0 : i64, scratch_operands = 8 : i64, tpu.core_type = #tpu.core_type<sc_vector_subcore>, window_params = [{transform_indices = #map}, {transform_indices = #map1}, {transform_indices = #map2}]} {
    %iota3A = tpu.iota {dimensions = array<i32: 0>} : vector<16xi32>
    %mul3A = arith.constant 6250 : i32
    %mul3A_0 = arith.muli %arg1, %mul3A : i32
    %eq3A = arith.constant 15 : i32
    %eq3A_1 = arith.cmpi eq, %arg1, %eq3A : i32
    %jit3A = arith.constant 128 : i32
    %div3A = arith.divsi %mul3A_0, %jit3A : i32
    %sign3A = arith.constant 0 : i32
    %sign3A_2 = arith.cmpi sgt, %mul3A_0, %sign3A : i32
    %sign3A_3 = arith.extui %sign3A_2 : i1 to i32
    %sign3A_4 = arith.constant 0 : i32
    %sign3A_5 = arith.cmpi slt, %mul3A_0, %sign3A_4 : i32
    %sign3A_6 = arith.extui %sign3A_5 : i1 to i32
    %sign3A_7 = arith.subi %sign3A_3, %sign3A_6 : i32
    %sign3A_8 = arith.constant 0 : i32
    %sign3A_9 = arith.cmpi sgt, %jit3A, %sign3A_8 : i32
    %sign3A_10 = arith.extui %sign3A_9 : i1 to i32
    %sign3A_11 = arith.constant 0 : i32
    %sign3A_12 = arith.cmpi slt, %jit3A, %sign3A_11 : i32
    %sign3A_13 = arith.extui %sign3A_12 : i1 to i32
    %sign3A_14 = arith.subi %sign3A_10, %sign3A_13 : i32
    %ne3A = arith.cmpi ne, %sign3A_7, %sign3A_14 : i32
    %rem3A = arith.remsi %mul3A_0, %jit3A : i32
    %ne3A_15 = arith.constant 0 : i32
    %ne3A_16 = arith.cmpi ne, %rem3A, %ne3A_15 : i32
    %and3A = arith.andi %ne3A, %ne3A_16 : i1
    %sub3A = arith.constant 1 : i32
    %sub3A_17 = arith.subi %div3A, %sub3A : i32
    %select_n3A = arith.select %and3A, %sub3A_17, %div3A : i32
    %mul3A_18 = arith.constant 128 : i32
    %mul3A_19 = arith.muli %select_n3A, %mul3A_18 : i32
    %jit3A_20 = arith.constant 93568 : i32
    %select_n3A_21 = arith.select %eq3A_1, %jit3A_20, %mul3A_19 : i32
    %multiple_of3A = tpu.assume_multiple %select_n3A_21, 128 : i32
    %scan3A = arith.constant 0 : i32
    %scan3A_22 = arith.constant 0 : i32
    %scan3A_23 = arith.constant 0 : i32
    %scan3A_24 = arith.constant 0 : i32
    %scan3A_25 = arith.constant 13 : i32
    %scan3A_26 = arith.addi %scan3A_24, %scan3A_25 : i32
    %scan3A_27 = arith.constant 1 : i32
    %scan3A_28:3 = scf.for %scan3A_38 = %scan3A_24 to %scan3A_26 step %scan3A_27 iter_args(%scan3A_39 = %scan3A, %scan3A_40 = %scan3A_22, %scan3A_41 = %scan3A_23) -> (i32, i32, i32)  : i32 {
      %mul3A_42 = arith.constant 13 : i32
      %mul3A_43 = arith.muli %arg0, %mul3A_42 : i32
      %add3A = arith.addi %mul3A_43, %scan3A_38 : i32
      %dma_start3A = arith.constant 0 : i32
      %dma_start3A_44 = arith.constant 0 : i32
      %dma_start3A_45 = tpu.memref_slice %arg5[%dma_start3A, %dma_start3A_44] : memref<16x6432xf32, #tpu.memory_space<vmem>> -> memref<16x6400xf32, #tpu.memory_space<vmem>>
      %dma_start3A_46 = arith.constant 0 : i32
      %dma_start3A_47 = tpu.memref_slice %arg2[%add3A, %dma_start3A_46, %multiple_of3A] : memref<26x16x100000xf32, #tpu.memory_space<hbm>> -> memref<1x16x6400xf32, #tpu.memory_space<hbm>>
      %dma_start3A_48 = tpu.memref_squeeze %dma_start3A_47 : memref<1x16x6400xf32, #tpu.memory_space<hbm>> -> memref<16x6400xf32, #tpu.memory_space<hbm>>
      %dma_start3A_49 = arith.constant 0 : i32
      %dma_start3A_50 = arith.constant 0 : i32
      %dma_start3A_51 = tpu.memref_slice %arg5[%dma_start3A_49, %dma_start3A_50] : memref<16x6432xf32, #tpu.memory_space<vmem>> -> memref<16x6400xf32, #tpu.memory_space<vmem>>
      %dma_start3A_52 = arith.constant 0 : i32
      %dma_start3A_53 = tpu.memref_slice %arg2[%add3A, %dma_start3A_52, %multiple_of3A] : memref<26x16x100000xf32, #tpu.memory_space<hbm>> -> memref<1x16x6400xf32, #tpu.memory_space<hbm>>
      %dma_start3A_54 = tpu.memref_squeeze %dma_start3A_53 : memref<1x16x6400xf32, #tpu.memory_space<hbm>> -> memref<16x6400xf32, #tpu.memory_space<hbm>>
      tpu.enqueue_dma source(%dma_start3A_54 : memref<16x6400xf32, #tpu.memory_space<hbm>>) target(%dma_start3A_51 : memref<16x6400xf32, #tpu.memory_space<vmem>>) target_semaphore(%arg12 : memref<!tpu.dma_semaphore, #tpu.memory_space<semaphore_mem>>)
      %mul3A_55 = arith.constant 4096 : i32
      %mul3A_56 = arith.muli %add3A, %mul3A_55 : i32
      "tpu.region"() ({
        %run_scoped3A = tpu.sem_alloc : memref<!tpu.dma_semaphore, #tpu.memory_space<semaphore_mem>>
        %dma_start3A_134 = tpu.memref_slice %arg3[%mul3A_56] : memref<106496xi32, #tpu.memory_space<hbm>> -> memref<4096xi32, #tpu.memory_space<hbm>>
        %dma_start3A_135 = tpu.memref_slice %arg3[%mul3A_56] : memref<106496xi32, #tpu.memory_space<hbm>> -> memref<4096xi32, #tpu.memory_space<hbm>>
        tpu.enqueue_dma source(%dma_start3A_135 : memref<4096xi32, #tpu.memory_space<hbm>>) target(%arg6 : memref<4096xi32, #tpu.memory_space<vmem>>) target_semaphore(%run_scoped3A : memref<!tpu.dma_semaphore, #tpu.memory_space<semaphore_mem>>)
        %dma_wait3A_136 = tpu.memref_slice %arg3[%mul3A_56] : memref<106496xi32, #tpu.memory_space<hbm>> -> memref<4096xi32, #tpu.memory_space<hbm>>
        %dma_wait3A_137 = tpu.memref_slice %arg3[%mul3A_56] : memref<106496xi32, #tpu.memory_space<hbm>> -> memref<4096xi32, #tpu.memory_space<hbm>>
        tpu.wait_dma2 semaphore(%run_scoped3A : memref<!tpu.dma_semaphore, #tpu.memory_space<semaphore_mem>>) src(%dma_wait3A_137 : memref<4096xi32, #tpu.memory_space<hbm>>) dst(%arg6 : memref<4096xi32, #tpu.memory_space<vmem>>)
        tpu.yield
      }) : () -> ()
      %scan3A_57 = arith.constant 0 : i32
      %scan3A_58 = arith.constant 0 : i32
      %scan3A_59 = arith.constant 64 : i32
      %scan3A_60 = arith.addi %scan3A_58, %scan3A_59 : i32
      %scan3A_61 = arith.constant 1 : i32
      %scan3A_62 = scf.for %scan3A_134 = %scan3A_58 to %scan3A_60 step %scan3A_61 iter_args(%scan3A_135 = %scan3A_57) -> (i32)  : i32 {
        %mul3A_136 = arith.constant 4 : i32
        %mul3A_137 = arith.muli %scan3A_134, %mul3A_136 : i32
        %add3A_138 = arith.constant 0 : i32
        %add3A_139 = arith.addi %mul3A_137, %add3A_138 : i32
        %mul3A_140 = arith.constant 16 : i32
        %mul3A_141 = arith.muli %add3A_139, %mul3A_140 : i32
        %get3A = arith.index_cast %mul3A_141 : i32 to index
        %get3A_142 = tpu.vector_load %arg6[%get3A] {strides = array<i32>} : memref<4096xi32, #tpu.memory_space<vmem>>, vector<16xi32>,
        %ge3A = vector.broadcast %mul3A_0 : i32 to vector<16xi32>
        %ge3A_143 = arith.cmpi sge, %get3A_142, %ge3A : vector<16xi32>
        %add3A_144 = arith.constant 6250 : i32
        %add3A_145 = arith.addi %mul3A_0, %add3A_144 : i32
        %lt3A_146 = vector.broadcast %add3A_145 : i32 to vector<16xi32>
        %lt3A_147 = arith.cmpi slt, %get3A_142, %lt3A_146 : vector<16xi32>
        %and3A_148 = arith.andi %ge3A_143, %lt3A_147 : vector<16xi1>
        %all_reduce_population_count3A = tpu.all_reduce %and3A_148 {dim = 0 : i64, kind = #tpu.reduction_kind<sum>} : vector<16xi1> -> vector<16xi32>
        %slice3A = vector.extract_strided_slice %all_reduce_population_count3A {offsets = [0], sizes = [1], strides = [1]} : vector<16xi32> to vector<1xi32>
        %squeeze3A = vector.extract %slice3A[0] : i32 from vector<1xi32>
        %add3A_149 = vector.broadcast %mul3A_141 : i32 to vector<16xi32>
        %add3A_150 = arith.addi %add3A_149, %iota3A : vector<16xi32>
        %swap3A = arith.index_cast %scan3A_135 : i32 to index
        %swap3A_151 = tpu.vector_load %arg7[%swap3A] masked %and3A_148 {strides = array<i32>} : memref<4128xi32, #tpu.memory_space<vmem>>, vector<16xi32>, vector<16xi1>
        tpu.vector_store %arg7[%swap3A], %add3A_150 masked %and3A_148 {strides = array<i32>} : memref<4128xi32, #tpu.memory_space<vmem>>, vector<16xi32>, vector<16xi1>
        %add3A_152 = arith.addi %scan3A_135, %squeeze3A : i32
        %mul3A_153 = arith.constant 4 : i32
        %mul3A_154 = arith.muli %scan3A_134, %mul3A_153 : i32
        %add3A_155 = arith.constant 1 : i32
        %add3A_156 = arith.addi %mul3A_154, %add3A_155 : i32
        %mul3A_157 = arith.constant 16 : i32
        %mul3A_158 = arith.muli %add3A_156, %mul3A_157 : i32
        %get3A_159 = arith.index_cast %mul3A_158 : i32 to index
        %get3A_160 = tpu.vector_load %arg6[%get3A_159] {strides = array<i32>} : memref<4096xi32, #tpu.memory_space<vmem>>, vector<16xi32>,
        %ge3A_161 = vector.broadcast %mul3A_0 : i32 to vector<16xi32>
        %ge3A_162 = arith.cmpi sge, %get3A_160, %ge3A_161 : vector<16xi32>
        %add3A_163 = arith.constant 6250 : i32
        %add3A_164 = arith.addi %mul3A_0, %add3A_163 : i32
        %lt3A_165 = vector.broadcast %add3A_164 : i32 to vector<16xi32>
        %lt3A_166 = arith.cmpi slt, %get3A_160, %lt3A_165 : vector<16xi32>
        %and3A_167 = arith.andi %ge3A_162, %lt3A_166 : vector<16xi1>
        %all_reduce_population_count3A_168 = tpu.all_reduce %and3A_167 {dim = 0 : i64, kind = #tpu.reduction_kind<sum>} : vector<16xi1> -> vector<16xi32>
        %slice3A_169 = vector.extract_strided_slice %all_reduce_population_count3A_168 {offsets = [0], sizes = [1], strides = [1]} : vector<16xi32> to vector<1xi32>
        %squeeze3A_170 = vector.extract %slice3A_169[0] : i32 from vector<1xi32>
        %add3A_171 = vector.broadcast %mul3A_158 : i32 to vector<16xi32>
        %add3A_172 = arith.addi %add3A_171, %iota3A : vector<16xi32>
        %swap3A_173 = arith.index_cast %add3A_152 : i32 to index
        %swap3A_174 = tpu.vector_load %arg7[%swap3A_173] masked %and3A_167 {strides = array<i32>} : memref<4128xi32, #tpu.memory_space<vmem>>, vector<16xi32>, vector<16xi1>
        tpu.vector_store %arg7[%swap3A_173], %add3A_172 masked %and3A_167 {strides = array<i32>} : memref<4128xi32, #tpu.memory_space<vmem>>, vector<16xi32>, vector<16xi1>
        %add3A_175 = arith.addi %add3A_152, %squeeze3A_170 : i32
        %mul3A_176 = arith.constant 4 : i32
        %mul3A_177 = arith.muli %scan3A_134, %mul3A_176 : i32
        %add3A_178 = arith.constant 2 : i32
        %add3A_179 = arith.addi %mul3A_177, %add3A_178 : i32
        %mul3A_180 = arith.constant 16 : i32
        %mul3A_181 = arith.muli %add3A_179, %mul3A_180 : i32
        %get3A_182 = arith.index_cast %mul3A_181 : i32 to index
        %get3A_183 = tpu.vector_load %arg6[%get3A_182] {strides = array<i32>} : memref<4096xi32, #tpu.memory_space<vmem>>, vector<16xi32>,
        %ge3A_184 = vector.broadcast %mul3A_0 : i32 to vector<16xi32>
        %ge3A_185 = arith.cmpi sge, %get3A_183, %ge3A_184 : vector<16xi32>
        %add3A_186 = arith.constant 6250 : i32
        %add3A_187 = arith.addi %mul3A_0, %add3A_186 : i32
        %lt3A_188 = vector.broadcast %add3A_187 : i32 to vector<16xi32>
        %lt3A_189 = arith.cmpi slt, %get3A_183, %lt3A_188 : vector<16xi32>
        %and3A_190 = arith.andi %ge3A_185, %lt3A_189 : vector<16xi1>
        %all_reduce_population_count3A_191 = tpu.all_reduce %and3A_190 {dim = 0 : i64, kind = #tpu.reduction_kind<sum>} : vector<16xi1> -> vector<16xi32>
        %slice3A_192 = vector.extract_strided_slice %all_reduce_population_count3A_191 {offsets = [0], sizes = [1], strides = [1]} : vector<16xi32> to vector<1xi32>
        %squeeze3A_193 = vector.extract %slice3A_192[0] : i32 from vector<1xi32>
        %add3A_194 = vector.broadcast %mul3A_181 : i32 to vector<16xi32>
        %add3A_195 = arith.addi %add3A_194, %iota3A : vector<16xi32>
        %swap3A_196 = arith.index_cast %add3A_175 : i32 to index
        %swap3A_197 = tpu.vector_load %arg7[%swap3A_196] masked %and3A_190 {strides = array<i32>} : memref<4128xi32, #tpu.memory_space<vmem>>, vector<16xi32>, vector<16xi1>
        tpu.vector_store %arg7[%swap3A_196], %add3A_195 masked %and3A_190 {strides = array<i32>} : memref<4128xi32, #tpu.memory_space<vmem>>, vector<16xi32>, vector<16xi1>
        %add3A_198 = arith.addi %add3A_175, %squeeze3A_193 : i32
        %mul3A_199 = arith.constant 4 : i32
        %mul3A_200 = arith.muli %scan3A_134, %mul3A_199 : i32
        %add3A_201 = arith.constant 3 : i32
        %add3A_202 = arith.addi %mul3A_200, %add3A_201 : i32
        %mul3A_203 = arith.constant 16 : i32
        %mul3A_204 = arith.muli %add3A_202, %mul3A_203 : i32
        %get3A_205 = arith.index_cast %mul3A_204 : i32 to index
        %get3A_206 = tpu.vector_load %arg6[%get3A_205] {strides = array<i32>} : memref<4096xi32, #tpu.memory_space<vmem>>, vector<16xi32>,
        %ge3A_207 = vector.broadcast %mul3A_0 : i32 to vector<16xi32>
        %ge3A_208 = arith.cmpi sge, %get3A_206, %ge3A_207 : vector<16xi32>
        %add3A_209 = arith.constant 6250 : i32
        %add3A_210 = arith.addi %mul3A_0, %add3A_209 : i32
        %lt3A_211 = vector.broadcast %add3A_210 : i32 to vector<16xi32>
        %lt3A_212 = arith.cmpi slt, %get3A_206, %lt3A_211 : vector<16xi32>
        %and3A_213 = arith.andi %ge3A_208, %lt3A_212 : vector<16xi1>
        %all_reduce_population_count3A_214 = tpu.all_reduce %and3A_213 {dim = 0 : i64, kind = #tpu.reduction_kind<sum>} : vector<16xi1> -> vector<16xi32>
        %slice3A_215 = vector.extract_strided_slice %all_reduce_population_count3A_214 {offsets = [0], sizes = [1], strides = [1]} : vector<16xi32> to vector<1xi32>
        %squeeze3A_216 = vector.extract %slice3A_215[0] : i32 from vector<1xi32>
        %add3A_217 = vector.broadcast %mul3A_204 : i32 to vector<16xi32>
        %add3A_218 = arith.addi %add3A_217, %iota3A : vector<16xi32>
        %swap3A_219 = arith.index_cast %add3A_198 : i32 to index
        %swap3A_220 = tpu.vector_load %arg7[%swap3A_219] masked %and3A_213 {strides = array<i32>} : memref<4128xi32, #tpu.memory_space<vmem>>, vector<16xi32>, vector<16xi1>
        tpu.vector_store %arg7[%swap3A_219], %add3A_218 masked %and3A_213 {strides = array<i32>} : memref<4128xi32, #tpu.memory_space<vmem>>, vector<16xi32>, vector<16xi1>
        %add3A_221 = arith.addi %add3A_198, %squeeze3A_216 : i32
        scf.yield %add3A_221 : i32
      }
      %scan3A_63 = arith.constant 64 : i32
      %dma_wait3A = arith.constant 0 : i32
      %dma_wait3A_64 = arith.constant 0 : i32
      %dma_wait3A_65 = tpu.memref_slice %arg5[%dma_wait3A, %dma_wait3A_64] : memref<16x6432xf32, #tpu.memory_space<vmem>> -> memref<16x6400xf32, #tpu.memory_space<vmem>>
      %dma_wait3A_66 = arith.constant 0 : i32
      %dma_wait3A_67 = tpu.memref_slice %arg2[%add3A, %dma_wait3A_66, %multiple_of3A] : memref<26x16x100000xf32, #tpu.memory_space<hbm>> -> memref<1x16x6400xf32, #tpu.memory_space<hbm>>
      %dma_wait3A_68 = tpu.memref_squeeze %dma_wait3A_67 : memref<1x16x6400xf32, #tpu.memory_space<hbm>> -> memref<16x6400xf32, #tpu.memory_space<hbm>>
      %dma_wait3A_69 = arith.constant 0 : i32
      %dma_wait3A_70 = arith.constant 0 : i32
      %dma_wait3A_71 = tpu.memref_slice %arg5[%dma_wait3A_69, %dma_wait3A_70] : memref<16x6432xf32, #tpu.memory_space<vmem>> -> memref<16x6400xf32, #tpu.memory_space<vmem>>
      %dma_wait3A_72 = arith.constant 0 : i32
      %dma_wait3A_73 = tpu.memref_slice %arg2[%add3A, %dma_wait3A_72, %multiple_of3A] : memref<26x16x100000xf32, #tpu.memory_space<hbm>> -> memref<1x16x6400xf32, #tpu.memory_space<hbm>>
      %dma_wait3A_74 = tpu.memref_squeeze %dma_wait3A_73 : memref<1x16x6400xf32, #tpu.memory_space<hbm>> -> memref<16x6400xf32, #tpu.memory_space<hbm>>
      tpu.wait_dma2 semaphore(%arg12 : memref<!tpu.dma_semaphore, #tpu.memory_space<semaphore_mem>>) src(%dma_wait3A_74 : memref<16x6400xf32, #tpu.memory_space<hbm>>) dst(%dma_wait3A_71 : memref<16x6400xf32, #tpu.memory_space<vmem>>)
      %eq3A_75 = arith.constant 15 : i32
      %eq3A_76 = arith.cmpi eq, %arg1, %eq3A_75 : i32
      %convert_element_type3A_77 = arith.extui %eq3A_76 : i1 to i32
      %cond3A_78 = arith.constant 0 : i32
      %cond3A_79 = arith.cmpi ne, %convert_element_type3A_77, %cond3A_78 : i32
      scf.if %cond3A_79 {
        "tpu.region"() ({
          %run_scoped3A = tpu.sem_alloc : memref<!tpu.dma_semaphore, #tpu.memory_space<semaphore_mem>>
          %dma_start3A_134 = arith.constant 0 : i32
          %dma_start3A_135 = arith.constant 6400 : i32
          %dma_start3A_136 = tpu.memref_slice %arg5[%dma_start3A_134, %dma_start3A_135] : memref<16x6432xf32, #tpu.memory_space<vmem>> -> memref<16x32xf32, #tpu.memory_space<vmem>>
          %dma_start3A_137 = arith.constant 0 : i32
          %dma_start3A_138 = arith.constant 99968 : i32
          %dma_start3A_139 = tpu.memref_slice %arg2[%add3A, %dma_start3A_137, %dma_start3A_138] : memref<26x16x100000xf32, #tpu.memory_space<hbm>> -> memref<1x16x32xf32, #tpu.memory_space<hbm>>
          %dma_start3A_140 = tpu.memref_squeeze %dma_start3A_139 : memref<1x16x32xf32, #tpu.memory_space<hbm>> -> memref<16x32xf32, #tpu.memory_space<hbm>>
          %dma_start3A_141 = arith.constant 0 : i32
          %dma_start3A_142 = arith.constant 6400 : i32
          %dma_start3A_143 = tpu.memref_slice %arg5[%dma_start3A_141, %dma_start3A_142] : memref<16x6432xf32, #tpu.memory_space<vmem>> -> memref<16x32xf32, #tpu.memory_space<vmem>>
          %dma_start3A_144 = arith.constant 0 : i32
          %dma_start3A_145 = arith.constant 99968 : i32
          %dma_start3A_146 = tpu.memref_slice %arg2[%add3A, %dma_start3A_144, %dma_start3A_145] : memref<26x16x100000xf32, #tpu.memory_space<hbm>> -> memref<1x16x32xf32, #tpu.memory_space<hbm>>
          %dma_start3A_147 = tpu.memref_squeeze %dma_start3A_146 : memref<1x16x32xf32, #tpu.memory_space<hbm>> -> memref<16x32xf32, #tpu.memory_space<hbm>>
          tpu.enqueue_dma source(%dma_start3A_147 : memref<16x32xf32, #tpu.memory_space<hbm>>) target(%dma_start3A_143 : memref<16x32xf32, #tpu.memory_space<vmem>>) target_semaphore(%run_scoped3A : memref<!tpu.dma_semaphore, #tpu.memory_space<semaphore_mem>>)
          %dma_wait3A_148 = arith.constant 0 : i32
          %dma_wait3A_149 = arith.constant 6400 : i32
          %dma_wait3A_150 = tpu.memref_slice %arg5[%dma_wait3A_148, %dma_wait3A_149] : memref<16x6432xf32, #tpu.memory_space<vmem>> -> memref<16x32xf32, #tpu.memory_space<vmem>>
          %dma_wait3A_151 = arith.constant 0 : i32
          %dma_wait3A_152 = arith.constant 99968 : i32
          %dma_wait3A_153 = tpu.memref_slice %arg2[%add3A, %dma_wait3A_151, %dma_wait3A_152] : memref<26x16x100000xf32, #tpu.memory_space<hbm>> -> memref<1x16x32xf32, #tpu.memory_space<hbm>>
          %dma_wait3A_154 = tpu.memref_squeeze %dma_wait3A_153 : memref<1x16x32xf32, #tpu.memory_space<hbm>> -> memref<16x32xf32, #tpu.memory_space<hbm>>
          %dma_wait3A_155 = arith.constant 0 : i32
          %dma_wait3A_156 = arith.constant 6400 : i32
          %dma_wait3A_157 = tpu.memref_slice %arg5[%dma_wait3A_155, %dma_wait3A_156] : memref<16x6432xf32, #tpu.memory_space<vmem>> -> memref<16x32xf32, #tpu.memory_space<vmem>>
          %dma_wait3A_158 = arith.constant 0 : i32
          %dma_wait3A_159 = arith.constant 99968 : i32
          %dma_wait3A_160 = tpu.memref_slice %arg2[%add3A, %dma_wait3A_158, %dma_wait3A_159] : memref<26x16x100000xf32, #tpu.memory_space<hbm>> -> memref<1x16x32xf32, #tpu.memory_space<hbm>>
          %dma_wait3A_161 = tpu.memref_squeeze %dma_wait3A_160 : memref<1x16x32xf32, #tpu.memory_space<hbm>> -> memref<16x32xf32, #tpu.memory_space<hbm>>
          tpu.wait_dma2 semaphore(%run_scoped3A : memref<!tpu.dma_semaphore, #tpu.memory_space<semaphore_mem>>) src(%dma_wait3A_161 : memref<16x32xf32, #tpu.memory_space<hbm>>) dst(%dma_wait3A_157 : memref<16x32xf32, #tpu.memory_space<vmem>>)
          tpu.yield
        }) : () -> ()
      } else {
      }
      %add3A_80 = arith.constant 64 : i32
      %add3A_81 = arith.addi %scan3A_62, %add3A_80 : i32
      %sub3A_82 = arith.constant 1 : i32
      %sub3A_83 = arith.subi %add3A_81, %sub3A_82 : i32
      %jit3A_84 = arith.constant 64 : i32
      %div3A_85 = arith.divsi %sub3A_83, %jit3A_84 : i32
      %sign3A_86 = arith.constant 0 : i32
      %sign3A_87 = arith.cmpi sgt, %sub3A_83, %sign3A_86 : i32
      %sign3A_88 = arith.extui %sign3A_87 : i1 to i32
      %sign3A_89 = arith.constant 0 : i32
      %sign3A_90 = arith.cmpi slt, %sub3A_83, %sign3A_89 : i32
      %sign3A_91 = arith.extui %sign3A_90 : i1 to i32
      %sign3A_92 = arith.subi %sign3A_88, %sign3A_91 : i32
      %sign3A_93 = arith.constant 0 : i32
      %sign3A_94 = arith.cmpi sgt, %jit3A_84, %sign3A_93 : i32
      %sign3A_95 = arith.extui %sign3A_94 : i1 to i32
      %sign3A_96 = arith.constant 0 : i32
      %sign3A_97 = arith.cmpi slt, %jit3A_84, %sign3A_96 : i32
      %sign3A_98 = arith.extui %sign3A_97 : i1 to i32
      %sign3A_99 = arith.subi %sign3A_95, %sign3A_98 : i32
      %ne3A_100 = arith.cmpi ne, %sign3A_92, %sign3A_99 : i32
      %rem3A_101 = arith.remsi %sub3A_83, %jit3A_84 : i32
      %ne3A_102 = arith.constant 0 : i32
      %ne3A_103 = arith.cmpi ne, %rem3A_101, %ne3A_102 : i32
      %and3A_104 = arith.andi %ne3A_100, %ne3A_103 : i1
      %sub3A_105 = arith.constant 1 : i32
      %sub3A_106 = arith.subi %div3A_85, %sub3A_105 : i32
      %select_n3A_107 = arith.select %and3A_104, %sub3A_106, %div3A_85 : i32
      %while3A = arith.constant 0 : i32
      %while3A_108 = arith.subi %select_n3A_107, %while3A : i32
      %while3A_109 = arith.addi %while3A, %while3A_108 : i32
      %while3A_110 = arith.constant 1 : i32
      %while3A_111 = arith.divsi %while3A_108, %while3A_110 : i32
      %while3A_112 = arith.muli %while3A_111, %while3A_110 : i32
      %while3A_113 = arith.addi %while3A, %while3A_112 : i32
      %while3A_114 = arith.constant 1 : i32
      %while3A_115:2 = scf.for %while3A_134 = %while3A to %while3A_113 step %while3A_114 iter_args(%while3A_135 = %scan3A_40, %while3A_136 = %scan3A_41) -> (i32, i32)  : i32 {
        %add3A_137 = arith.addi %scan3A_39, %while3A_134 : i32
        %jit3A_138 = arith.constant 2 : i32
        %eq3A_139 = arith.constant 0 : i32
        %eq3A_140 = arith.cmpi eq, %jit3A_138, %eq3A_139 : i32
        %jit3A_141 = arith.constant 1 : i32
        %select_n3A_142 = arith.select %eq3A_140, %jit3A_141, %jit3A_138 : i32
        %rem3A_143 = arith.remsi %add3A_137, %select_n3A_142 : i32
        %ne3A_144 = arith.constant 0 : i32
        %ne3A_145 = arith.cmpi ne, %rem3A_143, %ne3A_144 : i32
        %lt3A_146 = arith.constant 0 : i32
        %lt3A_147 = arith.cmpi slt, %rem3A_143, %lt3A_146 : i32
        %lt3A_148 = arith.constant 0 : i32
        %lt3A_149 = arith.cmpi slt, %select_n3A_142, %lt3A_148 : i32
        %ne3A_150 = arith.xori %lt3A_147, %lt3A_149 : i1
        %and3A_151 = arith.andi %ne3A_150, %ne3A_145 : i1
        %add3A_152 = arith.addi %rem3A_143, %select_n3A_142 : i32
        %select_n3A_153 = arith.select %and3A_151, %add3A_152, %rem3A_143 : i32
        %eq3A_154 = arith.constant 0 : i32
        %eq3A_155 = arith.cmpi eq, %select_n3A_153, %eq3A_154 : i32
        %eq3A_156 = arith.constant 1 : i32
        %eq3A_157 = arith.cmpi eq, %while3A_135, %eq3A_156 : i32
        %and3A_158 = arith.andi %eq3A_155, %eq3A_157 : i1
        %convert_element_type3A_159 = arith.extui %and3A_158 : i1 to i32
        %cond3A_160 = arith.constant 0 : i32
        %cond3A_161 = arith.cmpi ne, %convert_element_type3A_159, %cond3A_160 : i32
        scf.if %cond3A_161 {
          %dma_wait3A_755 = arith.constant 0 : i32
          %dma_wait3A_756 = arith.constant 0 : i32
          %dma_wait3A_757 = arith.constant 0 : i32
          %dma_wait3A_758 = arith.constant 0 : i32
          %dma_wait3A_759 = tpu.memref_slice %arg8[%dma_wait3A_755, %dma_wait3A_757, %dma_wait3A_758] : memref<2x64x128xf32, #tpu.memory_space<vmem>> -> memref<1x64x128xf32, #tpu.memory_space<vmem>>
          %dma_wait3A_760 = tpu.memref_squeeze %dma_wait3A_759 : memref<1x64x128xf32, #tpu.memory_space<vmem>> -> memref<64x128xf32, #tpu.memory_space<vmem>>
          %dma_wait3A_761 = arith.constant 0 : i32
          %dma_wait3A_762 = tpu.memref_slice %arg9[%dma_wait3A_756, %dma_wait3A_761] : memref<2x64xi32, #tpu.memory_space<vmem>> -> memref<1x64xi32, #tpu.memory_space<vmem>>
          %dma_wait3A_763 = tpu.memref_squeeze %dma_wait3A_762 : memref<1x64xi32, #tpu.memory_space<vmem>> -> memref<64xi32, #tpu.memory_space<vmem>>
          %dma_wait3A_764 = arith.constant 0 : i32
          %dma_wait3A_765 = arith.constant 0 : i32
          %dma_wait3A_766 = tpu.memref_slice %arg4[%dma_wait3A_764, %dma_wait3A_765] : memref<106496x128xf32, #tpu.memory_space<hbm>> -> memref<106496x128xf32, #tpu.memory_space<hbm>>
          tpu.wait_indirect_dma semaphore(%arg10 : memref<!tpu.dma_semaphore, #tpu.memory_space<semaphore_mem>>) src(%dma_wait3A_760 : memref<64x128xf32, #tpu.memory_space<vmem>>) dst(%dma_wait3A_766 : memref<106496x128xf32, #tpu.memory_space<hbm>>)
        } else {
        }
        %eq3A_162 = arith.constant 1 : i32
        %eq3A_163 = arith.cmpi eq, %select_n3A_153, %eq3A_162 : i32
        %eq3A_164 = arith.constant 1 : i32
        %eq3A_165 = arith.cmpi eq, %while3A_136, %eq3A_164 : i32
        %and3A_166 = arith.andi %eq3A_163, %eq3A_165 : i1
        %convert_element_type3A_167 = arith.extui %and3A_166 : i1 to i32
        %cond3A_168 = arith.constant 0 : i32
        %cond3A_169 = arith.cmpi ne, %convert_element_type3A_167, %cond3A_168 : i32
        scf.if %cond3A_169 {
          %dma_wait3A_755 = arith.constant 1 : i32
          %dma_wait3A_756 = arith.constant 1 : i32
          %dma_wait3A_757 = arith.constant 0 : i32
          %dma_wait3A_758 = arith.constant 0 : i32
          %dma_wait3A_759 = tpu.memref_slice %arg8[%dma_wait3A_755, %dma_wait3A_757, %dma_wait3A_758] : memref<2x64x128xf32, #tpu.memory_space<vmem>> -> memref<1x64x128xf32, #tpu.memory_space<vmem>>
          %dma_wait3A_760 = tpu.memref_squeeze %dma_wait3A_759 : memref<1x64x128xf32, #tpu.memory_space<vmem>> -> memref<64x128xf32, #tpu.memory_space<vmem>>
          %dma_wait3A_761 = arith.constant 0 : i32
          %dma_wait3A_762 = tpu.memref_slice %arg9[%dma_wait3A_756, %dma_wait3A_761] : memref<2x64xi32, #tpu.memory_space<vmem>> -> memref<1x64xi32, #tpu.memory_space<vmem>>
          %dma_wait3A_763 = tpu.memref_squeeze %dma_wait3A_762 : memref<1x64xi32, #tpu.memory_space<vmem>> -> memref<64xi32, #tpu.memory_space<vmem>>
          %dma_wait3A_764 = arith.constant 0 : i32
          %dma_wait3A_765 = arith.constant 0 : i32
          %dma_wait3A_766 = tpu.memref_slice %arg4[%dma_wait3A_764, %dma_wait3A_765] : memref<106496x128xf32, #tpu.memory_space<hbm>> -> memref<106496x128xf32, #tpu.memory_space<hbm>>
          tpu.wait_indirect_dma semaphore(%arg11 : memref<!tpu.dma_semaphore, #tpu.memory_space<semaphore_mem>>) src(%dma_wait3A_760 : memref<64x128xf32, #tpu.memory_space<vmem>>) dst(%dma_wait3A_766 : memref<106496x128xf32, #tpu.memory_space<hbm>>)
        } else {
        }
        %mul3A_170 = arith.constant 64 : i32
        %mul3A_171 = arith.muli %while3A_134, %mul3A_170 : i32
        %get3A = arith.index_cast %mul3A_171 : i32 to index
        %get3A_172 = tpu.vector_load %arg7[%get3A] {strides = array<i32>} : memref<4128xi32, #tpu.memory_space<vmem>>, vector<16xi32>,
        %slice3A = vector.extract_strided_slice %get3A_172 {offsets = [0], sizes = [1], strides = [1]} : vector<16xi32> to vector<1xi32>
        %squeeze3A = vector.extract %slice3A[0] : i32 from vector<1xi32>
        %mul3A_173 = arith.constant 64 : i32
        %mul3A_174 = arith.muli %while3A_134, %mul3A_173 : i32
        %add3A_175 = arith.constant 0 : i32
        %add3A_176 = arith.addi %mul3A_174, %add3A_175 : i32
        %add3A_177 = vector.broadcast %add3A_176 : i32 to vector<16xi32>
        %add3A_178 = arith.addi %add3A_177, %iota3A : vector<16xi32>
        %lt3A_179 = vector.broadcast %scan3A_62 : i32 to vector<16xi32>
        %lt3A_180 = arith.cmpi slt, %add3A_178, %lt3A_179 : vector<16xi32>
        %mul3A_181 = arith.constant 64 : i32
        %mul3A_182 = arith.muli %while3A_134, %mul3A_181 : i32
        %add3A_183 = arith.constant 0 : i32
        %add3A_184 = arith.addi %mul3A_182, %add3A_183 : i32
        %get3A_185 = arith.index_cast %add3A_184 : i32 to index
        %get3A_186 = tpu.vector_load %arg7[%get3A_185] {strides = array<i32>} : memref<4128xi32, #tpu.memory_space<vmem>>, vector<16xi32>,
        %broadcast_in_dim3A = vector.broadcast %squeeze3A : i32 to vector<16xi32>
        %select_n3A_187 = arith.select %lt3A_180, %get3A_186, %broadcast_in_dim3A : vector<16xi1>, vector<16xi32>
        %gather3A = tpu.vector_load_idx %arg6[%select_n3A_187] : memref<4096xi32, #tpu.memory_space<vmem>>[vector<16xi32>], vector<16xi32>,
        %sub3A_188 = vector.broadcast %multiple_of3A : i32 to vector<16xi32>
        %sub3A_189 = arith.subi %gather3A, %sub3A_188 : vector<16xi32>
        %add3A_190 = arith.constant 0 : i32
        %add3A_191 = vector.broadcast %add3A_190 : i32 to vector<16xi32>
        %add3A_192 = arith.addi %add3A_191, %iota3A : vector<16xi32>
        %broadcast_in_dim3A_193 = arith.constant 0 : i32
        %broadcast_in_dim3A_194 = vector.broadcast %broadcast_in_dim3A_193 : i32 to vector<16xi32>
        %gather3A_195 = tpu.vector_load_idx %arg5[%broadcast_in_dim3A_194, %sub3A_189] : memref<16x6432xf32, #tpu.memory_space<vmem>>[vector<16xi32>, vector<16xi32>], vector<16xf32>,
        %scatter3A = arith.constant 0 : i32
        %scatter3A_196 = arith.constant 0 : i32
        %scatter3A_197 = tpu.memref_slice %arg8[%select_n3A_153, %scatter3A, %scatter3A_196] : memref<2x64x128xf32, #tpu.memory_space<vmem>> -> memref<1x64x128xf32, #tpu.memory_space<vmem>>
        %scatter3A_198 = tpu.memref_squeeze %scatter3A_197 : memref<1x64x128xf32, #tpu.memory_space<vmem>> -> memref<64x128xf32, #tpu.memory_space<vmem>>
        tpu.vector_store_idx %scatter3A_198[%add3A_192, %broadcast_in_dim3A_194], %gather3A_195 : memref<64x128xf32, #tpu.memory_space<vmem>>[vector<16xi32>, vector<16xi32>], vector<16xf32>,
        %broadcast_in_dim3A_199 = arith.constant 1 : i32
        %broadcast_in_dim3A_200 = vector.broadcast %broadcast_in_dim3A_199 : i32 to vector<16xi32>
        %gather3A_201 = tpu.vector_load_idx %arg5[%broadcast_in_dim3A_200, %sub3A_189] : memref<16x6432xf32, #tpu.memory_space<vmem>>[vector<16xi32>, vector<16xi32>], vector<16xf32>,
        %scatter3A_202 = arith.constant 0 : i32
        %scatter3A_203 = arith.constant 0 : i32
        %scatter3A_204 = tpu.memref_slice %arg8[%select_n3A_153, %scatter3A_202, %scatter3A_203] : memref<2x64x128xf32, #tpu.memory_space<vmem>> -> memref<1x64x128xf32, #tpu.memory_space<vmem>>
        %scatter3A_205 = tpu.memref_squeeze %scatter3A_204 : memref<1x64x128xf32, #tpu.memory_space<vmem>> -> memref<64x128xf32, #tpu.memory_space<vmem>>
        tpu.vector_store_idx %scatter3A_205[%add3A_192, %broadcast_in_dim3A_200], %gather3A_201 : memref<64x128xf32, #tpu.memory_space<vmem>>[vector<16xi32>, vector<16xi32>], vector<16xf32>,
        %broadcast_in_dim3A_206 = arith.constant 2 : i32
        %broadcast_in_dim3A_207 = vector.broadcast %broadcast_in_dim3A_206 : i32 to vector<16xi32>
        %gather3A_208 = tpu.vector_load_idx %arg5[%broadcast_in_dim3A_207, %sub3A_189] : memref<16x6432xf32, #tpu.memory_space<vmem>>[vector<16xi32>, vector<16xi32>], vector<16xf32>,
        %scatter3A_209 = arith.constant 0 : i32
        %scatter3A_210 = arith.constant 0 : i32
        %scatter3A_211 = tpu.memref_slice %arg8[%select_n3A_153, %scatter3A_209, %scatter3A_210] : memref<2x64x128xf32, #tpu.memory_space<vmem>> -> memref<1x64x128xf32, #tpu.memory_space<vmem>>
        %scatter3A_212 = tpu.memref_squeeze %scatter3A_211 : memref<1x64x128xf32, #tpu.memory_space<vmem>> -> memref<64x128xf32, #tpu.memory_space<vmem>>
        tpu.vector_store_idx %scatter3A_212[%add3A_192, %broadcast_in_dim3A_207], %gather3A_208 : memref<64x128xf32, #tpu.memory_space<vmem>>[vector<16xi32>, vector<16xi32>], vector<16xf32>,
        %broadcast_in_dim3A_213 = arith.constant 3 : i32
        %broadcast_in_dim3A_214 = vector.broadcast %broadcast_in_dim3A_213 : i32 to vector<16xi32>
        %gather3A_215 = tpu.vector_load_idx %arg5[%broadcast_in_dim3A_214, %sub3A_189] : memref<16x6432xf32, #tpu.memory_space<vmem>>[vector<16xi32>, vector<16xi32>], vector<16xf32>,
        %scatter3A_216 = arith.constant 0 : i32
        %scatter3A_217 = arith.constant 0 : i32
        %scatter3A_218 = tpu.memref_slice %arg8[%select_n3A_153, %scatter3A_216, %scatter3A_217] : memref<2x64x128xf32, #tpu.memory_space<vmem>> -> memref<1x64x128xf32, #tpu.memory_space<vmem>>
        %scatter3A_219 = tpu.memref_squeeze %scatter3A_218 : memref<1x64x128xf32, #tpu.memory_space<vmem>> -> memref<64x128xf32, #tpu.memory_space<vmem>>
        tpu.vector_store_idx %scatter3A_219[%add3A_192, %broadcast_in_dim3A_214], %gather3A_215 : memref<64x128xf32, #tpu.memory_space<vmem>>[vector<16xi32>, vector<16xi32>], vector<16xf32>,
        %broadcast_in_dim3A_220 = arith.constant 4 : i32
        %broadcast_in_dim3A_221 = vector.broadcast %broadcast_in_dim3A_220 : i32 to vector<16xi32>
        %gather3A_222 = tpu.vector_load_idx %arg5[%broadcast_in_dim3A_221, %sub3A_189] : memref<16x6432xf32, #tpu.memory_space<vmem>>[vector<16xi32>, vector<16xi32>], vector<16xf32>,
        %scatter3A_223 = arith.constant 0 : i32
        %scatter3A_224 = arith.constant 0 : i32
        %scatter3A_225 = tpu.memref_slice %arg8[%select_n3A_153, %scatter3A_223, %scatter3A_224] : memref<2x64x128xf32, #tpu.memory_space<vmem>> -> memref<1x64x128xf32, #tpu.memory_space<vmem>>
        %scatter3A_226 = tpu.memref_squeeze %scatter3A_225 : memref<1x64x128xf32, #tpu.memory_space<vmem>> -> memref<64x128xf32, #tpu.memory_space<vmem>>
        tpu.vector_store_idx %scatter3A_226[%add3A_192, %broadcast_in_dim3A_221], %gather3A_222 : memref<64x128xf32, #tpu.memory_space<vmem>>[vector<16xi32>, vector<16xi32>], vector<16xf32>,
        %broadcast_in_dim3A_227 = arith.constant 5 : i32
        %broadcast_in_dim3A_228 = vector.broadcast %broadcast_in_dim3A_227 : i32 to vector<16xi32>
        %gather3A_229 = tpu.vector_load_idx %arg5[%broadcast_in_dim3A_228, %sub3A_189] : memref<16x6432xf32, #tpu.memory_space<vmem>>[vector<16xi32>, vector<16xi32>], vector<16xf32>,
        %scatter3A_230 = arith.constant 0 : i32
        %scatter3A_231 = arith.constant 0 : i32
        %scatter3A_232 = tpu.memref_slice %arg8[%select_n3A_153, %scatter3A_230, %scatter3A_231] : memref<2x64x128xf32, #tpu.memory_space<vmem>> -> memref<1x64x128xf32, #tpu.memory_space<vmem>>
        %scatter3A_233 = tpu.memref_squeeze %scatter3A_232 : memref<1x64x128xf32, #tpu.memory_space<vmem>> -> memref<64x128xf32, #tpu.memory_space<vmem>>
        tpu.vector_store_idx %scatter3A_233[%add3A_192, %broadcast_in_dim3A_228], %gather3A_229 : memref<64x128xf32, #tpu.memory_space<vmem>>[vector<16xi32>, vector<16xi32>], vector<16xf32>,
        %broadcast_in_dim3A_234 = arith.constant 6 : i32
        %broadcast_in_dim3A_235 = vector.broadcast %broadcast_in_dim3A_234 : i32 to vector<16xi32>
        %gather3A_236 = tpu.vector_load_idx %arg5[%broadcast_in_dim3A_235, %sub3A_189] : memref<16x6432xf32, #tpu.memory_space<vmem>>[vector<16xi32>, vector<16xi32>], vector<16xf32>,
        %scatter3A_237 = arith.constant 0 : i32
        %scatter3A_238 = arith.constant 0 : i32
        %scatter3A_239 = tpu.memref_slice %arg8[%select_n3A_153, %scatter3A_237, %scatter3A_238] : memref<2x64x128xf32, #tpu.memory_space<vmem>> -> memref<1x64x128xf32, #tpu.memory_space<vmem>>
        %scatter3A_240 = tpu.memref_squeeze %scatter3A_239 : memref<1x64x128xf32, #tpu.memory_space<vmem>> -> memref<64x128xf32, #tpu.memory_space<vmem>>
        tpu.vector_store_idx %scatter3A_240[%add3A_192, %broadcast_in_dim3A_235], %gather3A_236 : memref<64x128xf32, #tpu.memory_space<vmem>>[vector<16xi32>, vector<16xi32>], vector<16xf32>,
        %broadcast_in_dim3A_241 = arith.constant 7 : i32
        %broadcast_in_dim3A_242 = vector.broadcast %broadcast_in_dim3A_241 : i32 to vector<16xi32>
        %gather3A_243 = tpu.vector_load_idx %arg5[%broadcast_in_dim3A_242, %sub3A_189] : memref<16x6432xf32, #tpu.memory_space<vmem>>[vector<16xi32>, vector<16xi32>], vector<16xf32>,
        %scatter3A_244 = arith.constant 0 : i32
        %scatter3A_245 = arith.constant 0 : i32
        %scatter3A_246 = tpu.memref_slice %arg8[%select_n3A_153, %scatter3A_244, %scatter3A_245] : memref<2x64x128xf32, #tpu.memory_space<vmem>> -> memref<1x64x128xf32, #tpu.memory_space<vmem>>
        %scatter3A_247 = tpu.memref_squeeze %scatter3A_246 : memref<1x64x128xf32, #tpu.memory_space<vmem>> -> memref<64x128xf32, #tpu.memory_space<vmem>>
        tpu.vector_store_idx %scatter3A_247[%add3A_192, %broadcast_in_dim3A_242], %gather3A_243 : memref<64x128xf32, #tpu.memory_space<vmem>>[vector<16xi32>, vector<16xi32>], vector<16xf32>,
        %broadcast_in_dim3A_248 = arith.constant 8 : i32
        %broadcast_in_dim3A_249 = vector.broadcast %broadcast_in_dim3A_248 : i32 to vector<16xi32>
        %gather3A_250 = tpu.vector_load_idx %arg5[%broadcast_in_dim3A_249, %sub3A_189] : memref<16x6432xf32, #tpu.memory_space<vmem>>[vector<16xi32>, vector<16xi32>], vector<16xf32>,
        %scatter3A_251 = arith.constant 0 : i32
        %scatter3A_252 = arith.constant 0 : i32
        %scatter3A_253 = tpu.memref_slice %arg8[%select_n3A_153, %scatter3A_251, %scatter3A_252] : memref<2x64x128xf32, #tpu.memory_space<vmem>> -> memref<1x64x128xf32, #tpu.memory_space<vmem>>
        %scatter3A_254 = tpu.memref_squeeze %scatter3A_253 : memref<1x64x128xf32, #tpu.memory_space<vmem>> -> memref<64x128xf32, #tpu.memory_space<vmem>>
        tpu.vector_store_idx %scatter3A_254[%add3A_192, %broadcast_in_dim3A_249], %gather3A_250 : memref<64x128xf32, #tpu.memory_space<vmem>>[vector<16xi32>, vector<16xi32>], vector<16xf32>,
        %broadcast_in_dim3A_255 = arith.constant 9 : i32
        %broadcast_in_dim3A_256 = vector.broadcast %broadcast_in_dim3A_255 : i32 to vector<16xi32>
        %gather3A_257 = tpu.vector_load_idx %arg5[%broadcast_in_dim3A_256, %sub3A_189] : memref<16x6432xf32, #tpu.memory_space<vmem>>[vector<16xi32>, vector<16xi32>], vector<16xf32>,
        %scatter3A_258 = arith.constant 0 : i32
        %scatter3A_259 = arith.constant 0 : i32
        %scatter3A_260 = tpu.memref_slice %arg8[%select_n3A_153, %scatter3A_258, %scatter3A_259] : memref<2x64x128xf32, #tpu.memory_space<vmem>> -> memref<1x64x128xf32, #tpu.memory_space<vmem>>
        %scatter3A_261 = tpu.memref_squeeze %scatter3A_260 : memref<1x64x128xf32, #tpu.memory_space<vmem>> -> memref<64x128xf32, #tpu.memory_space<vmem>>
        tpu.vector_store_idx %scatter3A_261[%add3A_192, %broadcast_in_dim3A_256], %gather3A_257 : memref<64x128xf32, #tpu.memory_space<vmem>>[vector<16xi32>, vector<16xi32>], vector<16xf32>,
        %broadcast_in_dim3A_262 = arith.constant 10 : i32
        %broadcast_in_dim3A_263 = vector.broadcast %broadcast_in_dim3A_262 : i32 to vector<16xi32>
        %gather3A_264 = tpu.vector_load_idx %arg5[%broadcast_in_dim3A_263, %sub3A_189] : memref<16x6432xf32, #tpu.memory_space<vmem>>[vector<16xi32>, vector<16xi32>], vector<16xf32>,
        %scatter3A_265 = arith.constant 0 : i32
        %scatter3A_266 = arith.constant 0 : i32
        %scatter3A_267 = tpu.memref_slice %arg8[%select_n3A_153, %scatter3A_265, %scatter3A_266] : memref<2x64x128xf32, #tpu.memory_space<vmem>> -> memref<1x64x128xf32, #tpu.memory_space<vmem>>
        %scatter3A_268 = tpu.memref_squeeze %scatter3A_267 : memref<1x64x128xf32, #tpu.memory_space<vmem>> -> memref<64x128xf32, #tpu.memory_space<vmem>>
        tpu.vector_store_idx %scatter3A_268[%add3A_192, %broadcast_in_dim3A_263], %gather3A_264 : memref<64x128xf32, #tpu.memory_space<vmem>>[vector<16xi32>, vector<16xi32>], vector<16xf32>,
        %broadcast_in_dim3A_269 = arith.constant 11 : i32
        %broadcast_in_dim3A_270 = vector.broadcast %broadcast_in_dim3A_269 : i32 to vector<16xi32>
        %gather3A_271 = tpu.vector_load_idx %arg5[%broadcast_in_dim3A_270, %sub3A_189] : memref<16x6432xf32, #tpu.memory_space<vmem>>[vector<16xi32>, vector<16xi32>], vector<16xf32>,
        %scatter3A_272 = arith.constant 0 : i32
        %scatter3A_273 = arith.constant 0 : i32
        %scatter3A_274 = tpu.memref_slice %arg8[%select_n3A_153, %scatter3A_272, %scatter3A_273] : memref<2x64x128xf32, #tpu.memory_space<vmem>> -> memref<1x64x128xf32, #tpu.memory_space<vmem>>
        %scatter3A_275 = tpu.memref_squeeze %scatter3A_274 : memref<1x64x128xf32, #tpu.memory_space<vmem>> -> memref<64x128xf32, #tpu.memory_space<vmem>>
        tpu.vector_store_idx %scatter3A_275[%add3A_192, %broadcast_in_dim3A_270], %gather3A_271 : memref<64x128xf32, #tpu.memory_space<vmem>>[vector<16xi32>, vector<16xi32>], vector<16xf32>,
        %broadcast_in_dim3A_276 = arith.constant 12 : i32
        %broadcast_in_dim3A_277 = vector.broadcast %broadcast_in_dim3A_276 : i32 to vector<16xi32>
        %gather3A_278 = tpu.vector_load_idx %arg5[%broadcast_in_dim3A_277, %sub3A_189] : memref<16x6432xf32, #tpu.memory_space<vmem>>[vector<16xi32>, vector<16xi32>], vector<16xf32>,
        %scatter3A_279 = arith.constant 0 : i32
        %scatter3A_280 = arith.constant 0 : i32
        %scatter3A_281 = tpu.memref_slice %arg8[%select_n3A_153, %scatter3A_279, %scatter3A_280] : memref<2x64x128xf32, #tpu.memory_space<vmem>> -> memref<1x64x128xf32, #tpu.memory_space<vmem>>
        %scatter3A_282 = tpu.memref_squeeze %scatter3A_281 : memref<1x64x128xf32, #tpu.memory_space<vmem>> -> memref<64x128xf32, #tpu.memory_space<vmem>>
        tpu.vector_store_idx %scatter3A_282[%add3A_192, %broadcast_in_dim3A_277], %gather3A_278 : memref<64x128xf32, #tpu.memory_space<vmem>>[vector<16xi32>, vector<16xi32>], vector<16xf32>,
        %broadcast_in_dim3A_283 = arith.constant 13 : i32
        %broadcast_in_dim3A_284 = vector.broadcast %broadcast_in_dim3A_283 : i32 to vector<16xi32>
        %gather3A_285 = tpu.vector_load_idx %arg5[%broadcast_in_dim3A_284, %sub3A_189] : memref<16x6432xf32, #tpu.memory_space<vmem>>[vector<16xi32>, vector<16xi32>], vector<16xf32>,
        %scatter3A_286 = arith.constant 0 : i32
        %scatter3A_287 = arith.constant 0 : i32
        %scatter3A_288 = tpu.memref_slice %arg8[%select_n3A_153, %scatter3A_286, %scatter3A_287] : memref<2x64x128xf32, #tpu.memory_space<vmem>> -> memref<1x64x128xf32, #tpu.memory_space<vmem>>
        %scatter3A_289 = tpu.memref_squeeze %scatter3A_288 : memref<1x64x128xf32, #tpu.memory_space<vmem>> -> memref<64x128xf32, #tpu.memory_space<vmem>>
        tpu.vector_store_idx %scatter3A_289[%add3A_192, %broadcast_in_dim3A_284], %gather3A_285 : memref<64x128xf32, #tpu.memory_space<vmem>>[vector<16xi32>, vector<16xi32>], vector<16xf32>,
        %broadcast_in_dim3A_290 = arith.constant 14 : i32
        %broadcast_in_dim3A_291 = vector.broadcast %broadcast_in_dim3A_290 : i32 to vector<16xi32>
        %gather3A_292 = tpu.vector_load_idx %arg5[%broadcast_in_dim3A_291, %sub3A_189] : memref<16x6432xf32, #tpu.memory_space<vmem>>[vector<16xi32>, vector<16xi32>], vector<16xf32>,
        %scatter3A_293 = arith.constant 0 : i32
        %scatter3A_294 = arith.constant 0 : i32
        %scatter3A_295 = tpu.memref_slice %arg8[%select_n3A_153, %scatter3A_293, %scatter3A_294] : memref<2x64x128xf32, #tpu.memory_space<vmem>> -> memref<1x64x128xf32, #tpu.memory_space<vmem>>
        %scatter3A_296 = tpu.memref_squeeze %scatter3A_295 : memref<1x64x128xf32, #tpu.memory_space<vmem>> -> memref<64x128xf32, #tpu.memory_space<vmem>>
        tpu.vector_store_idx %scatter3A_296[%add3A_192, %broadcast_in_dim3A_291], %gather3A_292 : memref<64x128xf32, #tpu.memory_space<vmem>>[vector<16xi32>, vector<16xi32>], vector<16xf32>,
        %broadcast_in_dim3A_297 = arith.constant 15 : i32
        %broadcast_in_dim3A_298 = vector.broadcast %broadcast_in_dim3A_297 : i32 to vector<16xi32>
        %gather3A_299 = tpu.vector_load_idx %arg5[%broadcast_in_dim3A_298, %sub3A_189] : memref<16x6432xf32, #tpu.memory_space<vmem>>[vector<16xi32>, vector<16xi32>], vector<16xf32>,
        %scatter3A_300 = arith.constant 0 : i32
        %scatter3A_301 = arith.constant 0 : i32
        %scatter3A_302 = tpu.memref_slice %arg8[%select_n3A_153, %scatter3A_300, %scatter3A_301] : memref<2x64x128xf32, #tpu.memory_space<vmem>> -> memref<1x64x128xf32, #tpu.memory_space<vmem>>
        %scatter3A_303 = tpu.memref_squeeze %scatter3A_302 : memref<1x64x128xf32, #tpu.memory_space<vmem>> -> memref<64x128xf32, #tpu.memory_space<vmem>>
        tpu.vector_store_idx %scatter3A_303[%add3A_192, %broadcast_in_dim3A_298], %gather3A_299 : memref<64x128xf32, #tpu.memory_space<vmem>>[vector<16xi32>, vector<16xi32>], vector<16xf32>,
        %mul3A_304 = arith.constant 26 : i32
        %mul3A_305 = vector.broadcast %mul3A_304 : i32 to vector<16xi32>
        %mul3A_306 = arith.muli %select_n3A_187, %mul3A_305 : vector<16xi32>
        %add3A_307 = vector.broadcast %add3A : i32 to vector<16xi32>
        %add3A_308 = arith.addi %mul3A_306, %add3A_307 : vector<16xi32>
        %swap3A = arith.index_cast %select_n3A_153 : i32 to index
        %swap3A_309 = arith.constant 0 : index
        %swap3A_310 = tpu.vector_load %arg9[%swap3A, %swap3A_309] {strides = array<i32>} : memref<2x64xi32, #tpu.memory_space<vmem>>, vector<16xi32>,
        tpu.vector_store %arg9[%swap3A, %swap3A_309], %add3A_308 {strides = array<i32>} : memref<2x64xi32, #tpu.memory_space<vmem>>, vector<16xi32>,
        %mul3A_311 = arith.constant 64 : i32
        %mul3A_312 = arith.muli %while3A_134, %mul3A_311 : i32
        %add3A_313 = arith.constant 16 : i32
        %add3A_314 = arith.addi %mul3A_312, %add3A_313 : i32
        %add3A_315 = vector.broadcast %add3A_314 : i32 to vector<16xi32>
        %add3A_316 = arith.addi %add3A_315, %iota3A : vector<16xi32>
        %lt3A_317 = vector.broadcast %scan3A_62 : i32 to vector<16xi32>
        %lt3A_318 = arith.cmpi slt, %add3A_316, %lt3A_317 : vector<16xi32>
        %mul3A_319 = arith.constant 64 : i32
        %mul3A_320 = arith.muli %while3A_134, %mul3A_319 : i32
        %add3A_321 = arith.constant 16 : i32
        %add3A_322 = arith.addi %mul3A_320, %add3A_321 : i32
        %get3A_323 = arith.index_cast %add3A_322 : i32 to index
        %get3A_324 = tpu.vector_load %arg7[%get3A_323] {strides = array<i32>} : memref<4128xi32, #tpu.memory_space<vmem>>, vector<16xi32>,
        %broadcast_in_dim3A_325 = vector.broadcast %squeeze3A : i32 to vector<16xi32>
        %select_n3A_326 = arith.select %lt3A_318, %get3A_324, %broadcast_in_dim3A_325 : vector<16xi1>, vector<16xi32>
        %gather3A_327 = tpu.vector_load_idx %arg6[%select_n3A_326] : memref<4096xi32, #tpu.memory_space<vmem>>[vector<16xi32>], vector<16xi32>,
        %sub3A_328 = vector.broadcast %multiple_of3A : i32 to vector<16xi32>
        %sub3A_329 = arith.subi %gather3A_327, %sub3A_328 : vector<16xi32>
        %add3A_330 = arith.constant 16 : i32
        %add3A_331 = vector.broadcast %add3A_330 : i32 to vector<16xi32>
        %add3A_332 = arith.addi %add3A_331, %iota3A : vector<16xi32>
        %broadcast_in_dim3A_333 = arith.constant 0 : i32
        %broadcast_in_dim3A_334 = vector.broadcast %broadcast_in_dim3A_333 : i32 to vector<16xi32>
        %gather3A_335 = tpu.vector_load_idx %arg5[%broadcast_in_dim3A_334, %sub3A_329] : memref<16x6432xf32, #tpu.memory_space<vmem>>[vector<16xi32>, vector<16xi32>], vector<16xf32>,
        %scatter3A_336 = arith.constant 0 : i32
        %scatter3A_337 = arith.constant 0 : i32
        %scatter3A_338 = tpu.memref_slice %arg8[%select_n3A_153, %scatter3A_336, %scatter3A_337] : memref<2x64x128xf32, #tpu.memory_space<vmem>> -> memref<1x64x128xf32, #tpu.memory_space<vmem>>
        %scatter3A_339 = tpu.memref_squeeze %scatter3A_338 : memref<1x64x128xf32, #tpu.memory_space<vmem>> -> memref<64x128xf32, #tpu.memory_space<vmem>>
        tpu.vector_store_idx %scatter3A_339[%add3A_332, %broadcast_in_dim3A_334], %gather3A_335 : memref<64x128xf32, #tpu.memory_space<vmem>>[vector<16xi32>, vector<16xi32>], vector<16xf32>,
        %broadcast_in_dim3A_340 = arith.constant 1 : i32
        %broadcast_in_dim3A_341 = vector.broadcast %broadcast_in_dim3A_340 : i32 to vector<16xi32>
        %gather3A_342 = tpu.vector_load_idx %arg5[%broadcast_in_dim3A_341, %sub3A_329] : memref<16x6432xf32, #tpu.memory_space<vmem>>[vector<16xi32>, vector<16xi32>], vector<16xf32>,
        %scatter3A_343 = arith.constant 0 : i32
        %scatter3A_344 = arith.constant 0 : i32
        %scatter3A_345 = tpu.memref_slice %arg8[%select_n3A_153, %scatter3A_343, %scatter3A_344] : memref<2x64x128xf32, #tpu.memory_space<vmem>> -> memref<1x64x128xf32, #tpu.memory_space<vmem>>
        %scatter3A_346 = tpu.memref_squeeze %scatter3A_345 : memref<1x64x128xf32, #tpu.memory_space<vmem>> -> memref<64x128xf32, #tpu.memory_space<vmem>>
        tpu.vector_store_idx %scatter3A_346[%add3A_332, %broadcast_in_dim3A_341], %gather3A_342 : memref<64x128xf32, #tpu.memory_space<vmem>>[vector<16xi32>, vector<16xi32>], vector<16xf32>,
        %broadcast_in_dim3A_347 = arith.constant 2 : i32
        %broadcast_in_dim3A_348 = vector.broadcast %broadcast_in_dim3A_347 : i32 to vector<16xi32>
        %gather3A_349 = tpu.vector_load_idx %arg5[%broadcast_in_dim3A_348, %sub3A_329] : memref<16x6432xf32, #tpu.memory_space<vmem>>[vector<16xi32>, vector<16xi32>], vector<16xf32>,
        %scatter3A_350 = arith.constant 0 : i32
        %scatter3A_351 = arith.constant 0 : i32
        %scatter3A_352 = tpu.memref_slice %arg8[%select_n3A_153, %scatter3A_350, %scatter3A_351] : memref<2x64x128xf32, #tpu.memory_space<vmem>> -> memref<1x64x128xf32, #tpu.memory_space<vmem>>
        %scatter3A_353 = tpu.memref_squeeze %scatter3A_352 : memref<1x64x128xf32, #tpu.memory_space<vmem>> -> memref<64x128xf32, #tpu.memory_space<vmem>>
        tpu.vector_store_idx %scatter3A_353[%add3A_332, %broadcast_in_dim3A_348], %gather3A_349 : memref<64x128xf32, #tpu.memory_space<vmem>>[vector<16xi32>, vector<16xi32>], vector<16xf32>,
        %broadcast_in_dim3A_354 = arith.constant 3 : i32
        %broadcast_in_dim3A_355 = vector.broadcast %broadcast_in_dim3A_354 : i32 to vector<16xi32>
        %gather3A_356 = tpu.vector_load_idx %arg5[%broadcast_in_dim3A_355, %sub3A_329] : memref<16x6432xf32, #tpu.memory_space<vmem>>[vector<16xi32>, vector<16xi32>], vector<16xf32>,
        %scatter3A_357 = arith.constant 0 : i32
        %scatter3A_358 = arith.constant 0 : i32
        %scatter3A_359 = tpu.memref_slice %arg8[%select_n3A_153, %scatter3A_357, %scatter3A_358] : memref<2x64x128xf32, #tpu.memory_space<vmem>> -> memref<1x64x128xf32, #tpu.memory_space<vmem>>
        %scatter3A_360 = tpu.memref_squeeze %scatter3A_359 : memref<1x64x128xf32, #tpu.memory_space<vmem>> -> memref<64x128xf32, #tpu.memory_space<vmem>>
        tpu.vector_store_idx %scatter3A_360[%add3A_332, %broadcast_in_dim3A_355], %gather3A_356 : memref<64x128xf32, #tpu.memory_space<vmem>>[vector<16xi32>, vector<16xi32>], vector<16xf32>,
        %broadcast_in_dim3A_361 = arith.constant 4 : i32
        %broadcast_in_dim3A_362 = vector.broadcast %broadcast_in_dim3A_361 : i32 to vector<16xi32>
        %gather3A_363 = tpu.vector_load_idx %arg5[%broadcast_in_dim3A_362, %sub3A_329] : memref<16x6432xf32, #tpu.memory_space<vmem>>[vector<16xi32>, vector<16xi32>], vector<16xf32>,
        %scatter3A_364 = arith.constant 0 : i32
        %scatter3A_365 = arith.constant 0 : i32
        %scatter3A_366 = tpu.memref_slice %arg8[%select_n3A_153, %scatter3A_364, %scatter3A_365] : memref<2x64x128xf32, #tpu.memory_space<vmem>> -> memref<1x64x128xf32, #tpu.memory_space<vmem>>
        %scatter3A_367 = tpu.memref_squeeze %scatter3A_366 : memref<1x64x128xf32, #tpu.memory_space<vmem>> -> memref<64x128xf32, #tpu.memory_space<vmem>>
        tpu.vector_store_idx %scatter3A_367[%add3A_332, %broadcast_in_dim3A_362], %gather3A_363 : memref<64x128xf32, #tpu.memory_space<vmem>>[vector<16xi32>, vector<16xi32>], vector<16xf32>,
        %broadcast_in_dim3A_368 = arith.constant 5 : i32
        %broadcast_in_dim3A_369 = vector.broadcast %broadcast_in_dim3A_368 : i32 to vector<16xi32>
        %gather3A_370 = tpu.vector_load_idx %arg5[%broadcast_in_dim3A_369, %sub3A_329] : memref<16x6432xf32, #tpu.memory_space<vmem>>[vector<16xi32>, vector<16xi32>], vector<16xf32>,
        %scatter3A_371 = arith.constant 0 : i32
        %scatter3A_372 = arith.constant 0 : i32
        %scatter3A_373 = tpu.memref_slice %arg8[%select_n3A_153, %scatter3A_371, %scatter3A_372] : memref<2x64x128xf32, #tpu.memory_space<vmem>> -> memref<1x64x128xf32, #tpu.memory_space<vmem>>
        %scatter3A_374 = tpu.memref_squeeze %scatter3A_373 : memref<1x64x128xf32, #tpu.memory_space<vmem>> -> memref<64x128xf32, #tpu.memory_space<vmem>>
        tpu.vector_store_idx %scatter3A_374[%add3A_332, %broadcast_in_dim3A_369], %gather3A_370 : memref<64x128xf32, #tpu.memory_space<vmem>>[vector<16xi32>, vector<16xi32>], vector<16xf32>,
        %broadcast_in_dim3A_375 = arith.constant 6 : i32
        %broadcast_in_dim3A_376 = vector.broadcast %broadcast_in_dim3A_375 : i32 to vector<16xi32>
        %gather3A_377 = tpu.vector_load_idx %arg5[%broadcast_in_dim3A_376, %sub3A_329] : memref<16x6432xf32, #tpu.memory_space<vmem>>[vector<16xi32>, vector<16xi32>], vector<16xf32>,
        %scatter3A_378 = arith.constant 0 : i32
        %scatter3A_379 = arith.constant 0 : i32
        %scatter3A_380 = tpu.memref_slice %arg8[%select_n3A_153, %scatter3A_378, %scatter3A_379] : memref<2x64x128xf32, #tpu.memory_space<vmem>> -> memref<1x64x128xf32, #tpu.memory_space<vmem>>
        %scatter3A_381 = tpu.memref_squeeze %scatter3A_380 : memref<1x64x128xf32, #tpu.memory_space<vmem>> -> memref<64x128xf32, #tpu.memory_space<vmem>>
        tpu.vector_store_idx %scatter3A_381[%add3A_332, %broadcast_in_dim3A_376], %gather3A_377 : memref<64x128xf32, #tpu.memory_space<vmem>>[vector<16xi32>, vector<16xi32>], vector<16xf32>,
        %broadcast_in_dim3A_382 = arith.constant 7 : i32
        %broadcast_in_dim3A_383 = vector.broadcast %broadcast_in_dim3A_382 : i32 to vector<16xi32>
        %gather3A_384 = tpu.vector_load_idx %arg5[%broadcast_in_dim3A_383, %sub3A_329] : memref<16x6432xf32, #tpu.memory_space<vmem>>[vector<16xi32>, vector<16xi32>], vector<16xf32>,
        %scatter3A_385 = arith.constant 0 : i32
        %scatter3A_386 = arith.constant 0 : i32
        %scatter3A_387 = tpu.memref_slice %arg8[%select_n3A_153, %scatter3A_385, %scatter3A_386] : memref<2x64x128xf32, #tpu.memory_space<vmem>> -> memref<1x64x128xf32, #tpu.memory_space<vmem>>
        %scatter3A_388 = tpu.memref_squeeze %scatter3A_387 : memref<1x64x128xf32, #tpu.memory_space<vmem>> -> memref<64x128xf32, #tpu.memory_space<vmem>>
        tpu.vector_store_idx %scatter3A_388[%add3A_332, %broadcast_in_dim3A_383], %gather3A_384 : memref<64x128xf32, #tpu.memory_space<vmem>>[vector<16xi32>, vector<16xi32>], vector<16xf32>,
        %broadcast_in_dim3A_389 = arith.constant 8 : i32
        %broadcast_in_dim3A_390 = vector.broadcast %broadcast_in_dim3A_389 : i32 to vector<16xi32>
        %gather3A_391 = tpu.vector_load_idx %arg5[%broadcast_in_dim3A_390, %sub3A_329] : memref<16x6432xf32, #tpu.memory_space<vmem>>[vector<16xi32>, vector<16xi32>], vector<16xf32>,
        %scatter3A_392 = arith.constant 0 : i32
        %scatter3A_393 = arith.constant 0 : i32
        %scatter3A_394 = tpu.memref_slice %arg8[%select_n3A_153, %scatter3A_392, %scatter3A_393] : memref<2x64x128xf32, #tpu.memory_space<vmem>> -> memref<1x64x128xf32, #tpu.memory_space<vmem>>
        %scatter3A_395 = tpu.memref_squeeze %scatter3A_394 : memref<1x64x128xf32, #tpu.memory_space<vmem>> -> memref<64x128xf32, #tpu.memory_space<vmem>>
        tpu.vector_store_idx %scatter3A_395[%add3A_332, %broadcast_in_dim3A_390], %gather3A_391 : memref<64x128xf32, #tpu.memory_space<vmem>>[vector<16xi32>, vector<16xi32>], vector<16xf32>,
        %broadcast_in_dim3A_396 = arith.constant 9 : i32
        %broadcast_in_dim3A_397 = vector.broadcast %broadcast_in_dim3A_396 : i32 to vector<16xi32>
        %gather3A_398 = tpu.vector_load_idx %arg5[%broadcast_in_dim3A_397, %sub3A_329] : memref<16x6432xf32, #tpu.memory_space<vmem>>[vector<16xi32>, vector<16xi32>], vector<16xf32>,
        %scatter3A_399 = arith.constant 0 : i32
        %scatter3A_400 = arith.constant 0 : i32
        %scatter3A_401 = tpu.memref_slice %arg8[%select_n3A_153, %scatter3A_399, %scatter3A_400] : memref<2x64x128xf32, #tpu.memory_space<vmem>> -> memref<1x64x128xf32, #tpu.memory_space<vmem>>
        %scatter3A_402 = tpu.memref_squeeze %scatter3A_401 : memref<1x64x128xf32, #tpu.memory_space<vmem>> -> memref<64x128xf32, #tpu.memory_space<vmem>>
        tpu.vector_store_idx %scatter3A_402[%add3A_332, %broadcast_in_dim3A_397], %gather3A_398 : memref<64x128xf32, #tpu.memory_space<vmem>>[vector<16xi32>, vector<16xi32>], vector<16xf32>,
        %broadcast_in_dim3A_403 = arith.constant 10 : i32
        %broadcast_in_dim3A_404 = vector.broadcast %broadcast_in_dim3A_403 : i32 to vector<16xi32>
        %gather3A_405 = tpu.vector_load_idx %arg5[%broadcast_in_dim3A_404, %sub3A_329] : memref<16x6432xf32, #tpu.memory_space<vmem>>[vector<16xi32>, vector<16xi32>], vector<16xf32>,
        %scatter3A_406 = arith.constant 0 : i32
        %scatter3A_407 = arith.constant 0 : i32
        %scatter3A_408 = tpu.memref_slice %arg8[%select_n3A_153, %scatter3A_406, %scatter3A_407] : memref<2x64x128xf32, #tpu.memory_space<vmem>> -> memref<1x64x128xf32, #tpu.memory_space<vmem>>
        %scatter3A_409 = tpu.memref_squeeze %scatter3A_408 : memref<1x64x128xf32, #tpu.memory_space<vmem>> -> memref<64x128xf32, #tpu.memory_space<vmem>>
        tpu.vector_store_idx %scatter3A_409[%add3A_332, %broadcast_in_dim3A_404], %gather3A_405 : memref<64x128xf32, #tpu.memory_space<vmem>>[vector<16xi32>, vector<16xi32>], vector<16xf32>,
        %broadcast_in_dim3A_410 = arith.constant 11 : i32
        %broadcast_in_dim3A_411 = vector.broadcast %broadcast_in_dim3A_410 : i32 to vector<16xi32>
        %gather3A_412 = tpu.vector_load_idx %arg5[%broadcast_in_dim3A_411, %sub3A_329] : memref<16x6432xf32, #tpu.memory_space<vmem>>[vector<16xi32>, vector<16xi32>], vector<16xf32>,
        %scatter3A_413 = arith.constant 0 : i32
        %scatter3A_414 = arith.constant 0 : i32
        %scatter3A_415 = tpu.memref_slice %arg8[%select_n3A_153, %scatter3A_413, %scatter3A_414] : memref<2x64x128xf32, #tpu.memory_space<vmem>> -> memref<1x64x128xf32, #tpu.memory_space<vmem>>
        %scatter3A_416 = tpu.memref_squeeze %scatter3A_415 : memref<1x64x128xf32, #tpu.memory_space<vmem>> -> memref<64x128xf32, #tpu.memory_space<vmem>>
        tpu.vector_store_idx %scatter3A_416[%add3A_332, %broadcast_in_dim3A_411], %gather3A_412 : memref<64x128xf32, #tpu.memory_space<vmem>>[vector<16xi32>, vector<16xi32>], vector<16xf32>,
        %broadcast_in_dim3A_417 = arith.constant 12 : i32
        %broadcast_in_dim3A_418 = vector.broadcast %broadcast_in_dim3A_417 : i32 to vector<16xi32>
        %gather3A_419 = tpu.vector_load_idx %arg5[%broadcast_in_dim3A_418, %sub3A_329] : memref<16x6432xf32, #tpu.memory_space<vmem>>[vector<16xi32>, vector<16xi32>], vector<16xf32>,
        %scatter3A_420 = arith.constant 0 : i32
        %scatter3A_421 = arith.constant 0 : i32
        %scatter3A_422 = tpu.memref_slice %arg8[%select_n3A_153, %scatter3A_420, %scatter3A_421] : memref<2x64x128xf32, #tpu.memory_space<vmem>> -> memref<1x64x128xf32, #tpu.memory_space<vmem>>
        %scatter3A_423 = tpu.memref_squeeze %scatter3A_422 : memref<1x64x128xf32, #tpu.memory_space<vmem>> -> memref<64x128xf32, #tpu.memory_space<vmem>>
        tpu.vector_store_idx %scatter3A_423[%add3A_332, %broadcast_in_dim3A_418], %gather3A_419 : memref<64x128xf32, #tpu.memory_space<vmem>>[vector<16xi32>, vector<16xi32>], vector<16xf32>,
        %broadcast_in_dim3A_424 = arith.constant 13 : i32
        %broadcast_in_dim3A_425 = vector.broadcast %broadcast_in_dim3A_424 : i32 to vector<16xi32>
        %gather3A_426 = tpu.vector_load_idx %arg5[%broadcast_in_dim3A_425, %sub3A_329] : memref<16x6432xf32, #tpu.memory_space<vmem>>[vector<16xi32>, vector<16xi32>], vector<16xf32>,
        %scatter3A_427 = arith.constant 0 : i32
        %scatter3A_428 = arith.constant 0 : i32
        %scatter3A_429 = tpu.memref_slice %arg8[%select_n3A_153, %scatter3A_427, %scatter3A_428] : memref<2x64x128xf32, #tpu.memory_space<vmem>> -> memref<1x64x128xf32, #tpu.memory_space<vmem>>
        %scatter3A_430 = tpu.memref_squeeze %scatter3A_429 : memref<1x64x128xf32, #tpu.memory_space<vmem>> -> memref<64x128xf32, #tpu.memory_space<vmem>>
        tpu.vector_store_idx %scatter3A_430[%add3A_332, %broadcast_in_dim3A_425], %gather3A_426 : memref<64x128xf32, #tpu.memory_space<vmem>>[vector<16xi32>, vector<16xi32>], vector<16xf32>,
        %broadcast_in_dim3A_431 = arith.constant 14 : i32
        %broadcast_in_dim3A_432 = vector.broadcast %broadcast_in_dim3A_431 : i32 to vector<16xi32>
        %gather3A_433 = tpu.vector_load_idx %arg5[%broadcast_in_dim3A_432, %sub3A_329] : memref<16x6432xf32, #tpu.memory_space<vmem>>[vector<16xi32>, vector<16xi32>], vector<16xf32>,
        %scatter3A_434 = arith.constant 0 : i32
        %scatter3A_435 = arith.constant 0 : i32
        %scatter3A_436 = tpu.memref_slice %arg8[%select_n3A_153, %scatter3A_434, %scatter3A_435] : memref<2x64x128xf32, #tpu.memory_space<vmem>> -> memref<1x64x128xf32, #tpu.memory_space<vmem>>
        %scatter3A_437 = tpu.memref_squeeze %scatter3A_436 : memref<1x64x128xf32, #tpu.memory_space<vmem>> -> memref<64x128xf32, #tpu.memory_space<vmem>>
        tpu.vector_store_idx %scatter3A_437[%add3A_332, %broadcast_in_dim3A_432], %gather3A_433 : memref<64x128xf32, #tpu.memory_space<vmem>>[vector<16xi32>, vector<16xi32>], vector<16xf32>,
        %broadcast_in_dim3A_438 = arith.constant 15 : i32
        %broadcast_in_dim3A_439 = vector.broadcast %broadcast_in_dim3A_438 : i32 to vector<16xi32>
        %gather3A_440 = tpu.vector_load_idx %arg5[%broadcast_in_dim3A_439, %sub3A_329] : memref<16x6432xf32, #tpu.memory_space<vmem>>[vector<16xi32>, vector<16xi32>], vector<16xf32>,
        %scatter3A_441 = arith.constant 0 : i32
        %scatter3A_442 = arith.constant 0 : i32
        %scatter3A_443 = tpu.memref_slice %arg8[%select_n3A_153, %scatter3A_441, %scatter3A_442] : memref<2x64x128xf32, #tpu.memory_space<vmem>> -> memref<1x64x128xf32, #tpu.memory_space<vmem>>
        %scatter3A_444 = tpu.memref_squeeze %scatter3A_443 : memref<1x64x128xf32, #tpu.memory_space<vmem>> -> memref<64x128xf32, #tpu.memory_space<vmem>>
        tpu.vector_store_idx %scatter3A_444[%add3A_332, %broadcast_in_dim3A_439], %gather3A_440 : memref<64x128xf32, #tpu.memory_space<vmem>>[vector<16xi32>, vector<16xi32>], vector<16xf32>,
        %mul3A_445 = arith.constant 26 : i32
        %mul3A_446 = vector.broadcast %mul3A_445 : i32 to vector<16xi32>
        %mul3A_447 = arith.muli %select_n3A_326, %mul3A_446 : vector<16xi32>
        %add3A_448 = vector.broadcast %add3A : i32 to vector<16xi32>
        %add3A_449 = arith.addi %mul3A_447, %add3A_448 : vector<16xi32>
        %swap3A_450 = arith.index_cast %select_n3A_153 : i32 to index
        %swap3A_451 = arith.constant 16 : index
        %swap3A_452 = tpu.vector_load %arg9[%swap3A_450, %swap3A_451] {strides = array<i32>} : memref<2x64xi32, #tpu.memory_space<vmem>>, vector<16xi32>,
        tpu.vector_store %arg9[%swap3A_450, %swap3A_451], %add3A_449 {strides = array<i32>} : memref<2x64xi32, #tpu.memory_space<vmem>>, vector<16xi32>,
        %mul3A_453 = arith.constant 64 : i32
        %mul3A_454 = arith.muli %while3A_134, %mul3A_453 : i32
        %add3A_455 = arith.constant 32 : i32
        %add3A_456 = arith.addi %mul3A_454, %add3A_455 : i32
        %add3A_457 = vector.broadcast %add3A_456 : i32 to vector<16xi32>
        %add3A_458 = arith.addi %add3A_457, %iota3A : vector<16xi32>
        %lt3A_459 = vector.broadcast %scan3A_62 : i32 to vector<16xi32>
        %lt3A_460 = arith.cmpi slt, %add3A_458, %lt3A_459 : vector<16xi32>
        %mul3A_461 = arith.constant 64 : i32
        %mul3A_462 = arith.muli %while3A_134, %mul3A_461 : i32
        %add3A_463 = arith.constant 32 : i32
        %add3A_464 = arith.addi %mul3A_462, %add3A_463 : i32
        %get3A_465 = arith.index_cast %add3A_464 : i32 to index
        %get3A_466 = tpu.vector_load %arg7[%get3A_465] {strides = array<i32>} : memref<4128xi32, #tpu.memory_space<vmem>>, vector<16xi32>,
        %broadcast_in_dim3A_467 = vector.broadcast %squeeze3A : i32 to vector<16xi32>
        %select_n3A_468 = arith.select %lt3A_460, %get3A_466, %broadcast_in_dim3A_467 : vector<16xi1>, vector<16xi32>
        %gather3A_469 = tpu.vector_load_idx %arg6[%select_n3A_468] : memref<4096xi32, #tpu.memory_space<vmem>>[vector<16xi32>], vector<16xi32>,
        %sub3A_470 = vector.broadcast %multiple_of3A : i32 to vector<16xi32>
        %sub3A_471 = arith.subi %gather3A_469, %sub3A_470 : vector<16xi32>
        %add3A_472 = arith.constant 32 : i32
        %add3A_473 = vector.broadcast %add3A_472 : i32 to vector<16xi32>
        %add3A_474 = arith.addi %add3A_473, %iota3A : vector<16xi32>
        %broadcast_in_dim3A_475 = arith.constant 0 : i32
        %broadcast_in_dim3A_476 = vector.broadcast %broadcast_in_dim3A_475 : i32 to vector<16xi32>
        %gather3A_477 = tpu.vector_load_idx %arg5[%broadcast_in_dim3A_476, %sub3A_471] : memref<16x6432xf32, #tpu.memory_space<vmem>>[vector<16xi32>, vector<16xi32>], vector<16xf32>,
        %scatter3A_478 = arith.constant 0 : i32
        %scatter3A_479 = arith.constant 0 : i32
        %scatter3A_480 = tpu.memref_slice %arg8[%select_n3A_153, %scatter3A_478, %scatter3A_479] : memref<2x64x128xf32, #tpu.memory_space<vmem>> -> memref<1x64x128xf32, #tpu.memory_space<vmem>>
        %scatter3A_481 = tpu.memref_squeeze %scatter3A_480 : memref<1x64x128xf32, #tpu.memory_space<vmem>> -> memref<64x128xf32, #tpu.memory_space<vmem>>
        tpu.vector_store_idx %scatter3A_481[%add3A_474, %broadcast_in_dim3A_476], %gather3A_477 : memref<64x128xf32, #tpu.memory_space<vmem>>[vector<16xi32>, vector<16xi32>], vector<16xf32>,
        %broadcast_in_dim3A_482 = arith.constant 1 : i32
        %broadcast_in_dim3A_483 = vector.broadcast %broadcast_in_dim3A_482 : i32 to vector<16xi32>
        %gather3A_484 = tpu.vector_load_idx %arg5[%broadcast_in_dim3A_483, %sub3A_471] : memref<16x6432xf32, #tpu.memory_space<vmem>>[vector<16xi32>, vector<16xi32>], vector<16xf32>,
        %scatter3A_485 = arith.constant 0 : i32
        %scatter3A_486 = arith.constant 0 : i32
        %scatter3A_487 = tpu.memref_slice %arg8[%select_n3A_153, %scatter3A_485, %scatter3A_486] : memref<2x64x128xf32, #tpu.memory_space<vmem>> -> memref<1x64x128xf32, #tpu.memory_space<vmem>>
        %scatter3A_488 = tpu.memref_squeeze %scatter3A_487 : memref<1x64x128xf32, #tpu.memory_space<vmem>> -> memref<64x128xf32, #tpu.memory_space<vmem>>
        tpu.vector_store_idx %scatter3A_488[%add3A_474, %broadcast_in_dim3A_483], %gather3A_484 : memref<64x128xf32, #tpu.memory_space<vmem>>[vector<16xi32>, vector<16xi32>], vector<16xf32>,
        %broadcast_in_dim3A_489 = arith.constant 2 : i32
        %broadcast_in_dim3A_490 = vector.broadcast %broadcast_in_dim3A_489 : i32 to vector<16xi32>
        %gather3A_491 = tpu.vector_load_idx %arg5[%broadcast_in_dim3A_490, %sub3A_471] : memref<16x6432xf32, #tpu.memory_space<vmem>>[vector<16xi32>, vector<16xi32>], vector<16xf32>,
        %scatter3A_492 = arith.constant 0 : i32
        %scatter3A_493 = arith.constant 0 : i32
        %scatter3A_494 = tpu.memref_slice %arg8[%select_n3A_153, %scatter3A_492, %scatter3A_493] : memref<2x64x128xf32, #tpu.memory_space<vmem>> -> memref<1x64x128xf32, #tpu.memory_space<vmem>>
        %scatter3A_495 = tpu.memref_squeeze %scatter3A_494 : memref<1x64x128xf32, #tpu.memory_space<vmem>> -> memref<64x128xf32, #tpu.memory_space<vmem>>
        tpu.vector_store_idx %scatter3A_495[%add3A_474, %broadcast_in_dim3A_490], %gather3A_491 : memref<64x128xf32, #tpu.memory_space<vmem>>[vector<16xi32>, vector<16xi32>], vector<16xf32>,
        %broadcast_in_dim3A_496 = arith.constant 3 : i32
        %broadcast_in_dim3A_497 = vector.broadcast %broadcast_in_dim3A_496 : i32 to vector<16xi32>
        %gather3A_498 = tpu.vector_load_idx %arg5[%broadcast_in_dim3A_497, %sub3A_471] : memref<16x6432xf32, #tpu.memory_space<vmem>>[vector<16xi32>, vector<16xi32>], vector<16xf32>,
        %scatter3A_499 = arith.constant 0 : i32
        %scatter3A_500 = arith.constant 0 : i32
        %scatter3A_501 = tpu.memref_slice %arg8[%select_n3A_153, %scatter3A_499, %scatter3A_500] : memref<2x64x128xf32, #tpu.memory_space<vmem>> -> memref<1x64x128xf32, #tpu.memory_space<vmem>>
        %scatter3A_502 = tpu.memref_squeeze %scatter3A_501 : memref<1x64x128xf32, #tpu.memory_space<vmem>> -> memref<64x128xf32, #tpu.memory_space<vmem>>
        tpu.vector_store_idx %scatter3A_502[%add3A_474, %broadcast_in_dim3A_497], %gather3A_498 : memref<64x128xf32, #tpu.memory_space<vmem>>[vector<16xi32>, vector<16xi32>], vector<16xf32>,
        %broadcast_in_dim3A_503 = arith.constant 4 : i32
        %broadcast_in_dim3A_504 = vector.broadcast %broadcast_in_dim3A_503 : i32 to vector<16xi32>
        %gather3A_505 = tpu.vector_load_idx %arg5[%broadcast_in_dim3A_504, %sub3A_471] : memref<16x6432xf32, #tpu.memory_space<vmem>>[vector<16xi32>, vector<16xi32>], vector<16xf32>,
        %scatter3A_506 = arith.constant 0 : i32
        %scatter3A_507 = arith.constant 0 : i32
        %scatter3A_508 = tpu.memref_slice %arg8[%select_n3A_153, %scatter3A_506, %scatter3A_507] : memref<2x64x128xf32, #tpu.memory_space<vmem>> -> memref<1x64x128xf32, #tpu.memory_space<vmem>>
        %scatter3A_509 = tpu.memref_squeeze %scatter3A_508 : memref<1x64x128xf32, #tpu.memory_space<vmem>> -> memref<64x128xf32, #tpu.memory_space<vmem>>
        tpu.vector_store_idx %scatter3A_509[%add3A_474, %broadcast_in_dim3A_504], %gather3A_505 : memref<64x128xf32, #tpu.memory_space<vmem>>[vector<16xi32>, vector<16xi32>], vector<16xf32>,
        %broadcast_in_dim3A_510 = arith.constant 5 : i32
        %broadcast_in_dim3A_511 = vector.broadcast %broadcast_in_dim3A_510 : i32 to vector<16xi32>
        %gather3A_512 = tpu.vector_load_idx %arg5[%broadcast_in_dim3A_511, %sub3A_471] : memref<16x6432xf32, #tpu.memory_space<vmem>>[vector<16xi32>, vector<16xi32>], vector<16xf32>,
        %scatter3A_513 = arith.constant 0 : i32
        %scatter3A_514 = arith.constant 0 : i32
        %scatter3A_515 = tpu.memref_slice %arg8[%select_n3A_153, %scatter3A_513, %scatter3A_514] : memref<2x64x128xf32, #tpu.memory_space<vmem>> -> memref<1x64x128xf32, #tpu.memory_space<vmem>>
        %scatter3A_516 = tpu.memref_squeeze %scatter3A_515 : memref<1x64x128xf32, #tpu.memory_space<vmem>> -> memref<64x128xf32, #tpu.memory_space<vmem>>
        tpu.vector_store_idx %scatter3A_516[%add3A_474, %broadcast_in_dim3A_511], %gather3A_512 : memref<64x128xf32, #tpu.memory_space<vmem>>[vector<16xi32>, vector<16xi32>], vector<16xf32>,
        %broadcast_in_dim3A_517 = arith.constant 6 : i32
        %broadcast_in_dim3A_518 = vector.broadcast %broadcast_in_dim3A_517 : i32 to vector<16xi32>
        %gather3A_519 = tpu.vector_load_idx %arg5[%broadcast_in_dim3A_518, %sub3A_471] : memref<16x6432xf32, #tpu.memory_space<vmem>>[vector<16xi32>, vector<16xi32>], vector<16xf32>,
        %scatter3A_520 = arith.constant 0 : i32
        %scatter3A_521 = arith.constant 0 : i32
        %scatter3A_522 = tpu.memref_slice %arg8[%select_n3A_153, %scatter3A_520, %scatter3A_521] : memref<2x64x128xf32, #tpu.memory_space<vmem>> -> memref<1x64x128xf32, #tpu.memory_space<vmem>>
        %scatter3A_523 = tpu.memref_squeeze %scatter3A_522 : memref<1x64x128xf32, #tpu.memory_space<vmem>> -> memref<64x128xf32, #tpu.memory_space<vmem>>
        tpu.vector_store_idx %scatter3A_523[%add3A_474, %broadcast_in_dim3A_518], %gather3A_519 : memref<64x128xf32, #tpu.memory_space<vmem>>[vector<16xi32>, vector<16xi32>], vector<16xf32>,
        %broadcast_in_dim3A_524 = arith.constant 7 : i32
        %broadcast_in_dim3A_525 = vector.broadcast %broadcast_in_dim3A_524 : i32 to vector<16xi32>
        %gather3A_526 = tpu.vector_load_idx %arg5[%broadcast_in_dim3A_525, %sub3A_471] : memref<16x6432xf32, #tpu.memory_space<vmem>>[vector<16xi32>, vector<16xi32>], vector<16xf32>,
        %scatter3A_527 = arith.constant 0 : i32
        %scatter3A_528 = arith.constant 0 : i32
        %scatter3A_529 = tpu.memref_slice %arg8[%select_n3A_153, %scatter3A_527, %scatter3A_528] : memref<2x64x128xf32, #tpu.memory_space<vmem>> -> memref<1x64x128xf32, #tpu.memory_space<vmem>>
        %scatter3A_530 = tpu.memref_squeeze %scatter3A_529 : memref<1x64x128xf32, #tpu.memory_space<vmem>> -> memref<64x128xf32, #tpu.memory_space<vmem>>
        tpu.vector_store_idx %scatter3A_530[%add3A_474, %broadcast_in_dim3A_525], %gather3A_526 : memref<64x128xf32, #tpu.memory_space<vmem>>[vector<16xi32>, vector<16xi32>], vector<16xf32>,
        %broadcast_in_dim3A_531 = arith.constant 8 : i32
        %broadcast_in_dim3A_532 = vector.broadcast %broadcast_in_dim3A_531 : i32 to vector<16xi32>
        %gather3A_533 = tpu.vector_load_idx %arg5[%broadcast_in_dim3A_532, %sub3A_471] : memref<16x6432xf32, #tpu.memory_space<vmem>>[vector<16xi32>, vector<16xi32>], vector<16xf32>,
        %scatter3A_534 = arith.constant 0 : i32
        %scatter3A_535 = arith.constant 0 : i32
        %scatter3A_536 = tpu.memref_slice %arg8[%select_n3A_153, %scatter3A_534, %scatter3A_535] : memref<2x64x128xf32, #tpu.memory_space<vmem>> -> memref<1x64x128xf32, #tpu.memory_space<vmem>>
        %scatter3A_537 = tpu.memref_squeeze %scatter3A_536 : memref<1x64x128xf32, #tpu.memory_space<vmem>> -> memref<64x128xf32, #tpu.memory_space<vmem>>
        tpu.vector_store_idx %scatter3A_537[%add3A_474, %broadcast_in_dim3A_532], %gather3A_533 : memref<64x128xf32, #tpu.memory_space<vmem>>[vector<16xi32>, vector<16xi32>], vector<16xf32>,
        %broadcast_in_dim3A_538 = arith.constant 9 : i32
        %broadcast_in_dim3A_539 = vector.broadcast %broadcast_in_dim3A_538 : i32 to vector<16xi32>
        %gather3A_540 = tpu.vector_load_idx %arg5[%broadcast_in_dim3A_539, %sub3A_471] : memref<16x6432xf32, #tpu.memory_space<vmem>>[vector<16xi32>, vector<16xi32>], vector<16xf32>,
        %scatter3A_541 = arith.constant 0 : i32
        %scatter3A_542 = arith.constant 0 : i32
        %scatter3A_543 = tpu.memref_slice %arg8[%select_n3A_153, %scatter3A_541, %scatter3A_542] : memref<2x64x128xf32, #tpu.memory_space<vmem>> -> memref<1x64x128xf32, #tpu.memory_space<vmem>>
        %scatter3A_544 = tpu.memref_squeeze %scatter3A_543 : memref<1x64x128xf32, #tpu.memory_space<vmem>> -> memref<64x128xf32, #tpu.memory_space<vmem>>
        tpu.vector_store_idx %scatter3A_544[%add3A_474, %broadcast_in_dim3A_539], %gather3A_540 : memref<64x128xf32, #tpu.memory_space<vmem>>[vector<16xi32>, vector<16xi32>], vector<16xf32>,
        %broadcast_in_dim3A_545 = arith.constant 10 : i32
        %broadcast_in_dim3A_546 = vector.broadcast %broadcast_in_dim3A_545 : i32 to vector<16xi32>
        %gather3A_547 = tpu.vector_load_idx %arg5[%broadcast_in_dim3A_546, %sub3A_471] : memref<16x6432xf32, #tpu.memory_space<vmem>>[vector<16xi32>, vector<16xi32>], vector<16xf32>,
        %scatter3A_548 = arith.constant 0 : i32
        %scatter3A_549 = arith.constant 0 : i32
        %scatter3A_550 = tpu.memref_slice %arg8[%select_n3A_153, %scatter3A_548, %scatter3A_549] : memref<2x64x128xf32, #tpu.memory_space<vmem>> -> memref<1x64x128xf32, #tpu.memory_space<vmem>>
        %scatter3A_551 = tpu.memref_squeeze %scatter3A_550 : memref<1x64x128xf32, #tpu.memory_space<vmem>> -> memref<64x128xf32, #tpu.memory_space<vmem>>
        tpu.vector_store_idx %scatter3A_551[%add3A_474, %broadcast_in_dim3A_546], %gather3A_547 : memref<64x128xf32, #tpu.memory_space<vmem>>[vector<16xi32>, vector<16xi32>], vector<16xf32>,
        %broadcast_in_dim3A_552 = arith.constant 11 : i32
        %broadcast_in_dim3A_553 = vector.broadcast %broadcast_in_dim3A_552 : i32 to vector<16xi32>
        %gather3A_554 = tpu.vector_load_idx %arg5[%broadcast_in_dim3A_553, %sub3A_471] : memref<16x6432xf32, #tpu.memory_space<vmem>>[vector<16xi32>, vector<16xi32>], vector<16xf32>,
        %scatter3A_555 = arith.constant 0 : i32
        %scatter3A_556 = arith.constant 0 : i32
        %scatter3A_557 = tpu.memref_slice %arg8[%select_n3A_153, %scatter3A_555, %scatter3A_556] : memref<2x64x128xf32, #tpu.memory_space<vmem>> -> memref<1x64x128xf32, #tpu.memory_space<vmem>>
        %scatter3A_558 = tpu.memref_squeeze %scatter3A_557 : memref<1x64x128xf32, #tpu.memory_space<vmem>> -> memref<64x128xf32, #tpu.memory_space<vmem>>
        tpu.vector_store_idx %scatter3A_558[%add3A_474, %broadcast_in_dim3A_553], %gather3A_554 : memref<64x128xf32, #tpu.memory_space<vmem>>[vector<16xi32>, vector<16xi32>], vector<16xf32>,
        %broadcast_in_dim3A_559 = arith.constant 12 : i32
        %broadcast_in_dim3A_560 = vector.broadcast %broadcast_in_dim3A_559 : i32 to vector<16xi32>
        %gather3A_561 = tpu.vector_load_idx %arg5[%broadcast_in_dim3A_560, %sub3A_471] : memref<16x6432xf32, #tpu.memory_space<vmem>>[vector<16xi32>, vector<16xi32>], vector<16xf32>,
        %scatter3A_562 = arith.constant 0 : i32
        %scatter3A_563 = arith.constant 0 : i32
        %scatter3A_564 = tpu.memref_slice %arg8[%select_n3A_153, %scatter3A_562, %scatter3A_563] : memref<2x64x128xf32, #tpu.memory_space<vmem>> -> memref<1x64x128xf32, #tpu.memory_space<vmem>>
        %scatter3A_565 = tpu.memref_squeeze %scatter3A_564 : memref<1x64x128xf32, #tpu.memory_space<vmem>> -> memref<64x128xf32, #tpu.memory_space<vmem>>
        tpu.vector_store_idx %scatter3A_565[%add3A_474, %broadcast_in_dim3A_560], %gather3A_561 : memref<64x128xf32, #tpu.memory_space<vmem>>[vector<16xi32>, vector<16xi32>], vector<16xf32>,
        %broadcast_in_dim3A_566 = arith.constant 13 : i32
        %broadcast_in_dim3A_567 = vector.broadcast %broadcast_in_dim3A_566 : i32 to vector<16xi32>
        %gather3A_568 = tpu.vector_load_idx %arg5[%broadcast_in_dim3A_567, %sub3A_471] : memref<16x6432xf32, #tpu.memory_space<vmem>>[vector<16xi32>, vector<16xi32>], vector<16xf32>,
        %scatter3A_569 = arith.constant 0 : i32
        %scatter3A_570 = arith.constant 0 : i32
        %scatter3A_571 = tpu.memref_slice %arg8[%select_n3A_153, %scatter3A_569, %scatter3A_570] : memref<2x64x128xf32, #tpu.memory_space<vmem>> -> memref<1x64x128xf32, #tpu.memory_space<vmem>>
        %scatter3A_572 = tpu.memref_squeeze %scatter3A_571 : memref<1x64x128xf32, #tpu.memory_space<vmem>> -> memref<64x128xf32, #tpu.memory_space<vmem>>
        tpu.vector_store_idx %scatter3A_572[%add3A_474, %broadcast_in_dim3A_567], %gather3A_568 : memref<64x128xf32, #tpu.memory_space<vmem>>[vector<16xi32>, vector<16xi32>], vector<16xf32>,
        %broadcast_in_dim3A_573 = arith.constant 14 : i32
        %broadcast_in_dim3A_574 = vector.broadcast %broadcast_in_dim3A_573 : i32 to vector<16xi32>
        %gather3A_575 = tpu.vector_load_idx %arg5[%broadcast_in_dim3A_574, %sub3A_471] : memref<16x6432xf32, #tpu.memory_space<vmem>>[vector<16xi32>, vector<16xi32>], vector<16xf32>,
        %scatter3A_576 = arith.constant 0 : i32
        %scatter3A_577 = arith.constant 0 : i32
        %scatter3A_578 = tpu.memref_slice %arg8[%select_n3A_153, %scatter3A_576, %scatter3A_577] : memref<2x64x128xf32, #tpu.memory_space<vmem>> -> memref<1x64x128xf32, #tpu.memory_space<vmem>>
        %scatter3A_579 = tpu.memref_squeeze %scatter3A_578 : memref<1x64x128xf32, #tpu.memory_space<vmem>> -> memref<64x128xf32, #tpu.memory_space<vmem>>
        tpu.vector_store_idx %scatter3A_579[%add3A_474, %broadcast_in_dim3A_574], %gather3A_575 : memref<64x128xf32, #tpu.memory_space<vmem>>[vector<16xi32>, vector<16xi32>], vector<16xf32>,
        %broadcast_in_dim3A_580 = arith.constant 15 : i32
        %broadcast_in_dim3A_581 = vector.broadcast %broadcast_in_dim3A_580 : i32 to vector<16xi32>
        %gather3A_582 = tpu.vector_load_idx %arg5[%broadcast_in_dim3A_581, %sub3A_471] : memref<16x6432xf32, #tpu.memory_space<vmem>>[vector<16xi32>, vector<16xi32>], vector<16xf32>,
        %scatter3A_583 = arith.constant 0 : i32
        %scatter3A_584 = arith.constant 0 : i32
        %scatter3A_585 = tpu.memref_slice %arg8[%select_n3A_153, %scatter3A_583, %scatter3A_584] : memref<2x64x128xf32, #tpu.memory_space<vmem>> -> memref<1x64x128xf32, #tpu.memory_space<vmem>>
        %scatter3A_586 = tpu.memref_squeeze %scatter3A_585 : memref<1x64x128xf32, #tpu.memory_space<vmem>> -> memref<64x128xf32, #tpu.memory_space<vmem>>
        tpu.vector_store_idx %scatter3A_586[%add3A_474, %broadcast_in_dim3A_581], %gather3A_582 : memref<64x128xf32, #tpu.memory_space<vmem>>[vector<16xi32>, vector<16xi32>], vector<16xf32>,
        %mul3A_587 = arith.constant 26 : i32
        %mul3A_588 = vector.broadcast %mul3A_587 : i32 to vector<16xi32>
        %mul3A_589 = arith.muli %select_n3A_468, %mul3A_588 : vector<16xi32>
        %add3A_590 = vector.broadcast %add3A : i32 to vector<16xi32>
        %add3A_591 = arith.addi %mul3A_589, %add3A_590 : vector<16xi32>
        %swap3A_592 = arith.index_cast %select_n3A_153 : i32 to index
        %swap3A_593 = arith.constant 32 : index
        %swap3A_594 = tpu.vector_load %arg9[%swap3A_592, %swap3A_593] {strides = array<i32>} : memref<2x64xi32, #tpu.memory_space<vmem>>, vector<16xi32>,
        tpu.vector_store %arg9[%swap3A_592, %swap3A_593], %add3A_591 {strides = array<i32>} : memref<2x64xi32, #tpu.memory_space<vmem>>, vector<16xi32>,
        %mul3A_595 = arith.constant 64 : i32
        %mul3A_596 = arith.muli %while3A_134, %mul3A_595 : i32
        %add3A_597 = arith.constant 48 : i32
        %add3A_598 = arith.addi %mul3A_596, %add3A_597 : i32
        %add3A_599 = vector.broadcast %add3A_598 : i32 to vector<16xi32>
        %add3A_600 = arith.addi %add3A_599, %iota3A : vector<16xi32>
        %lt3A_601 = vector.broadcast %scan3A_62 : i32 to vector<16xi32>
        %lt3A_602 = arith.cmpi slt, %add3A_600, %lt3A_601 : vector<16xi32>
        %mul3A_603 = arith.constant 64 : i32
        %mul3A_604 = arith.muli %while3A_134, %mul3A_603 : i32
        %add3A_605 = arith.constant 48 : i32
        %add3A_606 = arith.addi %mul3A_604, %add3A_605 : i32
        %get3A_607 = arith.index_cast %add3A_606 : i32 to index
        %get3A_608 = tpu.vector_load %arg7[%get3A_607] {strides = array<i32>} : memref<4128xi32, #tpu.memory_space<vmem>>, vector<16xi32>,
        %broadcast_in_dim3A_609 = vector.broadcast %squeeze3A : i32 to vector<16xi32>
        %select_n3A_610 = arith.select %lt3A_602, %get3A_608, %broadcast_in_dim3A_609 : vector<16xi1>, vector<16xi32>
        %gather3A_611 = tpu.vector_load_idx %arg6[%select_n3A_610] : memref<4096xi32, #tpu.memory_space<vmem>>[vector<16xi32>], vector<16xi32>,
        %sub3A_612 = vector.broadcast %multiple_of3A : i32 to vector<16xi32>
        %sub3A_613 = arith.subi %gather3A_611, %sub3A_612 : vector<16xi32>
        %add3A_614 = arith.constant 48 : i32
        %add3A_615 = vector.broadcast %add3A_614 : i32 to vector<16xi32>
        %add3A_616 = arith.addi %add3A_615, %iota3A : vector<16xi32>
        %broadcast_in_dim3A_617 = arith.constant 0 : i32
        %broadcast_in_dim3A_618 = vector.broadcast %broadcast_in_dim3A_617 : i32 to vector<16xi32>
        %gather3A_619 = tpu.vector_load_idx %arg5[%broadcast_in_dim3A_618, %sub3A_613] : memref<16x6432xf32, #tpu.memory_space<vmem>>[vector<16xi32>, vector<16xi32>], vector<16xf32>,
        %scatter3A_620 = arith.constant 0 : i32
        %scatter3A_621 = arith.constant 0 : i32
        %scatter3A_622 = tpu.memref_slice %arg8[%select_n3A_153, %scatter3A_620, %scatter3A_621] : memref<2x64x128xf32, #tpu.memory_space<vmem>> -> memref<1x64x128xf32, #tpu.memory_space<vmem>>
        %scatter3A_623 = tpu.memref_squeeze %scatter3A_622 : memref<1x64x128xf32, #tpu.memory_space<vmem>> -> memref<64x128xf32, #tpu.memory_space<vmem>>
        tpu.vector_store_idx %scatter3A_623[%add3A_616, %broadcast_in_dim3A_618], %gather3A_619 : memref<64x128xf32, #tpu.memory_space<vmem>>[vector<16xi32>, vector<16xi32>], vector<16xf32>,
        %broadcast_in_dim3A_624 = arith.constant 1 : i32
        %broadcast_in_dim3A_625 = vector.broadcast %broadcast_in_dim3A_624 : i32 to vector<16xi32>
        %gather3A_626 = tpu.vector_load_idx %arg5[%broadcast_in_dim3A_625, %sub3A_613] : memref<16x6432xf32, #tpu.memory_space<vmem>>[vector<16xi32>, vector<16xi32>], vector<16xf32>,
        %scatter3A_627 = arith.constant 0 : i32
        %scatter3A_628 = arith.constant 0 : i32
        %scatter3A_629 = tpu.memref_slice %arg8[%select_n3A_153, %scatter3A_627, %scatter3A_628] : memref<2x64x128xf32, #tpu.memory_space<vmem>> -> memref<1x64x128xf32, #tpu.memory_space<vmem>>
        %scatter3A_630 = tpu.memref_squeeze %scatter3A_629 : memref<1x64x128xf32, #tpu.memory_space<vmem>> -> memref<64x128xf32, #tpu.memory_space<vmem>>
        tpu.vector_store_idx %scatter3A_630[%add3A_616, %broadcast_in_dim3A_625], %gather3A_626 : memref<64x128xf32, #tpu.memory_space<vmem>>[vector<16xi32>, vector<16xi32>], vector<16xf32>,
        %broadcast_in_dim3A_631 = arith.constant 2 : i32
        %broadcast_in_dim3A_632 = vector.broadcast %broadcast_in_dim3A_631 : i32 to vector<16xi32>
        %gather3A_633 = tpu.vector_load_idx %arg5[%broadcast_in_dim3A_632, %sub3A_613] : memref<16x6432xf32, #tpu.memory_space<vmem>>[vector<16xi32>, vector<16xi32>], vector<16xf32>,
        %scatter3A_634 = arith.constant 0 : i32
        %scatter3A_635 = arith.constant 0 : i32
        %scatter3A_636 = tpu.memref_slice %arg8[%select_n3A_153, %scatter3A_634, %scatter3A_635] : memref<2x64x128xf32, #tpu.memory_space<vmem>> -> memref<1x64x128xf32, #tpu.memory_space<vmem>>
        %scatter3A_637 = tpu.memref_squeeze %scatter3A_636 : memref<1x64x128xf32, #tpu.memory_space<vmem>> -> memref<64x128xf32, #tpu.memory_space<vmem>>
        tpu.vector_store_idx %scatter3A_637[%add3A_616, %broadcast_in_dim3A_632], %gather3A_633 : memref<64x128xf32, #tpu.memory_space<vmem>>[vector<16xi32>, vector<16xi32>], vector<16xf32>,
        %broadcast_in_dim3A_638 = arith.constant 3 : i32
        %broadcast_in_dim3A_639 = vector.broadcast %broadcast_in_dim3A_638 : i32 to vector<16xi32>
        %gather3A_640 = tpu.vector_load_idx %arg5[%broadcast_in_dim3A_639, %sub3A_613] : memref<16x6432xf32, #tpu.memory_space<vmem>>[vector<16xi32>, vector<16xi32>], vector<16xf32>,
        %scatter3A_641 = arith.constant 0 : i32
        %scatter3A_642 = arith.constant 0 : i32
        %scatter3A_643 = tpu.memref_slice %arg8[%select_n3A_153, %scatter3A_641, %scatter3A_642] : memref<2x64x128xf32, #tpu.memory_space<vmem>> -> memref<1x64x128xf32, #tpu.memory_space<vmem>>
        %scatter3A_644 = tpu.memref_squeeze %scatter3A_643 : memref<1x64x128xf32, #tpu.memory_space<vmem>> -> memref<64x128xf32, #tpu.memory_space<vmem>>
        tpu.vector_store_idx %scatter3A_644[%add3A_616, %broadcast_in_dim3A_639], %gather3A_640 : memref<64x128xf32, #tpu.memory_space<vmem>>[vector<16xi32>, vector<16xi32>], vector<16xf32>,
        %broadcast_in_dim3A_645 = arith.constant 4 : i32
        %broadcast_in_dim3A_646 = vector.broadcast %broadcast_in_dim3A_645 : i32 to vector<16xi32>
        %gather3A_647 = tpu.vector_load_idx %arg5[%broadcast_in_dim3A_646, %sub3A_613] : memref<16x6432xf32, #tpu.memory_space<vmem>>[vector<16xi32>, vector<16xi32>], vector<16xf32>,
        %scatter3A_648 = arith.constant 0 : i32
        %scatter3A_649 = arith.constant 0 : i32
        %scatter3A_650 = tpu.memref_slice %arg8[%select_n3A_153, %scatter3A_648, %scatter3A_649] : memref<2x64x128xf32, #tpu.memory_space<vmem>> -> memref<1x64x128xf32, #tpu.memory_space<vmem>>
        %scatter3A_651 = tpu.memref_squeeze %scatter3A_650 : memref<1x64x128xf32, #tpu.memory_space<vmem>> -> memref<64x128xf32, #tpu.memory_space<vmem>>
        tpu.vector_store_idx %scatter3A_651[%add3A_616, %broadcast_in_dim3A_646], %gather3A_647 : memref<64x128xf32, #tpu.memory_space<vmem>>[vector<16xi32>, vector<16xi32>], vector<16xf32>,
        %broadcast_in_dim3A_652 = arith.constant 5 : i32
        %broadcast_in_dim3A_653 = vector.broadcast %broadcast_in_dim3A_652 : i32 to vector<16xi32>
        %gather3A_654 = tpu.vector_load_idx %arg5[%broadcast_in_dim3A_653, %sub3A_613] : memref<16x6432xf32, #tpu.memory_space<vmem>>[vector<16xi32>, vector<16xi32>], vector<16xf32>,
        %scatter3A_655 = arith.constant 0 : i32
        %scatter3A_656 = arith.constant 0 : i32
        %scatter3A_657 = tpu.memref_slice %arg8[%select_n3A_153, %scatter3A_655, %scatter3A_656] : memref<2x64x128xf32, #tpu.memory_space<vmem>> -> memref<1x64x128xf32, #tpu.memory_space<vmem>>
        %scatter3A_658 = tpu.memref_squeeze %scatter3A_657 : memref<1x64x128xf32, #tpu.memory_space<vmem>> -> memref<64x128xf32, #tpu.memory_space<vmem>>
        tpu.vector_store_idx %scatter3A_658[%add3A_616, %broadcast_in_dim3A_653], %gather3A_654 : memref<64x128xf32, #tpu.memory_space<vmem>>[vector<16xi32>, vector<16xi32>], vector<16xf32>,
        %broadcast_in_dim3A_659 = arith.constant 6 : i32
        %broadcast_in_dim3A_660 = vector.broadcast %broadcast_in_dim3A_659 : i32 to vector<16xi32>
        %gather3A_661 = tpu.vector_load_idx %arg5[%broadcast_in_dim3A_660, %sub3A_613] : memref<16x6432xf32, #tpu.memory_space<vmem>>[vector<16xi32>, vector<16xi32>], vector<16xf32>,
        %scatter3A_662 = arith.constant 0 : i32
        %scatter3A_663 = arith.constant 0 : i32
        %scatter3A_664 = tpu.memref_slice %arg8[%select_n3A_153, %scatter3A_662, %scatter3A_663] : memref<2x64x128xf32, #tpu.memory_space<vmem>> -> memref<1x64x128xf32, #tpu.memory_space<vmem>>
        %scatter3A_665 = tpu.memref_squeeze %scatter3A_664 : memref<1x64x128xf32, #tpu.memory_space<vmem>> -> memref<64x128xf32, #tpu.memory_space<vmem>>
        tpu.vector_store_idx %scatter3A_665[%add3A_616, %broadcast_in_dim3A_660], %gather3A_661 : memref<64x128xf32, #tpu.memory_space<vmem>>[vector<16xi32>, vector<16xi32>], vector<16xf32>,
        %broadcast_in_dim3A_666 = arith.constant 7 : i32
        %broadcast_in_dim3A_667 = vector.broadcast %broadcast_in_dim3A_666 : i32 to vector<16xi32>
        %gather3A_668 = tpu.vector_load_idx %arg5[%broadcast_in_dim3A_667, %sub3A_613] : memref<16x6432xf32, #tpu.memory_space<vmem>>[vector<16xi32>, vector<16xi32>], vector<16xf32>,
        %scatter3A_669 = arith.constant 0 : i32
        %scatter3A_670 = arith.constant 0 : i32
        %scatter3A_671 = tpu.memref_slice %arg8[%select_n3A_153, %scatter3A_669, %scatter3A_670] : memref<2x64x128xf32, #tpu.memory_space<vmem>> -> memref<1x64x128xf32, #tpu.memory_space<vmem>>
        %scatter3A_672 = tpu.memref_squeeze %scatter3A_671 : memref<1x64x128xf32, #tpu.memory_space<vmem>> -> memref<64x128xf32, #tpu.memory_space<vmem>>
        tpu.vector_store_idx %scatter3A_672[%add3A_616, %broadcast_in_dim3A_667], %gather3A_668 : memref<64x128xf32, #tpu.memory_space<vmem>>[vector<16xi32>, vector<16xi32>], vector<16xf32>,
        %broadcast_in_dim3A_673 = arith.constant 8 : i32
        %broadcast_in_dim3A_674 = vector.broadcast %broadcast_in_dim3A_673 : i32 to vector<16xi32>
        %gather3A_675 = tpu.vector_load_idx %arg5[%broadcast_in_dim3A_674, %sub3A_613] : memref<16x6432xf32, #tpu.memory_space<vmem>>[vector<16xi32>, vector<16xi32>], vector<16xf32>,
        %scatter3A_676 = arith.constant 0 : i32
        %scatter3A_677 = arith.constant 0 : i32
        %scatter3A_678 = tpu.memref_slice %arg8[%select_n3A_153, %scatter3A_676, %scatter3A_677] : memref<2x64x128xf32, #tpu.memory_space<vmem>> -> memref<1x64x128xf32, #tpu.memory_space<vmem>>
        %scatter3A_679 = tpu.memref_squeeze %scatter3A_678 : memref<1x64x128xf32, #tpu.memory_space<vmem>> -> memref<64x128xf32, #tpu.memory_space<vmem>>
        tpu.vector_store_idx %scatter3A_679[%add3A_616, %broadcast_in_dim3A_674], %gather3A_675 : memref<64x128xf32, #tpu.memory_space<vmem>>[vector<16xi32>, vector<16xi32>], vector<16xf32>,
        %broadcast_in_dim3A_680 = arith.constant 9 : i32
        %broadcast_in_dim3A_681 = vector.broadcast %broadcast_in_dim3A_680 : i32 to vector<16xi32>
        %gather3A_682 = tpu.vector_load_idx %arg5[%broadcast_in_dim3A_681, %sub3A_613] : memref<16x6432xf32, #tpu.memory_space<vmem>>[vector<16xi32>, vector<16xi32>], vector<16xf32>,
        %scatter3A_683 = arith.constant 0 : i32
        %scatter3A_684 = arith.constant 0 : i32
        %scatter3A_685 = tpu.memref_slice %arg8[%select_n3A_153, %scatter3A_683, %scatter3A_684] : memref<2x64x128xf32, #tpu.memory_space<vmem>> -> memref<1x64x128xf32, #tpu.memory_space<vmem>>
        %scatter3A_686 = tpu.memref_squeeze %scatter3A_685 : memref<1x64x128xf32, #tpu.memory_space<vmem>> -> memref<64x128xf32, #tpu.memory_space<vmem>>
        tpu.vector_store_idx %scatter3A_686[%add3A_616, %broadcast_in_dim3A_681], %gather3A_682 : memref<64x128xf32, #tpu.memory_space<vmem>>[vector<16xi32>, vector<16xi32>], vector<16xf32>,
        %broadcast_in_dim3A_687 = arith.constant 10 : i32
        %broadcast_in_dim3A_688 = vector.broadcast %broadcast_in_dim3A_687 : i32 to vector<16xi32>
        %gather3A_689 = tpu.vector_load_idx %arg5[%broadcast_in_dim3A_688, %sub3A_613] : memref<16x6432xf32, #tpu.memory_space<vmem>>[vector<16xi32>, vector<16xi32>], vector<16xf32>,
        %scatter3A_690 = arith.constant 0 : i32
        %scatter3A_691 = arith.constant 0 : i32
        %scatter3A_692 = tpu.memref_slice %arg8[%select_n3A_153, %scatter3A_690, %scatter3A_691] : memref<2x64x128xf32, #tpu.memory_space<vmem>> -> memref<1x64x128xf32, #tpu.memory_space<vmem>>
        %scatter3A_693 = tpu.memref_squeeze %scatter3A_692 : memref<1x64x128xf32, #tpu.memory_space<vmem>> -> memref<64x128xf32, #tpu.memory_space<vmem>>
        tpu.vector_store_idx %scatter3A_693[%add3A_616, %broadcast_in_dim3A_688], %gather3A_689 : memref<64x128xf32, #tpu.memory_space<vmem>>[vector<16xi32>, vector<16xi32>], vector<16xf32>,
        %broadcast_in_dim3A_694 = arith.constant 11 : i32
        %broadcast_in_dim3A_695 = vector.broadcast %broadcast_in_dim3A_694 : i32 to vector<16xi32>
        %gather3A_696 = tpu.vector_load_idx %arg5[%broadcast_in_dim3A_695, %sub3A_613] : memref<16x6432xf32, #tpu.memory_space<vmem>>[vector<16xi32>, vector<16xi32>], vector<16xf32>,
        %scatter3A_697 = arith.constant 0 : i32
        %scatter3A_698 = arith.constant 0 : i32
        %scatter3A_699 = tpu.memref_slice %arg8[%select_n3A_153, %scatter3A_697, %scatter3A_698] : memref<2x64x128xf32, #tpu.memory_space<vmem>> -> memref<1x64x128xf32, #tpu.memory_space<vmem>>
        %scatter3A_700 = tpu.memref_squeeze %scatter3A_699 : memref<1x64x128xf32, #tpu.memory_space<vmem>> -> memref<64x128xf32, #tpu.memory_space<vmem>>
        tpu.vector_store_idx %scatter3A_700[%add3A_616, %broadcast_in_dim3A_695], %gather3A_696 : memref<64x128xf32, #tpu.memory_space<vmem>>[vector<16xi32>, vector<16xi32>], vector<16xf32>,
        %broadcast_in_dim3A_701 = arith.constant 12 : i32
        %broadcast_in_dim3A_702 = vector.broadcast %broadcast_in_dim3A_701 : i32 to vector<16xi32>
        %gather3A_703 = tpu.vector_load_idx %arg5[%broadcast_in_dim3A_702, %sub3A_613] : memref<16x6432xf32, #tpu.memory_space<vmem>>[vector<16xi32>, vector<16xi32>], vector<16xf32>,
        %scatter3A_704 = arith.constant 0 : i32
        %scatter3A_705 = arith.constant 0 : i32
        %scatter3A_706 = tpu.memref_slice %arg8[%select_n3A_153, %scatter3A_704, %scatter3A_705] : memref<2x64x128xf32, #tpu.memory_space<vmem>> -> memref<1x64x128xf32, #tpu.memory_space<vmem>>
        %scatter3A_707 = tpu.memref_squeeze %scatter3A_706 : memref<1x64x128xf32, #tpu.memory_space<vmem>> -> memref<64x128xf32, #tpu.memory_space<vmem>>
        tpu.vector_store_idx %scatter3A_707[%add3A_616, %broadcast_in_dim3A_702], %gather3A_703 : memref<64x128xf32, #tpu.memory_space<vmem>>[vector<16xi32>, vector<16xi32>], vector<16xf32>,
        %broadcast_in_dim3A_708 = arith.constant 13 : i32
        %broadcast_in_dim3A_709 = vector.broadcast %broadcast_in_dim3A_708 : i32 to vector<16xi32>
        %gather3A_710 = tpu.vector_load_idx %arg5[%broadcast_in_dim3A_709, %sub3A_613] : memref<16x6432xf32, #tpu.memory_space<vmem>>[vector<16xi32>, vector<16xi32>], vector<16xf32>,
        %scatter3A_711 = arith.constant 0 : i32
        %scatter3A_712 = arith.constant 0 : i32
        %scatter3A_713 = tpu.memref_slice %arg8[%select_n3A_153, %scatter3A_711, %scatter3A_712] : memref<2x64x128xf32, #tpu.memory_space<vmem>> -> memref<1x64x128xf32, #tpu.memory_space<vmem>>
        %scatter3A_714 = tpu.memref_squeeze %scatter3A_713 : memref<1x64x128xf32, #tpu.memory_space<vmem>> -> memref<64x128xf32, #tpu.memory_space<vmem>>
        tpu.vector_store_idx %scatter3A_714[%add3A_616, %broadcast_in_dim3A_709], %gather3A_710 : memref<64x128xf32, #tpu.memory_space<vmem>>[vector<16xi32>, vector<16xi32>], vector<16xf32>,
        %broadcast_in_dim3A_715 = arith.constant 14 : i32
        %broadcast_in_dim3A_716 = vector.broadcast %broadcast_in_dim3A_715 : i32 to vector<16xi32>
        %gather3A_717 = tpu.vector_load_idx %arg5[%broadcast_in_dim3A_716, %sub3A_613] : memref<16x6432xf32, #tpu.memory_space<vmem>>[vector<16xi32>, vector<16xi32>], vector<16xf32>,
        %scatter3A_718 = arith.constant 0 : i32
        %scatter3A_719 = arith.constant 0 : i32
        %scatter3A_720 = tpu.memref_slice %arg8[%select_n3A_153, %scatter3A_718, %scatter3A_719] : memref<2x64x128xf32, #tpu.memory_space<vmem>> -> memref<1x64x128xf32, #tpu.memory_space<vmem>>
        %scatter3A_721 = tpu.memref_squeeze %scatter3A_720 : memref<1x64x128xf32, #tpu.memory_space<vmem>> -> memref<64x128xf32, #tpu.memory_space<vmem>>
        tpu.vector_store_idx %scatter3A_721[%add3A_616, %broadcast_in_dim3A_716], %gather3A_717 : memref<64x128xf32, #tpu.memory_space<vmem>>[vector<16xi32>, vector<16xi32>], vector<16xf32>,
        %broadcast_in_dim3A_722 = arith.constant 15 : i32
        %broadcast_in_dim3A_723 = vector.broadcast %broadcast_in_dim3A_722 : i32 to vector<16xi32>
        %gather3A_724 = tpu.vector_load_idx %arg5[%broadcast_in_dim3A_723, %sub3A_613] : memref<16x6432xf32, #tpu.memory_space<vmem>>[vector<16xi32>, vector<16xi32>], vector<16xf32>,
        %scatter3A_725 = arith.constant 0 : i32
        %scatter3A_726 = arith.constant 0 : i32
        %scatter3A_727 = tpu.memref_slice %arg8[%select_n3A_153, %scatter3A_725, %scatter3A_726] : memref<2x64x128xf32, #tpu.memory_space<vmem>> -> memref<1x64x128xf32, #tpu.memory_space<vmem>>
        %scatter3A_728 = tpu.memref_squeeze %scatter3A_727 : memref<1x64x128xf32, #tpu.memory_space<vmem>> -> memref<64x128xf32, #tpu.memory_space<vmem>>
        tpu.vector_store_idx %scatter3A_728[%add3A_616, %broadcast_in_dim3A_723], %gather3A_724 : memref<64x128xf32, #tpu.memory_space<vmem>>[vector<16xi32>, vector<16xi32>], vector<16xf32>,
        %mul3A_729 = arith.constant 26 : i32
        %mul3A_730 = vector.broadcast %mul3A_729 : i32 to vector<16xi32>
        %mul3A_731 = arith.muli %select_n3A_610, %mul3A_730 : vector<16xi32>
        %add3A_732 = vector.broadcast %add3A : i32 to vector<16xi32>
        %add3A_733 = arith.addi %mul3A_731, %add3A_732 : vector<16xi32>
        %swap3A_734 = arith.index_cast %select_n3A_153 : i32 to index
        %swap3A_735 = arith.constant 48 : index
        %swap3A_736 = tpu.vector_load %arg9[%swap3A_734, %swap3A_735] {strides = array<i32>} : memref<2x64xi32, #tpu.memory_space<vmem>>, vector<16xi32>,
        tpu.vector_store %arg9[%swap3A_734, %swap3A_735], %add3A_733 {strides = array<i32>} : memref<2x64xi32, #tpu.memory_space<vmem>>, vector<16xi32>,
        %eq3A_737 = arith.constant 0 : i32
        %eq3A_738 = arith.cmpi eq, %select_n3A_153, %eq3A_737 : i32
        %convert_element_type3A_739 = arith.extui %eq3A_738 : i1 to i32
        %cond3A_740 = arith.constant 0 : i32
        %cond3A_741 = arith.cmpi ne, %convert_element_type3A_739, %cond3A_740 : i32
        scf.if %cond3A_741 {
          %dma_start3A_755 = arith.constant 0 : i32
          %dma_start3A_756 = arith.constant 0 : i32
          %dma_start3A_757 = arith.constant 0 : i32
          %dma_start3A_758 = arith.constant 0 : i32
          %dma_start3A_759 = tpu.memref_slice %arg8[%dma_start3A_755, %dma_start3A_757, %dma_start3A_758] : memref<2x64x128xf32, #tpu.memory_space<vmem>> -> memref<1x64x128xf32, #tpu.memory_space<vmem>>
          %dma_start3A_760 = tpu.memref_squeeze %dma_start3A_759 : memref<1x64x128xf32, #tpu.memory_space<vmem>> -> memref<64x128xf32, #tpu.memory_space<vmem>>
          %dma_start3A_761 = arith.constant 0 : i32
          %dma_start3A_762 = tpu.memref_slice %arg9[%dma_start3A_756, %dma_start3A_761] : memref<2x64xi32, #tpu.memory_space<vmem>> -> memref<1x64xi32, #tpu.memory_space<vmem>>
          %dma_start3A_763 = tpu.memref_squeeze %dma_start3A_762 : memref<1x64xi32, #tpu.memory_space<vmem>> -> memref<64xi32, #tpu.memory_space<vmem>>
          %dma_start3A_764 = arith.constant 0 : i32
          %dma_start3A_765 = arith.constant 0 : i32
          %dma_start3A_766 = tpu.memref_slice %arg4[%dma_start3A_764, %dma_start3A_765] : memref<106496x128xf32, #tpu.memory_space<hbm>> -> memref<106496x128xf32, #tpu.memory_space<hbm>>
          tpu.enqueue_indirect_dma source(%dma_start3A_760 : memref<64x128xf32, #tpu.memory_space<vmem>>) target(%dma_start3A_766 : memref<106496x128xf32, #tpu.memory_space<hbm>>) offsets(%dma_start3A_763 : memref<64xi32, #tpu.memory_space<vmem>>) semaphore(%arg10 : memref<!tpu.dma_semaphore, #tpu.memory_space<semaphore_mem>>)
        } else {
        }
        %eq3A_742 = arith.constant 1 : i32
        %eq3A_743 = arith.cmpi eq, %select_n3A_153, %eq3A_742 : i32
        %convert_element_type3A_744 = arith.extui %eq3A_743 : i1 to i32
        %cond3A_745 = arith.constant 0 : i32
        %cond3A_746 = arith.cmpi ne, %convert_element_type3A_744, %cond3A_745 : i32
        scf.if %cond3A_746 {
          %dma_start3A_755 = arith.constant 1 : i32
          %dma_start3A_756 = arith.constant 1 : i32
          %dma_start3A_757 = arith.constant 0 : i32
          %dma_start3A_758 = arith.constant 0 : i32
          %dma_start3A_759 = tpu.memref_slice %arg8[%dma_start3A_755, %dma_start3A_757, %dma_start3A_758] : memref<2x64x128xf32, #tpu.memory_space<vmem>> -> memref<1x64x128xf32, #tpu.memory_space<vmem>>
          %dma_start3A_760 = tpu.memref_squeeze %dma_start3A_759 : memref<1x64x128xf32, #tpu.memory_space<vmem>> -> memref<64x128xf32, #tpu.memory_space<vmem>>
          %dma_start3A_761 = arith.constant 0 : i32
          %dma_start3A_762 = tpu.memref_slice %arg9[%dma_start3A_756, %dma_start3A_761] : memref<2x64xi32, #tpu.memory_space<vmem>> -> memref<1x64xi32, #tpu.memory_space<vmem>>
          %dma_start3A_763 = tpu.memref_squeeze %dma_start3A_762 : memref<1x64xi32, #tpu.memory_space<vmem>> -> memref<64xi32, #tpu.memory_space<vmem>>
          %dma_start3A_764 = arith.constant 0 : i32
          %dma_start3A_765 = arith.constant 0 : i32
          %dma_start3A_766 = tpu.memref_slice %arg4[%dma_start3A_764, %dma_start3A_765] : memref<106496x128xf32, #tpu.memory_space<hbm>> -> memref<106496x128xf32, #tpu.memory_space<hbm>>
          tpu.enqueue_indirect_dma source(%dma_start3A_760 : memref<64x128xf32, #tpu.memory_space<vmem>>) target(%dma_start3A_766 : memref<106496x128xf32, #tpu.memory_space<hbm>>) offsets(%dma_start3A_763 : memref<64xi32, #tpu.memory_space<vmem>>) semaphore(%arg11 : memref<!tpu.dma_semaphore, #tpu.memory_space<semaphore_mem>>)
        } else {
        }
        %eq3A_747 = arith.constant 0 : i32
        %eq3A_748 = arith.cmpi eq, %select_n3A_153, %eq3A_747 : i32
        %jit3A_749 = arith.constant 1 : i32
        %select_n3A_750 = arith.select %eq3A_748, %jit3A_749, %while3A_135 : i32
        %eq3A_751 = arith.constant 1 : i32
        %eq3A_752 = arith.cmpi eq, %select_n3A_153, %eq3A_751 : i32
        %jit3A_753 = arith.constant 1 : i32
        %select_n3A_754 = arith.select %eq3A_752, %jit3A_753, %while3A_136 : i32
        scf.yield %select_n3A_750, %select_n3A_754 : i32, i32
      }
      %while3A_116 = arith.constant 1 : i32
      %while3A_117:2 = scf.for %while3A_134 = %while3A_113 to %while3A_109 step %while3A_116 iter_args(%while3A_135 = %while3A_115#0, %while3A_136 = %while3A_115#1) -> (i32, i32)  : i32 {
        %add3A_137 = arith.addi %scan3A_39, %while3A_134 : i32
        %jit3A_138 = arith.constant 2 : i32
        %eq3A_139 = arith.constant 0 : i32
        %eq3A_140 = arith.cmpi eq, %jit3A_138, %eq3A_139 : i32
        %jit3A_141 = arith.constant 1 : i32
        %select_n3A_142 = arith.select %eq3A_140, %jit3A_141, %jit3A_138 : i32
        %rem3A_143 = arith.remsi %add3A_137, %select_n3A_142 : i32
        %ne3A_144 = arith.constant 0 : i32
        %ne3A_145 = arith.cmpi ne, %rem3A_143, %ne3A_144 : i32
        %lt3A_146 = arith.constant 0 : i32
        %lt3A_147 = arith.cmpi slt, %rem3A_143, %lt3A_146 : i32
        %lt3A_148 = arith.constant 0 : i32
        %lt3A_149 = arith.cmpi slt, %select_n3A_142, %lt3A_148 : i32
        %ne3A_150 = arith.xori %lt3A_147, %lt3A_149 : i1
        %and3A_151 = arith.andi %ne3A_150, %ne3A_145 : i1
        %add3A_152 = arith.addi %rem3A_143, %select_n3A_142 : i32
        %select_n3A_153 = arith.select %and3A_151, %add3A_152, %rem3A_143 : i32
        %eq3A_154 = arith.constant 0 : i32
        %eq3A_155 = arith.cmpi eq, %select_n3A_153, %eq3A_154 : i32
        %eq3A_156 = arith.constant 1 : i32
        %eq3A_157 = arith.cmpi eq, %while3A_135, %eq3A_156 : i32
        %and3A_158 = arith.andi %eq3A_155, %eq3A_157 : i1
        %convert_element_type3A_159 = arith.extui %and3A_158 : i1 to i32
        %cond3A_160 = arith.constant 0 : i32
        %cond3A_161 = arith.cmpi ne, %convert_element_type3A_159, %cond3A_160 : i32
        scf.if %cond3A_161 {
          %dma_wait3A_755 = arith.constant 0 : i32
          %dma_wait3A_756 = arith.constant 0 : i32
          %dma_wait3A_757 = arith.constant 0 : i32
          %dma_wait3A_758 = arith.constant 0 : i32
          %dma_wait3A_759 = tpu.memref_slice %arg8[%dma_wait3A_755, %dma_wait3A_757, %dma_wait3A_758] : memref<2x64x128xf32, #tpu.memory_space<vmem>> -> memref<1x64x128xf32, #tpu.memory_space<vmem>>
          %dma_wait3A_760 = tpu.memref_squeeze %dma_wait3A_759 : memref<1x64x128xf32, #tpu.memory_space<vmem>> -> memref<64x128xf32, #tpu.memory_space<vmem>>
          %dma_wait3A_761 = arith.constant 0 : i32
          %dma_wait3A_762 = tpu.memref_slice %arg9[%dma_wait3A_756, %dma_wait3A_761] : memref<2x64xi32, #tpu.memory_space<vmem>> -> memref<1x64xi32, #tpu.memory_space<vmem>>
          %dma_wait3A_763 = tpu.memref_squeeze %dma_wait3A_762 : memref<1x64xi32, #tpu.memory_space<vmem>> -> memref<64xi32, #tpu.memory_space<vmem>>
          %dma_wait3A_764 = arith.constant 0 : i32
          %dma_wait3A_765 = arith.constant 0 : i32
          %dma_wait3A_766 = tpu.memref_slice %arg4[%dma_wait3A_764, %dma_wait3A_765] : memref<106496x128xf32, #tpu.memory_space<hbm>> -> memref<106496x128xf32, #tpu.memory_space<hbm>>
          tpu.wait_indirect_dma semaphore(%arg10 : memref<!tpu.dma_semaphore, #tpu.memory_space<semaphore_mem>>) src(%dma_wait3A_760 : memref<64x128xf32, #tpu.memory_space<vmem>>) dst(%dma_wait3A_766 : memref<106496x128xf32, #tpu.memory_space<hbm>>)
        } else {
        }
        %eq3A_162 = arith.constant 1 : i32
        %eq3A_163 = arith.cmpi eq, %select_n3A_153, %eq3A_162 : i32
        %eq3A_164 = arith.constant 1 : i32
        %eq3A_165 = arith.cmpi eq, %while3A_136, %eq3A_164 : i32
        %and3A_166 = arith.andi %eq3A_163, %eq3A_165 : i1
        %convert_element_type3A_167 = arith.extui %and3A_166 : i1 to i32
        %cond3A_168 = arith.constant 0 : i32
        %cond3A_169 = arith.cmpi ne, %convert_element_type3A_167, %cond3A_168 : i32
        scf.if %cond3A_169 {
          %dma_wait3A_755 = arith.constant 1 : i32
          %dma_wait3A_756 = arith.constant 1 : i32
          %dma_wait3A_757 = arith.constant 0 : i32
          %dma_wait3A_758 = arith.constant 0 : i32
          %dma_wait3A_759 = tpu.memref_slice %arg8[%dma_wait3A_755, %dma_wait3A_757, %dma_wait3A_758] : memref<2x64x128xf32, #tpu.memory_space<vmem>> -> memref<1x64x128xf32, #tpu.memory_space<vmem>>
          %dma_wait3A_760 = tpu.memref_squeeze %dma_wait3A_759 : memref<1x64x128xf32, #tpu.memory_space<vmem>> -> memref<64x128xf32, #tpu.memory_space<vmem>>
          %dma_wait3A_761 = arith.constant 0 : i32
          %dma_wait3A_762 = tpu.memref_slice %arg9[%dma_wait3A_756, %dma_wait3A_761] : memref<2x64xi32, #tpu.memory_space<vmem>> -> memref<1x64xi32, #tpu.memory_space<vmem>>
          %dma_wait3A_763 = tpu.memref_squeeze %dma_wait3A_762 : memref<1x64xi32, #tpu.memory_space<vmem>> -> memref<64xi32, #tpu.memory_space<vmem>>
          %dma_wait3A_764 = arith.constant 0 : i32
          %dma_wait3A_765 = arith.constant 0 : i32
          %dma_wait3A_766 = tpu.memref_slice %arg4[%dma_wait3A_764, %dma_wait3A_765] : memref<106496x128xf32, #tpu.memory_space<hbm>> -> memref<106496x128xf32, #tpu.memory_space<hbm>>
          tpu.wait_indirect_dma semaphore(%arg11 : memref<!tpu.dma_semaphore, #tpu.memory_space<semaphore_mem>>) src(%dma_wait3A_760 : memref<64x128xf32, #tpu.memory_space<vmem>>) dst(%dma_wait3A_766 : memref<106496x128xf32, #tpu.memory_space<hbm>>)
        } else {
        }
        %mul3A_170 = arith.constant 64 : i32
        %mul3A_171 = arith.muli %while3A_134, %mul3A_170 : i32
        %get3A = arith.index_cast %mul3A_171 : i32 to index
        %get3A_172 = tpu.vector_load %arg7[%get3A] {strides = array<i32>} : memref<4128xi32, #tpu.memory_space<vmem>>, vector<16xi32>,
        %slice3A = vector.extract_strided_slice %get3A_172 {offsets = [0], sizes = [1], strides = [1]} : vector<16xi32> to vector<1xi32>
        %squeeze3A = vector.extract %slice3A[0] : i32 from vector<1xi32>
        %mul3A_173 = arith.constant 64 : i32
        %mul3A_174 = arith.muli %while3A_134, %mul3A_173 : i32
        %add3A_175 = arith.constant 0 : i32
        %add3A_176 = arith.addi %mul3A_174, %add3A_175 : i32
        %add3A_177 = vector.broadcast %add3A_176 : i32 to vector<16xi32>
        %add3A_178 = arith.addi %add3A_177, %iota3A : vector<16xi32>
        %lt3A_179 = vector.broadcast %scan3A_62 : i32 to vector<16xi32>
        %lt3A_180 = arith.cmpi slt, %add3A_178, %lt3A_179 : vector<16xi32>
        %mul3A_181 = arith.constant 64 : i32
        %mul3A_182 = arith.muli %while3A_134, %mul3A_181 : i32
        %add3A_183 = arith.constant 0 : i32
        %add3A_184 = arith.addi %mul3A_182, %add3A_183 : i32
        %get3A_185 = arith.index_cast %add3A_184 : i32 to index
        %get3A_186 = tpu.vector_load %arg7[%get3A_185] {strides = array<i32>} : memref<4128xi32, #tpu.memory_space<vmem>>, vector<16xi32>,
        %broadcast_in_dim3A = vector.broadcast %squeeze3A : i32 to vector<16xi32>
        %select_n3A_187 = arith.select %lt3A_180, %get3A_186, %broadcast_in_dim3A : vector<16xi1>, vector<16xi32>
        %gather3A = tpu.vector_load_idx %arg6[%select_n3A_187] : memref<4096xi32, #tpu.memory_space<vmem>>[vector<16xi32>], vector<16xi32>,
        %sub3A_188 = vector.broadcast %multiple_of3A : i32 to vector<16xi32>
        %sub3A_189 = arith.subi %gather3A, %sub3A_188 : vector<16xi32>
        %add3A_190 = arith.constant 0 : i32
        %add3A_191 = vector.broadcast %add3A_190 : i32 to vector<16xi32>
        %add3A_192 = arith.addi %add3A_191, %iota3A : vector<16xi32>
        %broadcast_in_dim3A_193 = arith.constant 0 : i32
        %broadcast_in_dim3A_194 = vector.broadcast %broadcast_in_dim3A_193 : i32 to vector<16xi32>
        %gather3A_195 = tpu.vector_load_idx %arg5[%broadcast_in_dim3A_194, %sub3A_189] : memref<16x6432xf32, #tpu.memory_space<vmem>>[vector<16xi32>, vector<16xi32>], vector<16xf32>,
        %scatter3A = arith.constant 0 : i32
        %scatter3A_196 = arith.constant 0 : i32
        %scatter3A_197 = tpu.memref_slice %arg8[%select_n3A_153, %scatter3A, %scatter3A_196] : memref<2x64x128xf32, #tpu.memory_space<vmem>> -> memref<1x64x128xf32, #tpu.memory_space<vmem>>
        %scatter3A_198 = tpu.memref_squeeze %scatter3A_197 : memref<1x64x128xf32, #tpu.memory_space<vmem>> -> memref<64x128xf32, #tpu.memory_space<vmem>>
        tpu.vector_store_idx %scatter3A_198[%add3A_192, %broadcast_in_dim3A_194], %gather3A_195 : memref<64x128xf32, #tpu.memory_space<vmem>>[vector<16xi32>, vector<16xi32>], vector<16xf32>,
        %broadcast_in_dim3A_199 = arith.constant 1 : i32
        %broadcast_in_dim3A_200 = vector.broadcast %broadcast_in_dim3A_199 : i32 to vector<16xi32>
        %gather3A_201 = tpu.vector_load_idx %arg5[%broadcast_in_dim3A_200, %sub3A_189] : memref<16x6432xf32, #tpu.memory_space<vmem>>[vector<16xi32>, vector<16xi32>], vector<16xf32>,
        %scatter3A_202 = arith.constant 0 : i32
        %scatter3A_203 = arith.constant 0 : i32
        %scatter3A_204 = tpu.memref_slice %arg8[%select_n3A_153, %scatter3A_202, %scatter3A_203] : memref<2x64x128xf32, #tpu.memory_space<vmem>> -> memref<1x64x128xf32, #tpu.memory_space<vmem>>
        %scatter3A_205 = tpu.memref_squeeze %scatter3A_204 : memref<1x64x128xf32, #tpu.memory_space<vmem>> -> memref<64x128xf32, #tpu.memory_space<vmem>>
        tpu.vector_store_idx %scatter3A_205[%add3A_192, %broadcast_in_dim3A_200], %gather3A_201 : memref<64x128xf32, #tpu.memory_space<vmem>>[vector<16xi32>, vector<16xi32>], vector<16xf32>,
        %broadcast_in_dim3A_206 = arith.constant 2 : i32
        %broadcast_in_dim3A_207 = vector.broadcast %broadcast_in_dim3A_206 : i32 to vector<16xi32>
        %gather3A_208 = tpu.vector_load_idx %arg5[%broadcast_in_dim3A_207, %sub3A_189] : memref<16x6432xf32, #tpu.memory_space<vmem>>[vector<16xi32>, vector<16xi32>], vector<16xf32>,
        %scatter3A_209 = arith.constant 0 : i32
        %scatter3A_210 = arith.constant 0 : i32
        %scatter3A_211 = tpu.memref_slice %arg8[%select_n3A_153, %scatter3A_209, %scatter3A_210] : memref<2x64x128xf32, #tpu.memory_space<vmem>> -> memref<1x64x128xf32, #tpu.memory_space<vmem>>
        %scatter3A_212 = tpu.memref_squeeze %scatter3A_211 : memref<1x64x128xf32, #tpu.memory_space<vmem>> -> memref<64x128xf32, #tpu.memory_space<vmem>>
        tpu.vector_store_idx %scatter3A_212[%add3A_192, %broadcast_in_dim3A_207], %gather3A_208 : memref<64x128xf32, #tpu.memory_space<vmem>>[vector<16xi32>, vector<16xi32>], vector<16xf32>,
        %broadcast_in_dim3A_213 = arith.constant 3 : i32
        %broadcast_in_dim3A_214 = vector.broadcast %broadcast_in_dim3A_213 : i32 to vector<16xi32>
        %gather3A_215 = tpu.vector_load_idx %arg5[%broadcast_in_dim3A_214, %sub3A_189] : memref<16x6432xf32, #tpu.memory_space<vmem>>[vector<16xi32>, vector<16xi32>], vector<16xf32>,
        %scatter3A_216 = arith.constant 0 : i32
        %scatter3A_217 = arith.constant 0 : i32
        %scatter3A_218 = tpu.memref_slice %arg8[%select_n3A_153, %scatter3A_216, %scatter3A_217] : memref<2x64x128xf32, #tpu.memory_space<vmem>> -> memref<1x64x128xf32, #tpu.memory_space<vmem>>
        %scatter3A_219 = tpu.memref_squeeze %scatter3A_218 : memref<1x64x128xf32, #tpu.memory_space<vmem>> -> memref<64x128xf32, #tpu.memory_space<vmem>>
        tpu.vector_store_idx %scatter3A_219[%add3A_192, %broadcast_in_dim3A_214], %gather3A_215 : memref<64x128xf32, #tpu.memory_space<vmem>>[vector<16xi32>, vector<16xi32>], vector<16xf32>,
        %broadcast_in_dim3A_220 = arith.constant 4 : i32
        %broadcast_in_dim3A_221 = vector.broadcast %broadcast_in_dim3A_220 : i32 to vector<16xi32>
        %gather3A_222 = tpu.vector_load_idx %arg5[%broadcast_in_dim3A_221, %sub3A_189] : memref<16x6432xf32, #tpu.memory_space<vmem>>[vector<16xi32>, vector<16xi32>], vector<16xf32>,
        %scatter3A_223 = arith.constant 0 : i32
        %scatter3A_224 = arith.constant 0 : i32
        %scatter3A_225 = tpu.memref_slice %arg8[%select_n3A_153, %scatter3A_223, %scatter3A_224] : memref<2x64x128xf32, #tpu.memory_space<vmem>> -> memref<1x64x128xf32, #tpu.memory_space<vmem>>
        %scatter3A_226 = tpu.memref_squeeze %scatter3A_225 : memref<1x64x128xf32, #tpu.memory_space<vmem>> -> memref<64x128xf32, #tpu.memory_space<vmem>>
        tpu.vector_store_idx %scatter3A_226[%add3A_192, %broadcast_in_dim3A_221], %gather3A_222 : memref<64x128xf32, #tpu.memory_space<vmem>>[vector<16xi32>, vector<16xi32>], vector<16xf32>,
        %broadcast_in_dim3A_227 = arith.constant 5 : i32
        %broadcast_in_dim3A_228 = vector.broadcast %broadcast_in_dim3A_227 : i32 to vector<16xi32>
        %gather3A_229 = tpu.vector_load_idx %arg5[%broadcast_in_dim3A_228, %sub3A_189] : memref<16x6432xf32, #tpu.memory_space<vmem>>[vector<16xi32>, vector<16xi32>], vector<16xf32>,
        %scatter3A_230 = arith.constant 0 : i32
        %scatter3A_231 = arith.constant 0 : i32
        %scatter3A_232 = tpu.memref_slice %arg8[%select_n3A_153, %scatter3A_230, %scatter3A_231] : memref<2x64x128xf32, #tpu.memory_space<vmem>> -> memref<1x64x128xf32, #tpu.memory_space<vmem>>
        %scatter3A_233 = tpu.memref_squeeze %scatter3A_232 : memref<1x64x128xf32, #tpu.memory_space<vmem>> -> memref<64x128xf32, #tpu.memory_space<vmem>>
        tpu.vector_store_idx %scatter3A_233[%add3A_192, %broadcast_in_dim3A_228], %gather3A_229 : memref<64x128xf32, #tpu.memory_space<vmem>>[vector<16xi32>, vector<16xi32>], vector<16xf32>,
        %broadcast_in_dim3A_234 = arith.constant 6 : i32
        %broadcast_in_dim3A_235 = vector.broadcast %broadcast_in_dim3A_234 : i32 to vector<16xi32>
        %gather3A_236 = tpu.vector_load_idx %arg5[%broadcast_in_dim3A_235, %sub3A_189] : memref<16x6432xf32, #tpu.memory_space<vmem>>[vector<16xi32>, vector<16xi32>], vector<16xf32>,
        %scatter3A_237 = arith.constant 0 : i32
        %scatter3A_238 = arith.constant 0 : i32
        %scatter3A_239 = tpu.memref_slice %arg8[%select_n3A_153, %scatter3A_237, %scatter3A_238] : memref<2x64x128xf32, #tpu.memory_space<vmem>> -> memref<1x64x128xf32, #tpu.memory_space<vmem>>
        %scatter3A_240 = tpu.memref_squeeze %scatter3A_239 : memref<1x64x128xf32, #tpu.memory_space<vmem>> -> memref<64x128xf32, #tpu.memory_space<vmem>>
        tpu.vector_store_idx %scatter3A_240[%add3A_192, %broadcast_in_dim3A_235], %gather3A_236 : memref<64x128xf32, #tpu.memory_space<vmem>>[vector<16xi32>, vector<16xi32>], vector<16xf32>,
        %broadcast_in_dim3A_241 = arith.constant 7 : i32
        %broadcast_in_dim3A_242 = vector.broadcast %broadcast_in_dim3A_241 : i32 to vector<16xi32>
        %gather3A_243 = tpu.vector_load_idx %arg5[%broadcast_in_dim3A_242, %sub3A_189] : memref<16x6432xf32, #tpu.memory_space<vmem>>[vector<16xi32>, vector<16xi32>], vector<16xf32>,
        %scatter3A_244 = arith.constant 0 : i32
        %scatter3A_245 = arith.constant 0 : i32
        %scatter3A_246 = tpu.memref_slice %arg8[%select_n3A_153, %scatter3A_244, %scatter3A_245] : memref<2x64x128xf32, #tpu.memory_space<vmem>> -> memref<1x64x128xf32, #tpu.memory_space<vmem>>
        %scatter3A_247 = tpu.memref_squeeze %scatter3A_246 : memref<1x64x128xf32, #tpu.memory_space<vmem>> -> memref<64x128xf32, #tpu.memory_space<vmem>>
        tpu.vector_store_idx %scatter3A_247[%add3A_192, %broadcast_in_dim3A_242], %gather3A_243 : memref<64x128xf32, #tpu.memory_space<vmem>>[vector<16xi32>, vector<16xi32>], vector<16xf32>,
        %broadcast_in_dim3A_248 = arith.constant 8 : i32
        %broadcast_in_dim3A_249 = vector.broadcast %broadcast_in_dim3A_248 : i32 to vector<16xi32>
        %gather3A_250 = tpu.vector_load_idx %arg5[%broadcast_in_dim3A_249, %sub3A_189] : memref<16x6432xf32, #tpu.memory_space<vmem>>[vector<16xi32>, vector<16xi32>], vector<16xf32>,
        %scatter3A_251 = arith.constant 0 : i32
        %scatter3A_252 = arith.constant 0 : i32
        %scatter3A_253 = tpu.memref_slice %arg8[%select_n3A_153, %scatter3A_251, %scatter3A_252] : memref<2x64x128xf32, #tpu.memory_space<vmem>> -> memref<1x64x128xf32, #tpu.memory_space<vmem>>
        %scatter3A_254 = tpu.memref_squeeze %scatter3A_253 : memref<1x64x128xf32, #tpu.memory_space<vmem>> -> memref<64x128xf32, #tpu.memory_space<vmem>>
        tpu.vector_store_idx %scatter3A_254[%add3A_192, %broadcast_in_dim3A_249], %gather3A_250 : memref<64x128xf32, #tpu.memory_space<vmem>>[vector<16xi32>, vector<16xi32>], vector<16xf32>,
        %broadcast_in_dim3A_255 = arith.constant 9 : i32
        %broadcast_in_dim3A_256 = vector.broadcast %broadcast_in_dim3A_255 : i32 to vector<16xi32>
        %gather3A_257 = tpu.vector_load_idx %arg5[%broadcast_in_dim3A_256, %sub3A_189] : memref<16x6432xf32, #tpu.memory_space<vmem>>[vector<16xi32>, vector<16xi32>], vector<16xf32>,
        %scatter3A_258 = arith.constant 0 : i32
        %scatter3A_259 = arith.constant 0 : i32
        %scatter3A_260 = tpu.memref_slice %arg8[%select_n3A_153, %scatter3A_258, %scatter3A_259] : memref<2x64x128xf32, #tpu.memory_space<vmem>> -> memref<1x64x128xf32, #tpu.memory_space<vmem>>
        %scatter3A_261 = tpu.memref_squeeze %scatter3A_260 : memref<1x64x128xf32, #tpu.memory_space<vmem>> -> memref<64x128xf32, #tpu.memory_space<vmem>>
        tpu.vector_store_idx %scatter3A_261[%add3A_192, %broadcast_in_dim3A_256], %gather3A_257 : memref<64x128xf32, #tpu.memory_space<vmem>>[vector<16xi32>, vector<16xi32>], vector<16xf32>,
        %broadcast_in_dim3A_262 = arith.constant 10 : i32
        %broadcast_in_dim3A_263 = vector.broadcast %broadcast_in_dim3A_262 : i32 to vector<16xi32>
        %gather3A_264 = tpu.vector_load_idx %arg5[%broadcast_in_dim3A_263, %sub3A_189] : memref<16x6432xf32, #tpu.memory_space<vmem>>[vector<16xi32>, vector<16xi32>], vector<16xf32>,
        %scatter3A_265 = arith.constant 0 : i32
        %scatter3A_266 = arith.constant 0 : i32
        %scatter3A_267 = tpu.memref_slice %arg8[%select_n3A_153, %scatter3A_265, %scatter3A_266] : memref<2x64x128xf32, #tpu.memory_space<vmem>> -> memref<1x64x128xf32, #tpu.memory_space<vmem>>
        %scatter3A_268 = tpu.memref_squeeze %scatter3A_267 : memref<1x64x128xf32, #tpu.memory_space<vmem>> -> memref<64x128xf32, #tpu.memory_space<vmem>>
        tpu.vector_store_idx %scatter3A_268[%add3A_192, %broadcast_in_dim3A_263], %gather3A_264 : memref<64x128xf32, #tpu.memory_space<vmem>>[vector<16xi32>, vector<16xi32>], vector<16xf32>,
        %broadcast_in_dim3A_269 = arith.constant 11 : i32
        %broadcast_in_dim3A_270 = vector.broadcast %broadcast_in_dim3A_269 : i32 to vector<16xi32>
        %gather3A_271 = tpu.vector_load_idx %arg5[%broadcast_in_dim3A_270, %sub3A_189] : memref<16x6432xf32, #tpu.memory_space<vmem>>[vector<16xi32>, vector<16xi32>], vector<16xf32>,
        %scatter3A_272 = arith.constant 0 : i32
        %scatter3A_273 = arith.constant 0 : i32
        %scatter3A_274 = tpu.memref_slice %arg8[%select_n3A_153, %scatter3A_272, %scatter3A_273] : memref<2x64x128xf32, #tpu.memory_space<vmem>> -> memref<1x64x128xf32, #tpu.memory_space<vmem>>
        %scatter3A_275 = tpu.memref_squeeze %scatter3A_274 : memref<1x64x128xf32, #tpu.memory_space<vmem>> -> memref<64x128xf32, #tpu.memory_space<vmem>>
        tpu.vector_store_idx %scatter3A_275[%add3A_192, %broadcast_in_dim3A_270], %gather3A_271 : memref<64x128xf32, #tpu.memory_space<vmem>>[vector<16xi32>, vector<16xi32>], vector<16xf32>,
        %broadcast_in_dim3A_276 = arith.constant 12 : i32
        %broadcast_in_dim3A_277 = vector.broadcast %broadcast_in_dim3A_276 : i32 to vector<16xi32>
        %gather3A_278 = tpu.vector_load_idx %arg5[%broadcast_in_dim3A_277, %sub3A_189] : memref<16x6432xf32, #tpu.memory_space<vmem>>[vector<16xi32>, vector<16xi32>], vector<16xf32>,
        %scatter3A_279 = arith.constant 0 : i32
        %scatter3A_280 = arith.constant 0 : i32
        %scatter3A_281 = tpu.memref_slice %arg8[%select_n3A_153, %scatter3A_279, %scatter3A_280] : memref<2x64x128xf32, #tpu.memory_space<vmem>> -> memref<1x64x128xf32, #tpu.memory_space<vmem>>
        %scatter3A_282 = tpu.memref_squeeze %scatter3A_281 : memref<1x64x128xf32, #tpu.memory_space<vmem>> -> memref<64x128xf32, #tpu.memory_space<vmem>>
        tpu.vector_store_idx %scatter3A_282[%add3A_192, %broadcast_in_dim3A_277], %gather3A_278 : memref<64x128xf32, #tpu.memory_space<vmem>>[vector<16xi32>, vector<16xi32>], vector<16xf32>,
        %broadcast_in_dim3A_283 = arith.constant 13 : i32
        %broadcast_in_dim3A_284 = vector.broadcast %broadcast_in_dim3A_283 : i32 to vector<16xi32>
        %gather3A_285 = tpu.vector_load_idx %arg5[%broadcast_in_dim3A_284, %sub3A_189] : memref<16x6432xf32, #tpu.memory_space<vmem>>[vector<16xi32>, vector<16xi32>], vector<16xf32>,
        %scatter3A_286 = arith.constant 0 : i32
        %scatter3A_287 = arith.constant 0 : i32
        %scatter3A_288 = tpu.memref_slice %arg8[%select_n3A_153, %scatter3A_286, %scatter3A_287] : memref<2x64x128xf32, #tpu.memory_space<vmem>> -> memref<1x64x128xf32, #tpu.memory_space<vmem>>
        %scatter3A_289 = tpu.memref_squeeze %scatter3A_288 : memref<1x64x128xf32, #tpu.memory_space<vmem>> -> memref<64x128xf32, #tpu.memory_space<vmem>>
        tpu.vector_store_idx %scatter3A_289[%add3A_192, %broadcast_in_dim3A_284], %gather3A_285 : memref<64x128xf32, #tpu.memory_space<vmem>>[vector<16xi32>, vector<16xi32>], vector<16xf32>,
        %broadcast_in_dim3A_290 = arith.constant 14 : i32
        %broadcast_in_dim3A_291 = vector.broadcast %broadcast_in_dim3A_290 : i32 to vector<16xi32>
        %gather3A_292 = tpu.vector_load_idx %arg5[%broadcast_in_dim3A_291, %sub3A_189] : memref<16x6432xf32, #tpu.memory_space<vmem>>[vector<16xi32>, vector<16xi32>], vector<16xf32>,
        %scatter3A_293 = arith.constant 0 : i32
        %scatter3A_294 = arith.constant 0 : i32
        %scatter3A_295 = tpu.memref_slice %arg8[%select_n3A_153, %scatter3A_293, %scatter3A_294] : memref<2x64x128xf32, #tpu.memory_space<vmem>> -> memref<1x64x128xf32, #tpu.memory_space<vmem>>
        %scatter3A_296 = tpu.memref_squeeze %scatter3A_295 : memref<1x64x128xf32, #tpu.memory_space<vmem>> -> memref<64x128xf32, #tpu.memory_space<vmem>>
        tpu.vector_store_idx %scatter3A_296[%add3A_192, %broadcast_in_dim3A_291], %gather3A_292 : memref<64x128xf32, #tpu.memory_space<vmem>>[vector<16xi32>, vector<16xi32>], vector<16xf32>,
        %broadcast_in_dim3A_297 = arith.constant 15 : i32
        %broadcast_in_dim3A_298 = vector.broadcast %broadcast_in_dim3A_297 : i32 to vector<16xi32>
        %gather3A_299 = tpu.vector_load_idx %arg5[%broadcast_in_dim3A_298, %sub3A_189] : memref<16x6432xf32, #tpu.memory_space<vmem>>[vector<16xi32>, vector<16xi32>], vector<16xf32>,
        %scatter3A_300 = arith.constant 0 : i32
        %scatter3A_301 = arith.constant 0 : i32
        %scatter3A_302 = tpu.memref_slice %arg8[%select_n3A_153, %scatter3A_300, %scatter3A_301] : memref<2x64x128xf32, #tpu.memory_space<vmem>> -> memref<1x64x128xf32, #tpu.memory_space<vmem>>
        %scatter3A_303 = tpu.memref_squeeze %scatter3A_302 : memref<1x64x128xf32, #tpu.memory_space<vmem>> -> memref<64x128xf32, #tpu.memory_space<vmem>>
        tpu.vector_store_idx %scatter3A_303[%add3A_192, %broadcast_in_dim3A_298], %gather3A_299 : memref<64x128xf32, #tpu.memory_space<vmem>>[vector<16xi32>, vector<16xi32>], vector<16xf32>,
        %mul3A_304 = arith.constant 26 : i32
        %mul3A_305 = vector.broadcast %mul3A_304 : i32 to vector<16xi32>
        %mul3A_306 = arith.muli %select_n3A_187, %mul3A_305 : vector<16xi32>
        %add3A_307 = vector.broadcast %add3A : i32 to vector<16xi32>
        %add3A_308 = arith.addi %mul3A_306, %add3A_307 : vector<16xi32>
        %swap3A = arith.index_cast %select_n3A_153 : i32 to index
        %swap3A_309 = arith.constant 0 : index
        %swap3A_310 = tpu.vector_load %arg9[%swap3A, %swap3A_309] {strides = array<i32>} : memref<2x64xi32, #tpu.memory_space<vmem>>, vector<16xi32>,
        tpu.vector_store %arg9[%swap3A, %swap3A_309], %add3A_308 {strides = array<i32>} : memref<2x64xi32, #tpu.memory_space<vmem>>, vector<16xi32>,
        %mul3A_311 = arith.constant 64 : i32
        %mul3A_312 = arith.muli %while3A_134, %mul3A_311 : i32
        %add3A_313 = arith.constant 16 : i32
        %add3A_314 = arith.addi %mul3A_312, %add3A_313 : i32
        %add3A_315 = vector.broadcast %add3A_314 : i32 to vector<16xi32>
        %add3A_316 = arith.addi %add3A_315, %iota3A : vector<16xi32>
        %lt3A_317 = vector.broadcast %scan3A_62 : i32 to vector<16xi32>
        %lt3A_318 = arith.cmpi slt, %add3A_316, %lt3A_317 : vector<16xi32>
        %mul3A_319 = arith.constant 64 : i32
        %mul3A_320 = arith.muli %while3A_134, %mul3A_319 : i32
        %add3A_321 = arith.constant 16 : i32
        %add3A_322 = arith.addi %mul3A_320, %add3A_321 : i32
        %get3A_323 = arith.index_cast %add3A_322 : i32 to index
        %get3A_324 = tpu.vector_load %arg7[%get3A_323] {strides = array<i32>} : memref<4128xi32, #tpu.memory_space<vmem>>, vector<16xi32>,
        %broadcast_in_dim3A_325 = vector.broadcast %squeeze3A : i32 to vector<16xi32>
        %select_n3A_326 = arith.select %lt3A_318, %get3A_324, %broadcast_in_dim3A_325 : vector<16xi1>, vector<16xi32>
        %gather3A_327 = tpu.vector_load_idx %arg6[%select_n3A_326] : memref<4096xi32, #tpu.memory_space<vmem>>[vector<16xi32>], vector<16xi32>,
        %sub3A_328 = vector.broadcast %multiple_of3A : i32 to vector<16xi32>
        %sub3A_329 = arith.subi %gather3A_327, %sub3A_328 : vector<16xi32>
        %add3A_330 = arith.constant 16 : i32
        %add3A_331 = vector.broadcast %add3A_330 : i32 to vector<16xi32>
        %add3A_332 = arith.addi %add3A_331, %iota3A : vector<16xi32>
        %broadcast_in_dim3A_333 = arith.constant 0 : i32
        %broadcast_in_dim3A_334 = vector.broadcast %broadcast_in_dim3A_333 : i32 to vector<16xi32>
        %gather3A_335 = tpu.vector_load_idx %arg5[%broadcast_in_dim3A_334, %sub3A_329] : memref<16x6432xf32, #tpu.memory_space<vmem>>[vector<16xi32>, vector<16xi32>], vector<16xf32>,
        %scatter3A_336 = arith.constant 0 : i32
        %scatter3A_337 = arith.constant 0 : i32
        %scatter3A_338 = tpu.memref_slice %arg8[%select_n3A_153, %scatter3A_336, %scatter3A_337] : memref<2x64x128xf32, #tpu.memory_space<vmem>> -> memref<1x64x128xf32, #tpu.memory_space<vmem>>
        %scatter3A_339 = tpu.memref_squeeze %scatter3A_338 : memref<1x64x128xf32, #tpu.memory_space<vmem>> -> memref<64x128xf32, #tpu.memory_space<vmem>>
        tpu.vector_store_idx %scatter3A_339[%add3A_332, %broadcast_in_dim3A_334], %gather3A_335 : memref<64x128xf32, #tpu.memory_space<vmem>>[vector<16xi32>, vector<16xi32>], vector<16xf32>,
        %broadcast_in_dim3A_340 = arith.constant 1 : i32
        %broadcast_in_dim3A_341 = vector.broadcast %broadcast_in_dim3A_340 : i32 to vector<16xi32>
        %gather3A_342 = tpu.vector_load_idx %arg5[%broadcast_in_dim3A_341, %sub3A_329] : memref<16x6432xf32, #tpu.memory_space<vmem>>[vector<16xi32>, vector<16xi32>], vector<16xf32>,
        %scatter3A_343 = arith.constant 0 : i32
        %scatter3A_344 = arith.constant 0 : i32
        %scatter3A_345 = tpu.memref_slice %arg8[%select_n3A_153, %scatter3A_343, %scatter3A_344] : memref<2x64x128xf32, #tpu.memory_space<vmem>> -> memref<1x64x128xf32, #tpu.memory_space<vmem>>
        %scatter3A_346 = tpu.memref_squeeze %scatter3A_345 : memref<1x64x128xf32, #tpu.memory_space<vmem>> -> memref<64x128xf32, #tpu.memory_space<vmem>>
        tpu.vector_store_idx %scatter3A_346[%add3A_332, %broadcast_in_dim3A_341], %gather3A_342 : memref<64x128xf32, #tpu.memory_space<vmem>>[vector<16xi32>, vector<16xi32>], vector<16xf32>,
        %broadcast_in_dim3A_347 = arith.constant 2 : i32
        %broadcast_in_dim3A_348 = vector.broadcast %broadcast_in_dim3A_347 : i32 to vector<16xi32>
        %gather3A_349 = tpu.vector_load_idx %arg5[%broadcast_in_dim3A_348, %sub3A_329] : memref<16x6432xf32, #tpu.memory_space<vmem>>[vector<16xi32>, vector<16xi32>], vector<16xf32>,
        %scatter3A_350 = arith.constant 0 : i32
        %scatter3A_351 = arith.constant 0 : i32
        %scatter3A_352 = tpu.memref_slice %arg8[%select_n3A_153, %scatter3A_350, %scatter3A_351] : memref<2x64x128xf32, #tpu.memory_space<vmem>> -> memref<1x64x128xf32, #tpu.memory_space<vmem>>
        %scatter3A_353 = tpu.memref_squeeze %scatter3A_352 : memref<1x64x128xf32, #tpu.memory_space<vmem>> -> memref<64x128xf32, #tpu.memory_space<vmem>>
        tpu.vector_store_idx %scatter3A_353[%add3A_332, %broadcast_in_dim3A_348], %gather3A_349 : memref<64x128xf32, #tpu.memory_space<vmem>>[vector<16xi32>, vector<16xi32>], vector<16xf32>,
        %broadcast_in_dim3A_354 = arith.constant 3 : i32
        %broadcast_in_dim3A_355 = vector.broadcast %broadcast_in_dim3A_354 : i32 to vector<16xi32>
        %gather3A_356 = tpu.vector_load_idx %arg5[%broadcast_in_dim3A_355, %sub3A_329] : memref<16x6432xf32, #tpu.memory_space<vmem>>[vector<16xi32>, vector<16xi32>], vector<16xf32>,
        %scatter3A_357 = arith.constant 0 : i32
        %scatter3A_358 = arith.constant 0 : i32
        %scatter3A_359 = tpu.memref_slice %arg8[%select_n3A_153, %scatter3A_357, %scatter3A_358] : memref<2x64x128xf32, #tpu.memory_space<vmem>> -> memref<1x64x128xf32, #tpu.memory_space<vmem>>
        %scatter3A_360 = tpu.memref_squeeze %scatter3A_359 : memref<1x64x128xf32, #tpu.memory_space<vmem>> -> memref<64x128xf32, #tpu.memory_space<vmem>>
        tpu.vector_store_idx %scatter3A_360[%add3A_332, %broadcast_in_dim3A_355], %gather3A_356 : memref<64x128xf32, #tpu.memory_space<vmem>>[vector<16xi32>, vector<16xi32>], vector<16xf32>,
        %broadcast_in_dim3A_361 = arith.constant 4 : i32
        %broadcast_in_dim3A_362 = vector.broadcast %broadcast_in_dim3A_361 : i32 to vector<16xi32>
        %gather3A_363 = tpu.vector_load_idx %arg5[%broadcast_in_dim3A_362, %sub3A_329] : memref<16x6432xf32, #tpu.memory_space<vmem>>[vector<16xi32>, vector<16xi32>], vector<16xf32>,
        %scatter3A_364 = arith.constant 0 : i32
        %scatter3A_365 = arith.constant 0 : i32
        %scatter3A_366 = tpu.memref_slice %arg8[%select_n3A_153, %scatter3A_364, %scatter3A_365] : memref<2x64x128xf32, #tpu.memory_space<vmem>> -> memref<1x64x128xf32, #tpu.memory_space<vmem>>
        %scatter3A_367 = tpu.memref_squeeze %scatter3A_366 : memref<1x64x128xf32, #tpu.memory_space<vmem>> -> memref<64x128xf32, #tpu.memory_space<vmem>>
        tpu.vector_store_idx %scatter3A_367[%add3A_332, %broadcast_in_dim3A_362], %gather3A_363 : memref<64x128xf32, #tpu.memory_space<vmem>>[vector<16xi32>, vector<16xi32>], vector<16xf32>,
        %broadcast_in_dim3A_368 = arith.constant 5 : i32
        %broadcast_in_dim3A_369 = vector.broadcast %broadcast_in_dim3A_368 : i32 to vector<16xi32>
        %gather3A_370 = tpu.vector_load_idx %arg5[%broadcast_in_dim3A_369, %sub3A_329] : memref<16x6432xf32, #tpu.memory_space<vmem>>[vector<16xi32>, vector<16xi32>], vector<16xf32>,
        %scatter3A_371 = arith.constant 0 : i32
        %scatter3A_372 = arith.constant 0 : i32
        %scatter3A_373 = tpu.memref_slice %arg8[%select_n3A_153, %scatter3A_371, %scatter3A_372] : memref<2x64x128xf32, #tpu.memory_space<vmem>> -> memref<1x64x128xf32, #tpu.memory_space<vmem>>
        %scatter3A_374 = tpu.memref_squeeze %scatter3A_373 : memref<1x64x128xf32, #tpu.memory_space<vmem>> -> memref<64x128xf32, #tpu.memory_space<vmem>>
        tpu.vector_store_idx %scatter3A_374[%add3A_332, %broadcast_in_dim3A_369], %gather3A_370 : memref<64x128xf32, #tpu.memory_space<vmem>>[vector<16xi32>, vector<16xi32>], vector<16xf32>,
        %broadcast_in_dim3A_375 = arith.constant 6 : i32
        %broadcast_in_dim3A_376 = vector.broadcast %broadcast_in_dim3A_375 : i32 to vector<16xi32>
        %gather3A_377 = tpu.vector_load_idx %arg5[%broadcast_in_dim3A_376, %sub3A_329] : memref<16x6432xf32, #tpu.memory_space<vmem>>[vector<16xi32>, vector<16xi32>], vector<16xf32>,
        %scatter3A_378 = arith.constant 0 : i32
        %scatter3A_379 = arith.constant 0 : i32
        %scatter3A_380 = tpu.memref_slice %arg8[%select_n3A_153, %scatter3A_378, %scatter3A_379] : memref<2x64x128xf32, #tpu.memory_space<vmem>> -> memref<1x64x128xf32, #tpu.memory_space<vmem>>
        %scatter3A_381 = tpu.memref_squeeze %scatter3A_380 : memref<1x64x128xf32, #tpu.memory_space<vmem>> -> memref<64x128xf32, #tpu.memory_space<vmem>>
        tpu.vector_store_idx %scatter3A_381[%add3A_332, %broadcast_in_dim3A_376], %gather3A_377 : memref<64x128xf32, #tpu.memory_space<vmem>>[vector<16xi32>, vector<16xi32>], vector<16xf32>,
        %broadcast_in_dim3A_382 = arith.constant 7 : i32
        %broadcast_in_dim3A_383 = vector.broadcast %broadcast_in_dim3A_382 : i32 to vector<16xi32>
        %gather3A_384 = tpu.vector_load_idx %arg5[%broadcast_in_dim3A_383, %sub3A_329] : memref<16x6432xf32, #tpu.memory_space<vmem>>[vector<16xi32>, vector<16xi32>], vector<16xf32>,
        %scatter3A_385 = arith.constant 0 : i32
        %scatter3A_386 = arith.constant 0 : i32
        %scatter3A_387 = tpu.memref_slice %arg8[%select_n3A_153, %scatter3A_385, %scatter3A_386] : memref<2x64x128xf32, #tpu.memory_space<vmem>> -> memref<1x64x128xf32, #tpu.memory_space<vmem>>
        %scatter3A_388 = tpu.memref_squeeze %scatter3A_387 : memref<1x64x128xf32, #tpu.memory_space<vmem>> -> memref<64x128xf32, #tpu.memory_space<vmem>>
        tpu.vector_store_idx %scatter3A_388[%add3A_332, %broadcast_in_dim3A_383], %gather3A_384 : memref<64x128xf32, #tpu.memory_space<vmem>>[vector<16xi32>, vector<16xi32>], vector<16xf32>,
        %broadcast_in_dim3A_389 = arith.constant 8 : i32
        %broadcast_in_dim3A_390 = vector.broadcast %broadcast_in_dim3A_389 : i32 to vector<16xi32>
        %gather3A_391 = tpu.vector_load_idx %arg5[%broadcast_in_dim3A_390, %sub3A_329] : memref<16x6432xf32, #tpu.memory_space<vmem>>[vector<16xi32>, vector<16xi32>], vector<16xf32>,
        %scatter3A_392 = arith.constant 0 : i32
        %scatter3A_393 = arith.constant 0 : i32
        %scatter3A_394 = tpu.memref_slice %arg8[%select_n3A_153, %scatter3A_392, %scatter3A_393] : memref<2x64x128xf32, #tpu.memory_space<vmem>> -> memref<1x64x128xf32, #tpu.memory_space<vmem>>
        %scatter3A_395 = tpu.memref_squeeze %scatter3A_394 : memref<1x64x128xf32, #tpu.memory_space<vmem>> -> memref<64x128xf32, #tpu.memory_space<vmem>>
        tpu.vector_store_idx %scatter3A_395[%add3A_332, %broadcast_in_dim3A_390], %gather3A_391 : memref<64x128xf32, #tpu.memory_space<vmem>>[vector<16xi32>, vector<16xi32>], vector<16xf32>,
        %broadcast_in_dim3A_396 = arith.constant 9 : i32
        %broadcast_in_dim3A_397 = vector.broadcast %broadcast_in_dim3A_396 : i32 to vector<16xi32>
        %gather3A_398 = tpu.vector_load_idx %arg5[%broadcast_in_dim3A_397, %sub3A_329] : memref<16x6432xf32, #tpu.memory_space<vmem>>[vector<16xi32>, vector<16xi32>], vector<16xf32>,
        %scatter3A_399 = arith.constant 0 : i32
        %scatter3A_400 = arith.constant 0 : i32
        %scatter3A_401 = tpu.memref_slice %arg8[%select_n3A_153, %scatter3A_399, %scatter3A_400] : memref<2x64x128xf32, #tpu.memory_space<vmem>> -> memref<1x64x128xf32, #tpu.memory_space<vmem>>
        %scatter3A_402 = tpu.memref_squeeze %scatter3A_401 : memref<1x64x128xf32, #tpu.memory_space<vmem>> -> memref<64x128xf32, #tpu.memory_space<vmem>>
        tpu.vector_store_idx %scatter3A_402[%add3A_332, %broadcast_in_dim3A_397], %gather3A_398 : memref<64x128xf32, #tpu.memory_space<vmem>>[vector<16xi32>, vector<16xi32>], vector<16xf32>,
        %broadcast_in_dim3A_403 = arith.constant 10 : i32
        %broadcast_in_dim3A_404 = vector.broadcast %broadcast_in_dim3A_403 : i32 to vector<16xi32>
        %gather3A_405 = tpu.vector_load_idx %arg5[%broadcast_in_dim3A_404, %sub3A_329] : memref<16x6432xf32, #tpu.memory_space<vmem>>[vector<16xi32>, vector<16xi32>], vector<16xf32>,
        %scatter3A_406 = arith.constant 0 : i32
        %scatter3A_407 = arith.constant 0 : i32
        %scatter3A_408 = tpu.memref_slice %arg8[%select_n3A_153, %scatter3A_406, %scatter3A_407] : memref<2x64x128xf32, #tpu.memory_space<vmem>> -> memref<1x64x128xf32, #tpu.memory_space<vmem>>
        %scatter3A_409 = tpu.memref_squeeze %scatter3A_408 : memref<1x64x128xf32, #tpu.memory_space<vmem>> -> memref<64x128xf32, #tpu.memory_space<vmem>>
        tpu.vector_store_idx %scatter3A_409[%add3A_332, %broadcast_in_dim3A_404], %gather3A_405 : memref<64x128xf32, #tpu.memory_space<vmem>>[vector<16xi32>, vector<16xi32>], vector<16xf32>,
        %broadcast_in_dim3A_410 = arith.constant 11 : i32
        %broadcast_in_dim3A_411 = vector.broadcast %broadcast_in_dim3A_410 : i32 to vector<16xi32>
        %gather3A_412 = tpu.vector_load_idx %arg5[%broadcast_in_dim3A_411, %sub3A_329] : memref<16x6432xf32, #tpu.memory_space<vmem>>[vector<16xi32>, vector<16xi32>], vector<16xf32>,
        %scatter3A_413 = arith.constant 0 : i32
        %scatter3A_414 = arith.constant 0 : i32
        %scatter3A_415 = tpu.memref_slice %arg8[%select_n3A_153, %scatter3A_413, %scatter3A_414] : memref<2x64x128xf32, #tpu.memory_space<vmem>> -> memref<1x64x128xf32, #tpu.memory_space<vmem>>
        %scatter3A_416 = tpu.memref_squeeze %scatter3A_415 : memref<1x64x128xf32, #tpu.memory_space<vmem>> -> memref<64x128xf32, #tpu.memory_space<vmem>>
        tpu.vector_store_idx %scatter3A_416[%add3A_332, %broadcast_in_dim3A_411], %gather3A_412 : memref<64x128xf32, #tpu.memory_space<vmem>>[vector<16xi32>, vector<16xi32>], vector<16xf32>,
        %broadcast_in_dim3A_417 = arith.constant 12 : i32
        %broadcast_in_dim3A_418 = vector.broadcast %broadcast_in_dim3A_417 : i32 to vector<16xi32>
        %gather3A_419 = tpu.vector_load_idx %arg5[%broadcast_in_dim3A_418, %sub3A_329] : memref<16x6432xf32, #tpu.memory_space<vmem>>[vector<16xi32>, vector<16xi32>], vector<16xf32>,
        %scatter3A_420 = arith.constant 0 : i32
        %scatter3A_421 = arith.constant 0 : i32
        %scatter3A_422 = tpu.memref_slice %arg8[%select_n3A_153, %scatter3A_420, %scatter3A_421] : memref<2x64x128xf32, #tpu.memory_space<vmem>> -> memref<1x64x128xf32, #tpu.memory_space<vmem>>
        %scatter3A_423 = tpu.memref_squeeze %scatter3A_422 : memref<1x64x128xf32, #tpu.memory_space<vmem>> -> memref<64x128xf32, #tpu.memory_space<vmem>>
        tpu.vector_store_idx %scatter3A_423[%add3A_332, %broadcast_in_dim3A_418], %gather3A_419 : memref<64x128xf32, #tpu.memory_space<vmem>>[vector<16xi32>, vector<16xi32>], vector<16xf32>,
        %broadcast_in_dim3A_424 = arith.constant 13 : i32
        %broadcast_in_dim3A_425 = vector.broadcast %broadcast_in_dim3A_424 : i32 to vector<16xi32>
        %gather3A_426 = tpu.vector_load_idx %arg5[%broadcast_in_dim3A_425, %sub3A_329] : memref<16x6432xf32, #tpu.memory_space<vmem>>[vector<16xi32>, vector<16xi32>], vector<16xf32>,
        %scatter3A_427 = arith.constant 0 : i32
        %scatter3A_428 = arith.constant 0 : i32
        %scatter3A_429 = tpu.memref_slice %arg8[%select_n3A_153, %scatter3A_427, %scatter3A_428] : memref<2x64x128xf32, #tpu.memory_space<vmem>> -> memref<1x64x128xf32, #tpu.memory_space<vmem>>
        %scatter3A_430 = tpu.memref_squeeze %scatter3A_429 : memref<1x64x128xf32, #tpu.memory_space<vmem>> -> memref<64x128xf32, #tpu.memory_space<vmem>>
        tpu.vector_store_idx %scatter3A_430[%add3A_332, %broadcast_in_dim3A_425], %gather3A_426 : memref<64x128xf32, #tpu.memory_space<vmem>>[vector<16xi32>, vector<16xi32>], vector<16xf32>,
        %broadcast_in_dim3A_431 = arith.constant 14 : i32
        %broadcast_in_dim3A_432 = vector.broadcast %broadcast_in_dim3A_431 : i32 to vector<16xi32>
        %gather3A_433 = tpu.vector_load_idx %arg5[%broadcast_in_dim3A_432, %sub3A_329] : memref<16x6432xf32, #tpu.memory_space<vmem>>[vector<16xi32>, vector<16xi32>], vector<16xf32>,
        %scatter3A_434 = arith.constant 0 : i32
        %scatter3A_435 = arith.constant 0 : i32
        %scatter3A_436 = tpu.memref_slice %arg8[%select_n3A_153, %scatter3A_434, %scatter3A_435] : memref<2x64x128xf32, #tpu.memory_space<vmem>> -> memref<1x64x128xf32, #tpu.memory_space<vmem>>
        %scatter3A_437 = tpu.memref_squeeze %scatter3A_436 : memref<1x64x128xf32, #tpu.memory_space<vmem>> -> memref<64x128xf32, #tpu.memory_space<vmem>>
        tpu.vector_store_idx %scatter3A_437[%add3A_332, %broadcast_in_dim3A_432], %gather3A_433 : memref<64x128xf32, #tpu.memory_space<vmem>>[vector<16xi32>, vector<16xi32>], vector<16xf32>,
        %broadcast_in_dim3A_438 = arith.constant 15 : i32
        %broadcast_in_dim3A_439 = vector.broadcast %broadcast_in_dim3A_438 : i32 to vector<16xi32>
        %gather3A_440 = tpu.vector_load_idx %arg5[%broadcast_in_dim3A_439, %sub3A_329] : memref<16x6432xf32, #tpu.memory_space<vmem>>[vector<16xi32>, vector<16xi32>], vector<16xf32>,
        %scatter3A_441 = arith.constant 0 : i32
        %scatter3A_442 = arith.constant 0 : i32
        %scatter3A_443 = tpu.memref_slice %arg8[%select_n3A_153, %scatter3A_441, %scatter3A_442] : memref<2x64x128xf32, #tpu.memory_space<vmem>> -> memref<1x64x128xf32, #tpu.memory_space<vmem>>
        %scatter3A_444 = tpu.memref_squeeze %scatter3A_443 : memref<1x64x128xf32, #tpu.memory_space<vmem>> -> memref<64x128xf32, #tpu.memory_space<vmem>>
        tpu.vector_store_idx %scatter3A_444[%add3A_332, %broadcast_in_dim3A_439], %gather3A_440 : memref<64x128xf32, #tpu.memory_space<vmem>>[vector<16xi32>, vector<16xi32>], vector<16xf32>,
        %mul3A_445 = arith.constant 26 : i32
        %mul3A_446 = vector.broadcast %mul3A_445 : i32 to vector<16xi32>
        %mul3A_447 = arith.muli %select_n3A_326, %mul3A_446 : vector<16xi32>
        %add3A_448 = vector.broadcast %add3A : i32 to vector<16xi32>
        %add3A_449 = arith.addi %mul3A_447, %add3A_448 : vector<16xi32>
        %swap3A_450 = arith.index_cast %select_n3A_153 : i32 to index
        %swap3A_451 = arith.constant 16 : index
        %swap3A_452 = tpu.vector_load %arg9[%swap3A_450, %swap3A_451] {strides = array<i32>} : memref<2x64xi32, #tpu.memory_space<vmem>>, vector<16xi32>,
        tpu.vector_store %arg9[%swap3A_450, %swap3A_451], %add3A_449 {strides = array<i32>} : memref<2x64xi32, #tpu.memory_space<vmem>>, vector<16xi32>,
        %mul3A_453 = arith.constant 64 : i32
        %mul3A_454 = arith.muli %while3A_134, %mul3A_453 : i32
        %add3A_455 = arith.constant 32 : i32
        %add3A_456 = arith.addi %mul3A_454, %add3A_455 : i32
        %add3A_457 = vector.broadcast %add3A_456 : i32 to vector<16xi32>
        %add3A_458 = arith.addi %add3A_457, %iota3A : vector<16xi32>
        %lt3A_459 = vector.broadcast %scan3A_62 : i32 to vector<16xi32>
        %lt3A_460 = arith.cmpi slt, %add3A_458, %lt3A_459 : vector<16xi32>
        %mul3A_461 = arith.constant 64 : i32
        %mul3A_462 = arith.muli %while3A_134, %mul3A_461 : i32
        %add3A_463 = arith.constant 32 : i32
        %add3A_464 = arith.addi %mul3A_462, %add3A_463 : i32
        %get3A_465 = arith.index_cast %add3A_464 : i32 to index
        %get3A_466 = tpu.vector_load %arg7[%get3A_465] {strides = array<i32>} : memref<4128xi32, #tpu.memory_space<vmem>>, vector<16xi32>,
        %broadcast_in_dim3A_467 = vector.broadcast %squeeze3A : i32 to vector<16xi32>
        %select_n3A_468 = arith.select %lt3A_460, %get3A_466, %broadcast_in_dim3A_467 : vector<16xi1>, vector<16xi32>
        %gather3A_469 = tpu.vector_load_idx %arg6[%select_n3A_468] : memref<4096xi32, #tpu.memory_space<vmem>>[vector<16xi32>], vector<16xi32>,
        %sub3A_470 = vector.broadcast %multiple_of3A : i32 to vector<16xi32>
        %sub3A_471 = arith.subi %gather3A_469, %sub3A_470 : vector<16xi32>
        %add3A_472 = arith.constant 32 : i32
        %add3A_473 = vector.broadcast %add3A_472 : i32 to vector<16xi32>
        %add3A_474 = arith.addi %add3A_473, %iota3A : vector<16xi32>
        %broadcast_in_dim3A_475 = arith.constant 0 : i32
        %broadcast_in_dim3A_476 = vector.broadcast %broadcast_in_dim3A_475 : i32 to vector<16xi32>
        %gather3A_477 = tpu.vector_load_idx %arg5[%broadcast_in_dim3A_476, %sub3A_471] : memref<16x6432xf32, #tpu.memory_space<vmem>>[vector<16xi32>, vector<16xi32>], vector<16xf32>,
        %scatter3A_478 = arith.constant 0 : i32
        %scatter3A_479 = arith.constant 0 : i32
        %scatter3A_480 = tpu.memref_slice %arg8[%select_n3A_153, %scatter3A_478, %scatter3A_479] : memref<2x64x128xf32, #tpu.memory_space<vmem>> -> memref<1x64x128xf32, #tpu.memory_space<vmem>>
        %scatter3A_481 = tpu.memref_squeeze %scatter3A_480 : memref<1x64x128xf32, #tpu.memory_space<vmem>> -> memref<64x128xf32, #tpu.memory_space<vmem>>
        tpu.vector_store_idx %scatter3A_481[%add3A_474, %broadcast_in_dim3A_476], %gather3A_477 : memref<64x128xf32, #tpu.memory_space<vmem>>[vector<16xi32>, vector<16xi32>], vector<16xf32>,
        %broadcast_in_dim3A_482 = arith.constant 1 : i32
        %broadcast_in_dim3A_483 = vector.broadcast %broadcast_in_dim3A_482 : i32 to vector<16xi32>
        %gather3A_484 = tpu.vector_load_idx %arg5[%broadcast_in_dim3A_483, %sub3A_471] : memref<16x6432xf32, #tpu.memory_space<vmem>>[vector<16xi32>, vector<16xi32>], vector<16xf32>,
        %scatter3A_485 = arith.constant 0 : i32
        %scatter3A_486 = arith.constant 0 : i32
        %scatter3A_487 = tpu.memref_slice %arg8[%select_n3A_153, %scatter3A_485, %scatter3A_486] : memref<2x64x128xf32, #tpu.memory_space<vmem>> -> memref<1x64x128xf32, #tpu.memory_space<vmem>>
        %scatter3A_488 = tpu.memref_squeeze %scatter3A_487 : memref<1x64x128xf32, #tpu.memory_space<vmem>> -> memref<64x128xf32, #tpu.memory_space<vmem>>
        tpu.vector_store_idx %scatter3A_488[%add3A_474, %broadcast_in_dim3A_483], %gather3A_484 : memref<64x128xf32, #tpu.memory_space<vmem>>[vector<16xi32>, vector<16xi32>], vector<16xf32>,
        %broadcast_in_dim3A_489 = arith.constant 2 : i32
        %broadcast_in_dim3A_490 = vector.broadcast %broadcast_in_dim3A_489 : i32 to vector<16xi32>
        %gather3A_491 = tpu.vector_load_idx %arg5[%broadcast_in_dim3A_490, %sub3A_471] : memref<16x6432xf32, #tpu.memory_space<vmem>>[vector<16xi32>, vector<16xi32>], vector<16xf32>,
        %scatter3A_492 = arith.constant 0 : i32
        %scatter3A_493 = arith.constant 0 : i32
        %scatter3A_494 = tpu.memref_slice %arg8[%select_n3A_153, %scatter3A_492, %scatter3A_493] : memref<2x64x128xf32, #tpu.memory_space<vmem>> -> memref<1x64x128xf32, #tpu.memory_space<vmem>>
        %scatter3A_495 = tpu.memref_squeeze %scatter3A_494 : memref<1x64x128xf32, #tpu.memory_space<vmem>> -> memref<64x128xf32, #tpu.memory_space<vmem>>
        tpu.vector_store_idx %scatter3A_495[%add3A_474, %broadcast_in_dim3A_490], %gather3A_491 : memref<64x128xf32, #tpu.memory_space<vmem>>[vector<16xi32>, vector<16xi32>], vector<16xf32>,
        %broadcast_in_dim3A_496 = arith.constant 3 : i32
        %broadcast_in_dim3A_497 = vector.broadcast %broadcast_in_dim3A_496 : i32 to vector<16xi32>
        %gather3A_498 = tpu.vector_load_idx %arg5[%broadcast_in_dim3A_497, %sub3A_471] : memref<16x6432xf32, #tpu.memory_space<vmem>>[vector<16xi32>, vector<16xi32>], vector<16xf32>,
        %scatter3A_499 = arith.constant 0 : i32
        %scatter3A_500 = arith.constant 0 : i32
        %scatter3A_501 = tpu.memref_slice %arg8[%select_n3A_153, %scatter3A_499, %scatter3A_500] : memref<2x64x128xf32, #tpu.memory_space<vmem>> -> memref<1x64x128xf32, #tpu.memory_space<vmem>>
        %scatter3A_502 = tpu.memref_squeeze %scatter3A_501 : memref<1x64x128xf32, #tpu.memory_space<vmem>> -> memref<64x128xf32, #tpu.memory_space<vmem>>
        tpu.vector_store_idx %scatter3A_502[%add3A_474, %broadcast_in_dim3A_497], %gather3A_498 : memref<64x128xf32, #tpu.memory_space<vmem>>[vector<16xi32>, vector<16xi32>], vector<16xf32>,
        %broadcast_in_dim3A_503 = arith.constant 4 : i32
        %broadcast_in_dim3A_504 = vector.broadcast %broadcast_in_dim3A_503 : i32 to vector<16xi32>
        %gather3A_505 = tpu.vector_load_idx %arg5[%broadcast_in_dim3A_504, %sub3A_471] : memref<16x6432xf32, #tpu.memory_space<vmem>>[vector<16xi32>, vector<16xi32>], vector<16xf32>,
        %scatter3A_506 = arith.constant 0 : i32
        %scatter3A_507 = arith.constant 0 : i32
        %scatter3A_508 = tpu.memref_slice %arg8[%select_n3A_153, %scatter3A_506, %scatter3A_507] : memref<2x64x128xf32, #tpu.memory_space<vmem>> -> memref<1x64x128xf32, #tpu.memory_space<vmem>>
        %scatter3A_509 = tpu.memref_squeeze %scatter3A_508 : memref<1x64x128xf32, #tpu.memory_space<vmem>> -> memref<64x128xf32, #tpu.memory_space<vmem>>
        tpu.vector_store_idx %scatter3A_509[%add3A_474, %broadcast_in_dim3A_504], %gather3A_505 : memref<64x128xf32, #tpu.memory_space<vmem>>[vector<16xi32>, vector<16xi32>], vector<16xf32>,
        %broadcast_in_dim3A_510 = arith.constant 5 : i32
        %broadcast_in_dim3A_511 = vector.broadcast %broadcast_in_dim3A_510 : i32 to vector<16xi32>
        %gather3A_512 = tpu.vector_load_idx %arg5[%broadcast_in_dim3A_511, %sub3A_471] : memref<16x6432xf32, #tpu.memory_space<vmem>>[vector<16xi32>, vector<16xi32>], vector<16xf32>,
        %scatter3A_513 = arith.constant 0 : i32
        %scatter3A_514 = arith.constant 0 : i32
        %scatter3A_515 = tpu.memref_slice %arg8[%select_n3A_153, %scatter3A_513, %scatter3A_514] : memref<2x64x128xf32, #tpu.memory_space<vmem>> -> memref<1x64x128xf32, #tpu.memory_space<vmem>>
        %scatter3A_516 = tpu.memref_squeeze %scatter3A_515 : memref<1x64x128xf32, #tpu.memory_space<vmem>> -> memref<64x128xf32, #tpu.memory_space<vmem>>
        tpu.vector_store_idx %scatter3A_516[%add3A_474, %broadcast_in_dim3A_511], %gather3A_512 : memref<64x128xf32, #tpu.memory_space<vmem>>[vector<16xi32>, vector<16xi32>], vector<16xf32>,
        %broadcast_in_dim3A_517 = arith.constant 6 : i32
        %broadcast_in_dim3A_518 = vector.broadcast %broadcast_in_dim3A_517 : i32 to vector<16xi32>
        %gather3A_519 = tpu.vector_load_idx %arg5[%broadcast_in_dim3A_518, %sub3A_471] : memref<16x6432xf32, #tpu.memory_space<vmem>>[vector<16xi32>, vector<16xi32>], vector<16xf32>,
        %scatter3A_520 = arith.constant 0 : i32
        %scatter3A_521 = arith.constant 0 : i32
        %scatter3A_522 = tpu.memref_slice %arg8[%select_n3A_153, %scatter3A_520, %scatter3A_521] : memref<2x64x128xf32, #tpu.memory_space<vmem>> -> memref<1x64x128xf32, #tpu.memory_space<vmem>>
        %scatter3A_523 = tpu.memref_squeeze %scatter3A_522 : memref<1x64x128xf32, #tpu.memory_space<vmem>> -> memref<64x128xf32, #tpu.memory_space<vmem>>
        tpu.vector_store_idx %scatter3A_523[%add3A_474, %broadcast_in_dim3A_518], %gather3A_519 : memref<64x128xf32, #tpu.memory_space<vmem>>[vector<16xi32>, vector<16xi32>], vector<16xf32>,
        %broadcast_in_dim3A_524 = arith.constant 7 : i32
        %broadcast_in_dim3A_525 = vector.broadcast %broadcast_in_dim3A_524 : i32 to vector<16xi32>
        %gather3A_526 = tpu.vector_load_idx %arg5[%broadcast_in_dim3A_525, %sub3A_471] : memref<16x6432xf32, #tpu.memory_space<vmem>>[vector<16xi32>, vector<16xi32>], vector<16xf32>,
        %scatter3A_527 = arith.constant 0 : i32
        %scatter3A_528 = arith.constant 0 : i32
        %scatter3A_529 = tpu.memref_slice %arg8[%select_n3A_153, %scatter3A_527, %scatter3A_528] : memref<2x64x128xf32, #tpu.memory_space<vmem>> -> memref<1x64x128xf32, #tpu.memory_space<vmem>>
        %scatter3A_530 = tpu.memref_squeeze %scatter3A_529 : memref<1x64x128xf32, #tpu.memory_space<vmem>> -> memref<64x128xf32, #tpu.memory_space<vmem>>
        tpu.vector_store_idx %scatter3A_530[%add3A_474, %broadcast_in_dim3A_525], %gather3A_526 : memref<64x128xf32, #tpu.memory_space<vmem>>[vector<16xi32>, vector<16xi32>], vector<16xf32>,
        %broadcast_in_dim3A_531 = arith.constant 8 : i32
        %broadcast_in_dim3A_532 = vector.broadcast %broadcast_in_dim3A_531 : i32 to vector<16xi32>
        %gather3A_533 = tpu.vector_load_idx %arg5[%broadcast_in_dim3A_532, %sub3A_471] : memref<16x6432xf32, #tpu.memory_space<vmem>>[vector<16xi32>, vector<16xi32>], vector<16xf32>,
        %scatter3A_534 = arith.constant 0 : i32
        %scatter3A_535 = arith.constant 0 : i32
        %scatter3A_536 = tpu.memref_slice %arg8[%select_n3A_153, %scatter3A_534, %scatter3A_535] : memref<2x64x128xf32, #tpu.memory_space<vmem>> -> memref<1x64x128xf32, #tpu.memory_space<vmem>>
        %scatter3A_537 = tpu.memref_squeeze %scatter3A_536 : memref<1x64x128xf32, #tpu.memory_space<vmem>> -> memref<64x128xf32, #tpu.memory_space<vmem>>
        tpu.vector_store_idx %scatter3A_537[%add3A_474, %broadcast_in_dim3A_532], %gather3A_533 : memref<64x128xf32, #tpu.memory_space<vmem>>[vector<16xi32>, vector<16xi32>], vector<16xf32>,
        %broadcast_in_dim3A_538 = arith.constant 9 : i32
        %broadcast_in_dim3A_539 = vector.broadcast %broadcast_in_dim3A_538 : i32 to vector<16xi32>
        %gather3A_540 = tpu.vector_load_idx %arg5[%broadcast_in_dim3A_539, %sub3A_471] : memref<16x6432xf32, #tpu.memory_space<vmem>>[vector<16xi32>, vector<16xi32>], vector<16xf32>,
        %scatter3A_541 = arith.constant 0 : i32
        %scatter3A_542 = arith.constant 0 : i32
        %scatter3A_543 = tpu.memref_slice %arg8[%select_n3A_153, %scatter3A_541, %scatter3A_542] : memref<2x64x128xf32, #tpu.memory_space<vmem>> -> memref<1x64x128xf32, #tpu.memory_space<vmem>>
        %scatter3A_544 = tpu.memref_squeeze %scatter3A_543 : memref<1x64x128xf32, #tpu.memory_space<vmem>> -> memref<64x128xf32, #tpu.memory_space<vmem>>
        tpu.vector_store_idx %scatter3A_544[%add3A_474, %broadcast_in_dim3A_539], %gather3A_540 : memref<64x128xf32, #tpu.memory_space<vmem>>[vector<16xi32>, vector<16xi32>], vector<16xf32>,
        %broadcast_in_dim3A_545 = arith.constant 10 : i32
        %broadcast_in_dim3A_546 = vector.broadcast %broadcast_in_dim3A_545 : i32 to vector<16xi32>
        %gather3A_547 = tpu.vector_load_idx %arg5[%broadcast_in_dim3A_546, %sub3A_471] : memref<16x6432xf32, #tpu.memory_space<vmem>>[vector<16xi32>, vector<16xi32>], vector<16xf32>,
        %scatter3A_548 = arith.constant 0 : i32
        %scatter3A_549 = arith.constant 0 : i32
        %scatter3A_550 = tpu.memref_slice %arg8[%select_n3A_153, %scatter3A_548, %scatter3A_549] : memref<2x64x128xf32, #tpu.memory_space<vmem>> -> memref<1x64x128xf32, #tpu.memory_space<vmem>>
        %scatter3A_551 = tpu.memref_squeeze %scatter3A_550 : memref<1x64x128xf32, #tpu.memory_space<vmem>> -> memref<64x128xf32, #tpu.memory_space<vmem>>
        tpu.vector_store_idx %scatter3A_551[%add3A_474, %broadcast_in_dim3A_546], %gather3A_547 : memref<64x128xf32, #tpu.memory_space<vmem>>[vector<16xi32>, vector<16xi32>], vector<16xf32>,
        %broadcast_in_dim3A_552 = arith.constant 11 : i32
        %broadcast_in_dim3A_553 = vector.broadcast %broadcast_in_dim3A_552 : i32 to vector<16xi32>
        %gather3A_554 = tpu.vector_load_idx %arg5[%broadcast_in_dim3A_553, %sub3A_471] : memref<16x6432xf32, #tpu.memory_space<vmem>>[vector<16xi32>, vector<16xi32>], vector<16xf32>,
        %scatter3A_555 = arith.constant 0 : i32
        %scatter3A_556 = arith.constant 0 : i32
        %scatter3A_557 = tpu.memref_slice %arg8[%select_n3A_153, %scatter3A_555, %scatter3A_556] : memref<2x64x128xf32, #tpu.memory_space<vmem>> -> memref<1x64x128xf32, #tpu.memory_space<vmem>>
        %scatter3A_558 = tpu.memref_squeeze %scatter3A_557 : memref<1x64x128xf32, #tpu.memory_space<vmem>> -> memref<64x128xf32, #tpu.memory_space<vmem>>
        tpu.vector_store_idx %scatter3A_558[%add3A_474, %broadcast_in_dim3A_553], %gather3A_554 : memref<64x128xf32, #tpu.memory_space<vmem>>[vector<16xi32>, vector<16xi32>], vector<16xf32>,
        %broadcast_in_dim3A_559 = arith.constant 12 : i32
        %broadcast_in_dim3A_560 = vector.broadcast %broadcast_in_dim3A_559 : i32 to vector<16xi32>
        %gather3A_561 = tpu.vector_load_idx %arg5[%broadcast_in_dim3A_560, %sub3A_471] : memref<16x6432xf32, #tpu.memory_space<vmem>>[vector<16xi32>, vector<16xi32>], vector<16xf32>,
        %scatter3A_562 = arith.constant 0 : i32
        %scatter3A_563 = arith.constant 0 : i32
        %scatter3A_564 = tpu.memref_slice %arg8[%select_n3A_153, %scatter3A_562, %scatter3A_563] : memref<2x64x128xf32, #tpu.memory_space<vmem>> -> memref<1x64x128xf32, #tpu.memory_space<vmem>>
        %scatter3A_565 = tpu.memref_squeeze %scatter3A_564 : memref<1x64x128xf32, #tpu.memory_space<vmem>> -> memref<64x128xf32, #tpu.memory_space<vmem>>
        tpu.vector_store_idx %scatter3A_565[%add3A_474, %broadcast_in_dim3A_560], %gather3A_561 : memref<64x128xf32, #tpu.memory_space<vmem>>[vector<16xi32>, vector<16xi32>], vector<16xf32>,
        %broadcast_in_dim3A_566 = arith.constant 13 : i32
        %broadcast_in_dim3A_567 = vector.broadcast %broadcast_in_dim3A_566 : i32 to vector<16xi32>
        %gather3A_568 = tpu.vector_load_idx %arg5[%broadcast_in_dim3A_567, %sub3A_471] : memref<16x6432xf32, #tpu.memory_space<vmem>>[vector<16xi32>, vector<16xi32>], vector<16xf32>,
        %scatter3A_569 = arith.constant 0 : i32
        %scatter3A_570 = arith.constant 0 : i32
        %scatter3A_571 = tpu.memref_slice %arg8[%select_n3A_153, %scatter3A_569, %scatter3A_570] : memref<2x64x128xf32, #tpu.memory_space<vmem>> -> memref<1x64x128xf32, #tpu.memory_space<vmem>>
        %scatter3A_572 = tpu.memref_squeeze %scatter3A_571 : memref<1x64x128xf32, #tpu.memory_space<vmem>> -> memref<64x128xf32, #tpu.memory_space<vmem>>
        tpu.vector_store_idx %scatter3A_572[%add3A_474, %broadcast_in_dim3A_567], %gather3A_568 : memref<64x128xf32, #tpu.memory_space<vmem>>[vector<16xi32>, vector<16xi32>], vector<16xf32>,
        %broadcast_in_dim3A_573 = arith.constant 14 : i32
        %broadcast_in_dim3A_574 = vector.broadcast %broadcast_in_dim3A_573 : i32 to vector<16xi32>
        %gather3A_575 = tpu.vector_load_idx %arg5[%broadcast_in_dim3A_574, %sub3A_471] : memref<16x6432xf32, #tpu.memory_space<vmem>>[vector<16xi32>, vector<16xi32>], vector<16xf32>,
        %scatter3A_576 = arith.constant 0 : i32
        %scatter3A_577 = arith.constant 0 : i32
        %scatter3A_578 = tpu.memref_slice %arg8[%select_n3A_153, %scatter3A_576, %scatter3A_577] : memref<2x64x128xf32, #tpu.memory_space<vmem>> -> memref<1x64x128xf32, #tpu.memory_space<vmem>>
        %scatter3A_579 = tpu.memref_squeeze %scatter3A_578 : memref<1x64x128xf32, #tpu.memory_space<vmem>> -> memref<64x128xf32, #tpu.memory_space<vmem>>
        tpu.vector_store_idx %scatter3A_579[%add3A_474, %broadcast_in_dim3A_574], %gather3A_575 : memref<64x128xf32, #tpu.memory_space<vmem>>[vector<16xi32>, vector<16xi32>], vector<16xf32>,
        %broadcast_in_dim3A_580 = arith.constant 15 : i32
        %broadcast_in_dim3A_581 = vector.broadcast %broadcast_in_dim3A_580 : i32 to vector<16xi32>
        %gather3A_582 = tpu.vector_load_idx %arg5[%broadcast_in_dim3A_581, %sub3A_471] : memref<16x6432xf32, #tpu.memory_space<vmem>>[vector<16xi32>, vector<16xi32>], vector<16xf32>,
        %scatter3A_583 = arith.constant 0 : i32
        %scatter3A_584 = arith.constant 0 : i32
        %scatter3A_585 = tpu.memref_slice %arg8[%select_n3A_153, %scatter3A_583, %scatter3A_584] : memref<2x64x128xf32, #tpu.memory_space<vmem>> -> memref<1x64x128xf32, #tpu.memory_space<vmem>>
        %scatter3A_586 = tpu.memref_squeeze %scatter3A_585 : memref<1x64x128xf32, #tpu.memory_space<vmem>> -> memref<64x128xf32, #tpu.memory_space<vmem>>
        tpu.vector_store_idx %scatter3A_586[%add3A_474, %broadcast_in_dim3A_581], %gather3A_582 : memref<64x128xf32, #tpu.memory_space<vmem>>[vector<16xi32>, vector<16xi32>], vector<16xf32>,
        %mul3A_587 = arith.constant 26 : i32
        %mul3A_588 = vector.broadcast %mul3A_587 : i32 to vector<16xi32>
        %mul3A_589 = arith.muli %select_n3A_468, %mul3A_588 : vector<16xi32>
        %add3A_590 = vector.broadcast %add3A : i32 to vector<16xi32>
        %add3A_591 = arith.addi %mul3A_589, %add3A_590 : vector<16xi32>
        %swap3A_592 = arith.index_cast %select_n3A_153 : i32 to index
        %swap3A_593 = arith.constant 32 : index
        %swap3A_594 = tpu.vector_load %arg9[%swap3A_592, %swap3A_593] {strides = array<i32>} : memref<2x64xi32, #tpu.memory_space<vmem>>, vector<16xi32>,
        tpu.vector_store %arg9[%swap3A_592, %swap3A_593], %add3A_591 {strides = array<i32>} : memref<2x64xi32, #tpu.memory_space<vmem>>, vector<16xi32>,
        %mul3A_595 = arith.constant 64 : i32
        %mul3A_596 = arith.muli %while3A_134, %mul3A_595 : i32
        %add3A_597 = arith.constant 48 : i32
        %add3A_598 = arith.addi %mul3A_596, %add3A_597 : i32
        %add3A_599 = vector.broadcast %add3A_598 : i32 to vector<16xi32>
        %add3A_600 = arith.addi %add3A_599, %iota3A : vector<16xi32>
        %lt3A_601 = vector.broadcast %scan3A_62 : i32 to vector<16xi32>
        %lt3A_602 = arith.cmpi slt, %add3A_600, %lt3A_601 : vector<16xi32>
        %mul3A_603 = arith.constant 64 : i32
        %mul3A_604 = arith.muli %while3A_134, %mul3A_603 : i32
        %add3A_605 = arith.constant 48 : i32
        %add3A_606 = arith.addi %mul3A_604, %add3A_605 : i32
        %get3A_607 = arith.index_cast %add3A_606 : i32 to index
        %get3A_608 = tpu.vector_load %arg7[%get3A_607] {strides = array<i32>} : memref<4128xi32, #tpu.memory_space<vmem>>, vector<16xi32>,
        %broadcast_in_dim3A_609 = vector.broadcast %squeeze3A : i32 to vector<16xi32>
        %select_n3A_610 = arith.select %lt3A_602, %get3A_608, %broadcast_in_dim3A_609 : vector<16xi1>, vector<16xi32>
        %gather3A_611 = tpu.vector_load_idx %arg6[%select_n3A_610] : memref<4096xi32, #tpu.memory_space<vmem>>[vector<16xi32>], vector<16xi32>,
        %sub3A_612 = vector.broadcast %multiple_of3A : i32 to vector<16xi32>
        %sub3A_613 = arith.subi %gather3A_611, %sub3A_612 : vector<16xi32>
        %add3A_614 = arith.constant 48 : i32
        %add3A_615 = vector.broadcast %add3A_614 : i32 to vector<16xi32>
        %add3A_616 = arith.addi %add3A_615, %iota3A : vector<16xi32>
        %broadcast_in_dim3A_617 = arith.constant 0 : i32
        %broadcast_in_dim3A_618 = vector.broadcast %broadcast_in_dim3A_617 : i32 to vector<16xi32>
        %gather3A_619 = tpu.vector_load_idx %arg5[%broadcast_in_dim3A_618, %sub3A_613] : memref<16x6432xf32, #tpu.memory_space<vmem>>[vector<16xi32>, vector<16xi32>], vector<16xf32>,
        %scatter3A_620 = arith.constant 0 : i32
        %scatter3A_621 = arith.constant 0 : i32
        %scatter3A_622 = tpu.memref_slice %arg8[%select_n3A_153, %scatter3A_620, %scatter3A_621] : memref<2x64x128xf32, #tpu.memory_space<vmem>> -> memref<1x64x128xf32, #tpu.memory_space<vmem>>
        %scatter3A_623 = tpu.memref_squeeze %scatter3A_622 : memref<1x64x128xf32, #tpu.memory_space<vmem>> -> memref<64x128xf32, #tpu.memory_space<vmem>>
        tpu.vector_store_idx %scatter3A_623[%add3A_616, %broadcast_in_dim3A_618], %gather3A_619 : memref<64x128xf32, #tpu.memory_space<vmem>>[vector<16xi32>, vector<16xi32>], vector<16xf32>,
        %broadcast_in_dim3A_624 = arith.constant 1 : i32
        %broadcast_in_dim3A_625 = vector.broadcast %broadcast_in_dim3A_624 : i32 to vector<16xi32>
        %gather3A_626 = tpu.vector_load_idx %arg5[%broadcast_in_dim3A_625, %sub3A_613] : memref<16x6432xf32, #tpu.memory_space<vmem>>[vector<16xi32>, vector<16xi32>], vector<16xf32>,
        %scatter3A_627 = arith.constant 0 : i32
        %scatter3A_628 = arith.constant 0 : i32
        %scatter3A_629 = tpu.memref_slice %arg8[%select_n3A_153, %scatter3A_627, %scatter3A_628] : memref<2x64x128xf32, #tpu.memory_space<vmem>> -> memref<1x64x128xf32, #tpu.memory_space<vmem>>
        %scatter3A_630 = tpu.memref_squeeze %scatter3A_629 : memref<1x64x128xf32, #tpu.memory_space<vmem>> -> memref<64x128xf32, #tpu.memory_space<vmem>>
        tpu.vector_store_idx %scatter3A_630[%add3A_616, %broadcast_in_dim3A_625], %gather3A_626 : memref<64x128xf32, #tpu.memory_space<vmem>>[vector<16xi32>, vector<16xi32>], vector<16xf32>,
        %broadcast_in_dim3A_631 = arith.constant 2 : i32
        %broadcast_in_dim3A_632 = vector.broadcast %broadcast_in_dim3A_631 : i32 to vector<16xi32>
        %gather3A_633 = tpu.vector_load_idx %arg5[%broadcast_in_dim3A_632, %sub3A_613] : memref<16x6432xf32, #tpu.memory_space<vmem>>[vector<16xi32>, vector<16xi32>], vector<16xf32>,
        %scatter3A_634 = arith.constant 0 : i32
        %scatter3A_635 = arith.constant 0 : i32
        %scatter3A_636 = tpu.memref_slice %arg8[%select_n3A_153, %scatter3A_634, %scatter3A_635] : memref<2x64x128xf32, #tpu.memory_space<vmem>> -> memref<1x64x128xf32, #tpu.memory_space<vmem>>
        %scatter3A_637 = tpu.memref_squeeze %scatter3A_636 : memref<1x64x128xf32, #tpu.memory_space<vmem>> -> memref<64x128xf32, #tpu.memory_space<vmem>>
        tpu.vector_store_idx %scatter3A_637[%add3A_616, %broadcast_in_dim3A_632], %gather3A_633 : memref<64x128xf32, #tpu.memory_space<vmem>>[vector<16xi32>, vector<16xi32>], vector<16xf32>,
        %broadcast_in_dim3A_638 = arith.constant 3 : i32
        %broadcast_in_dim3A_639 = vector.broadcast %broadcast_in_dim3A_638 : i32 to vector<16xi32>
        %gather3A_640 = tpu.vector_load_idx %arg5[%broadcast_in_dim3A_639, %sub3A_613] : memref<16x6432xf32, #tpu.memory_space<vmem>>[vector<16xi32>, vector<16xi32>], vector<16xf32>,
        %scatter3A_641 = arith.constant 0 : i32
        %scatter3A_642 = arith.constant 0 : i32
        %scatter3A_643 = tpu.memref_slice %arg8[%select_n3A_153, %scatter3A_641, %scatter3A_642] : memref<2x64x128xf32, #tpu.memory_space<vmem>> -> memref<1x64x128xf32, #tpu.memory_space<vmem>>
        %scatter3A_644 = tpu.memref_squeeze %scatter3A_643 : memref<1x64x128xf32, #tpu.memory_space<vmem>> -> memref<64x128xf32, #tpu.memory_space<vmem>>
        tpu.vector_store_idx %scatter3A_644[%add3A_616, %broadcast_in_dim3A_639], %gather3A_640 : memref<64x128xf32, #tpu.memory_space<vmem>>[vector<16xi32>, vector<16xi32>], vector<16xf32>,
        %broadcast_in_dim3A_645 = arith.constant 4 : i32
        %broadcast_in_dim3A_646 = vector.broadcast %broadcast_in_dim3A_645 : i32 to vector<16xi32>
        %gather3A_647 = tpu.vector_load_idx %arg5[%broadcast_in_dim3A_646, %sub3A_613] : memref<16x6432xf32, #tpu.memory_space<vmem>>[vector<16xi32>, vector<16xi32>], vector<16xf32>,
        %scatter3A_648 = arith.constant 0 : i32
        %scatter3A_649 = arith.constant 0 : i32
        %scatter3A_650 = tpu.memref_slice %arg8[%select_n3A_153, %scatter3A_648, %scatter3A_649] : memref<2x64x128xf32, #tpu.memory_space<vmem>> -> memref<1x64x128xf32, #tpu.memory_space<vmem>>
        %scatter3A_651 = tpu.memref_squeeze %scatter3A_650 : memref<1x64x128xf32, #tpu.memory_space<vmem>> -> memref<64x128xf32, #tpu.memory_space<vmem>>
        tpu.vector_store_idx %scatter3A_651[%add3A_616, %broadcast_in_dim3A_646], %gather3A_647 : memref<64x128xf32, #tpu.memory_space<vmem>>[vector<16xi32>, vector<16xi32>], vector<16xf32>,
        %broadcast_in_dim3A_652 = arith.constant 5 : i32
        %broadcast_in_dim3A_653 = vector.broadcast %broadcast_in_dim3A_652 : i32 to vector<16xi32>
        %gather3A_654 = tpu.vector_load_idx %arg5[%broadcast_in_dim3A_653, %sub3A_613] : memref<16x6432xf32, #tpu.memory_space<vmem>>[vector<16xi32>, vector<16xi32>], vector<16xf32>,
        %scatter3A_655 = arith.constant 0 : i32
        %scatter3A_656 = arith.constant 0 : i32
        %scatter3A_657 = tpu.memref_slice %arg8[%select_n3A_153, %scatter3A_655, %scatter3A_656] : memref<2x64x128xf32, #tpu.memory_space<vmem>> -> memref<1x64x128xf32, #tpu.memory_space<vmem>>
        %scatter3A_658 = tpu.memref_squeeze %scatter3A_657 : memref<1x64x128xf32, #tpu.memory_space<vmem>> -> memref<64x128xf32, #tpu.memory_space<vmem>>
        tpu.vector_store_idx %scatter3A_658[%add3A_616, %broadcast_in_dim3A_653], %gather3A_654 : memref<64x128xf32, #tpu.memory_space<vmem>>[vector<16xi32>, vector<16xi32>], vector<16xf32>,
        %broadcast_in_dim3A_659 = arith.constant 6 : i32
        %broadcast_in_dim3A_660 = vector.broadcast %broadcast_in_dim3A_659 : i32 to vector<16xi32>
        %gather3A_661 = tpu.vector_load_idx %arg5[%broadcast_in_dim3A_660, %sub3A_613] : memref<16x6432xf32, #tpu.memory_space<vmem>>[vector<16xi32>, vector<16xi32>], vector<16xf32>,
        %scatter3A_662 = arith.constant 0 : i32
        %scatter3A_663 = arith.constant 0 : i32
        %scatter3A_664 = tpu.memref_slice %arg8[%select_n3A_153, %scatter3A_662, %scatter3A_663] : memref<2x64x128xf32, #tpu.memory_space<vmem>> -> memref<1x64x128xf32, #tpu.memory_space<vmem>>
        %scatter3A_665 = tpu.memref_squeeze %scatter3A_664 : memref<1x64x128xf32, #tpu.memory_space<vmem>> -> memref<64x128xf32, #tpu.memory_space<vmem>>
        tpu.vector_store_idx %scatter3A_665[%add3A_616, %broadcast_in_dim3A_660], %gather3A_661 : memref<64x128xf32, #tpu.memory_space<vmem>>[vector<16xi32>, vector<16xi32>], vector<16xf32>,
        %broadcast_in_dim3A_666 = arith.constant 7 : i32
        %broadcast_in_dim3A_667 = vector.broadcast %broadcast_in_dim3A_666 : i32 to vector<16xi32>
        %gather3A_668 = tpu.vector_load_idx %arg5[%broadcast_in_dim3A_667, %sub3A_613] : memref<16x6432xf32, #tpu.memory_space<vmem>>[vector<16xi32>, vector<16xi32>], vector<16xf32>,
        %scatter3A_669 = arith.constant 0 : i32
        %scatter3A_670 = arith.constant 0 : i32
        %scatter3A_671 = tpu.memref_slice %arg8[%select_n3A_153, %scatter3A_669, %scatter3A_670] : memref<2x64x128xf32, #tpu.memory_space<vmem>> -> memref<1x64x128xf32, #tpu.memory_space<vmem>>
        %scatter3A_672 = tpu.memref_squeeze %scatter3A_671 : memref<1x64x128xf32, #tpu.memory_space<vmem>> -> memref<64x128xf32, #tpu.memory_space<vmem>>
        tpu.vector_store_idx %scatter3A_672[%add3A_616, %broadcast_in_dim3A_667], %gather3A_668 : memref<64x128xf32, #tpu.memory_space<vmem>>[vector<16xi32>, vector<16xi32>], vector<16xf32>,
        %broadcast_in_dim3A_673 = arith.constant 8 : i32
        %broadcast_in_dim3A_674 = vector.broadcast %broadcast_in_dim3A_673 : i32 to vector<16xi32>
        %gather3A_675 = tpu.vector_load_idx %arg5[%broadcast_in_dim3A_674, %sub3A_613] : memref<16x6432xf32, #tpu.memory_space<vmem>>[vector<16xi32>, vector<16xi32>], vector<16xf32>,
        %scatter3A_676 = arith.constant 0 : i32
        %scatter3A_677 = arith.constant 0 : i32
        %scatter3A_678 = tpu.memref_slice %arg8[%select_n3A_153, %scatter3A_676, %scatter3A_677] : memref<2x64x128xf32, #tpu.memory_space<vmem>> -> memref<1x64x128xf32, #tpu.memory_space<vmem>>
        %scatter3A_679 = tpu.memref_squeeze %scatter3A_678 : memref<1x64x128xf32, #tpu.memory_space<vmem>> -> memref<64x128xf32, #tpu.memory_space<vmem>>
        tpu.vector_store_idx %scatter3A_679[%add3A_616, %broadcast_in_dim3A_674], %gather3A_675 : memref<64x128xf32, #tpu.memory_space<vmem>>[vector<16xi32>, vector<16xi32>], vector<16xf32>,
        %broadcast_in_dim3A_680 = arith.constant 9 : i32
        %broadcast_in_dim3A_681 = vector.broadcast %broadcast_in_dim3A_680 : i32 to vector<16xi32>
        %gather3A_682 = tpu.vector_load_idx %arg5[%broadcast_in_dim3A_681, %sub3A_613] : memref<16x6432xf32, #tpu.memory_space<vmem>>[vector<16xi32>, vector<16xi32>], vector<16xf32>,
        %scatter3A_683 = arith.constant 0 : i32
        %scatter3A_684 = arith.constant 0 : i32
        %scatter3A_685 = tpu.memref_slice %arg8[%select_n3A_153, %scatter3A_683, %scatter3A_684] : memref<2x64x128xf32, #tpu.memory_space<vmem>> -> memref<1x64x128xf32, #tpu.memory_space<vmem>>
        %scatter3A_686 = tpu.memref_squeeze %scatter3A_685 : memref<1x64x128xf32, #tpu.memory_space<vmem>> -> memref<64x128xf32, #tpu.memory_space<vmem>>
        tpu.vector_store_idx %scatter3A_686[%add3A_616, %broadcast_in_dim3A_681], %gather3A_682 : memref<64x128xf32, #tpu.memory_space<vmem>>[vector<16xi32>, vector<16xi32>], vector<16xf32>,
        %broadcast_in_dim3A_687 = arith.constant 10 : i32
        %broadcast_in_dim3A_688 = vector.broadcast %broadcast_in_dim3A_687 : i32 to vector<16xi32>
        %gather3A_689 = tpu.vector_load_idx %arg5[%broadcast_in_dim3A_688, %sub3A_613] : memref<16x6432xf32, #tpu.memory_space<vmem>>[vector<16xi32>, vector<16xi32>], vector<16xf32>,
        %scatter3A_690 = arith.constant 0 : i32
        %scatter3A_691 = arith.constant 0 : i32
        %scatter3A_692 = tpu.memref_slice %arg8[%select_n3A_153, %scatter3A_690, %scatter3A_691] : memref<2x64x128xf32, #tpu.memory_space<vmem>> -> memref<1x64x128xf32, #tpu.memory_space<vmem>>
        %scatter3A_693 = tpu.memref_squeeze %scatter3A_692 : memref<1x64x128xf32, #tpu.memory_space<vmem>> -> memref<64x128xf32, #tpu.memory_space<vmem>>
        tpu.vector_store_idx %scatter3A_693[%add3A_616, %broadcast_in_dim3A_688], %gather3A_689 : memref<64x128xf32, #tpu.memory_space<vmem>>[vector<16xi32>, vector<16xi32>], vector<16xf32>,
        %broadcast_in_dim3A_694 = arith.constant 11 : i32
        %broadcast_in_dim3A_695 = vector.broadcast %broadcast_in_dim3A_694 : i32 to vector<16xi32>
        %gather3A_696 = tpu.vector_load_idx %arg5[%broadcast_in_dim3A_695, %sub3A_613] : memref<16x6432xf32, #tpu.memory_space<vmem>>[vector<16xi32>, vector<16xi32>], vector<16xf32>,
        %scatter3A_697 = arith.constant 0 : i32
        %scatter3A_698 = arith.constant 0 : i32
        %scatter3A_699 = tpu.memref_slice %arg8[%select_n3A_153, %scatter3A_697, %scatter3A_698] : memref<2x64x128xf32, #tpu.memory_space<vmem>> -> memref<1x64x128xf32, #tpu.memory_space<vmem>>
        %scatter3A_700 = tpu.memref_squeeze %scatter3A_699 : memref<1x64x128xf32, #tpu.memory_space<vmem>> -> memref<64x128xf32, #tpu.memory_space<vmem>>
        tpu.vector_store_idx %scatter3A_700[%add3A_616, %broadcast_in_dim3A_695], %gather3A_696 : memref<64x128xf32, #tpu.memory_space<vmem>>[vector<16xi32>, vector<16xi32>], vector<16xf32>,
        %broadcast_in_dim3A_701 = arith.constant 12 : i32
        %broadcast_in_dim3A_702 = vector.broadcast %broadcast_in_dim3A_701 : i32 to vector<16xi32>
        %gather3A_703 = tpu.vector_load_idx %arg5[%broadcast_in_dim3A_702, %sub3A_613] : memref<16x6432xf32, #tpu.memory_space<vmem>>[vector<16xi32>, vector<16xi32>], vector<16xf32>,
        %scatter3A_704 = arith.constant 0 : i32
        %scatter3A_705 = arith.constant 0 : i32
        %scatter3A_706 = tpu.memref_slice %arg8[%select_n3A_153, %scatter3A_704, %scatter3A_705] : memref<2x64x128xf32, #tpu.memory_space<vmem>> -> memref<1x64x128xf32, #tpu.memory_space<vmem>>
        %scatter3A_707 = tpu.memref_squeeze %scatter3A_706 : memref<1x64x128xf32, #tpu.memory_space<vmem>> -> memref<64x128xf32, #tpu.memory_space<vmem>>
        tpu.vector_store_idx %scatter3A_707[%add3A_616, %broadcast_in_dim3A_702], %gather3A_703 : memref<64x128xf32, #tpu.memory_space<vmem>>[vector<16xi32>, vector<16xi32>], vector<16xf32>,
        %broadcast_in_dim3A_708 = arith.constant 13 : i32
        %broadcast_in_dim3A_709 = vector.broadcast %broadcast_in_dim3A_708 : i32 to vector<16xi32>
        %gather3A_710 = tpu.vector_load_idx %arg5[%broadcast_in_dim3A_709, %sub3A_613] : memref<16x6432xf32, #tpu.memory_space<vmem>>[vector<16xi32>, vector<16xi32>], vector<16xf32>,
        %scatter3A_711 = arith.constant 0 : i32
        %scatter3A_712 = arith.constant 0 : i32
        %scatter3A_713 = tpu.memref_slice %arg8[%select_n3A_153, %scatter3A_711, %scatter3A_712] : memref<2x64x128xf32, #tpu.memory_space<vmem>> -> memref<1x64x128xf32, #tpu.memory_space<vmem>>
        %scatter3A_714 = tpu.memref_squeeze %scatter3A_713 : memref<1x64x128xf32, #tpu.memory_space<vmem>> -> memref<64x128xf32, #tpu.memory_space<vmem>>
        tpu.vector_store_idx %scatter3A_714[%add3A_616, %broadcast_in_dim3A_709], %gather3A_710 : memref<64x128xf32, #tpu.memory_space<vmem>>[vector<16xi32>, vector<16xi32>], vector<16xf32>,
        %broadcast_in_dim3A_715 = arith.constant 14 : i32
        %broadcast_in_dim3A_716 = vector.broadcast %broadcast_in_dim3A_715 : i32 to vector<16xi32>
        %gather3A_717 = tpu.vector_load_idx %arg5[%broadcast_in_dim3A_716, %sub3A_613] : memref<16x6432xf32, #tpu.memory_space<vmem>>[vector<16xi32>, vector<16xi32>], vector<16xf32>,
        %scatter3A_718 = arith.constant 0 : i32
        %scatter3A_719 = arith.constant 0 : i32
        %scatter3A_720 = tpu.memref_slice %arg8[%select_n3A_153, %scatter3A_718, %scatter3A_719] : memref<2x64x128xf32, #tpu.memory_space<vmem>> -> memref<1x64x128xf32, #tpu.memory_space<vmem>>
        %scatter3A_721 = tpu.memref_squeeze %scatter3A_720 : memref<1x64x128xf32, #tpu.memory_space<vmem>> -> memref<64x128xf32, #tpu.memory_space<vmem>>
        tpu.vector_store_idx %scatter3A_721[%add3A_616, %broadcast_in_dim3A_716], %gather3A_717 : memref<64x128xf32, #tpu.memory_space<vmem>>[vector<16xi32>, vector<16xi32>], vector<16xf32>,
        %broadcast_in_dim3A_722 = arith.constant 15 : i32
        %broadcast_in_dim3A_723 = vector.broadcast %broadcast_in_dim3A_722 : i32 to vector<16xi32>
        %gather3A_724 = tpu.vector_load_idx %arg5[%broadcast_in_dim3A_723, %sub3A_613] : memref<16x6432xf32, #tpu.memory_space<vmem>>[vector<16xi32>, vector<16xi32>], vector<16xf32>,
        %scatter3A_725 = arith.constant 0 : i32
        %scatter3A_726 = arith.constant 0 : i32
        %scatter3A_727 = tpu.memref_slice %arg8[%select_n3A_153, %scatter3A_725, %scatter3A_726] : memref<2x64x128xf32, #tpu.memory_space<vmem>> -> memref<1x64x128xf32, #tpu.memory_space<vmem>>
        %scatter3A_728 = tpu.memref_squeeze %scatter3A_727 : memref<1x64x128xf32, #tpu.memory_space<vmem>> -> memref<64x128xf32, #tpu.memory_space<vmem>>
        tpu.vector_store_idx %scatter3A_728[%add3A_616, %broadcast_in_dim3A_723], %gather3A_724 : memref<64x128xf32, #tpu.memory_space<vmem>>[vector<16xi32>, vector<16xi32>], vector<16xf32>,
        %mul3A_729 = arith.constant 26 : i32
        %mul3A_730 = vector.broadcast %mul3A_729 : i32 to vector<16xi32>
        %mul3A_731 = arith.muli %select_n3A_610, %mul3A_730 : vector<16xi32>
        %add3A_732 = vector.broadcast %add3A : i32 to vector<16xi32>
        %add3A_733 = arith.addi %mul3A_731, %add3A_732 : vector<16xi32>
        %swap3A_734 = arith.index_cast %select_n3A_153 : i32 to index
        %swap3A_735 = arith.constant 48 : index
        %swap3A_736 = tpu.vector_load %arg9[%swap3A_734, %swap3A_735] {strides = array<i32>} : memref<2x64xi32, #tpu.memory_space<vmem>>, vector<16xi32>,
        tpu.vector_store %arg9[%swap3A_734, %swap3A_735], %add3A_733 {strides = array<i32>} : memref<2x64xi32, #tpu.memory_space<vmem>>, vector<16xi32>,
        %eq3A_737 = arith.constant 0 : i32
        %eq3A_738 = arith.cmpi eq, %select_n3A_153, %eq3A_737 : i32
        %convert_element_type3A_739 = arith.extui %eq3A_738 : i1 to i32
        %cond3A_740 = arith.constant 0 : i32
        %cond3A_741 = arith.cmpi ne, %convert_element_type3A_739, %cond3A_740 : i32
        scf.if %cond3A_741 {
          %dma_start3A_755 = arith.constant 0 : i32
          %dma_start3A_756 = arith.constant 0 : i32
          %dma_start3A_757 = arith.constant 0 : i32
          %dma_start3A_758 = arith.constant 0 : i32
          %dma_start3A_759 = tpu.memref_slice %arg8[%dma_start3A_755, %dma_start3A_757, %dma_start3A_758] : memref<2x64x128xf32, #tpu.memory_space<vmem>> -> memref<1x64x128xf32, #tpu.memory_space<vmem>>
          %dma_start3A_760 = tpu.memref_squeeze %dma_start3A_759 : memref<1x64x128xf32, #tpu.memory_space<vmem>> -> memref<64x128xf32, #tpu.memory_space<vmem>>
          %dma_start3A_761 = arith.constant 0 : i32
          %dma_start3A_762 = tpu.memref_slice %arg9[%dma_start3A_756, %dma_start3A_761] : memref<2x64xi32, #tpu.memory_space<vmem>> -> memref<1x64xi32, #tpu.memory_space<vmem>>
          %dma_start3A_763 = tpu.memref_squeeze %dma_start3A_762 : memref<1x64xi32, #tpu.memory_space<vmem>> -> memref<64xi32, #tpu.memory_space<vmem>>
          %dma_start3A_764 = arith.constant 0 : i32
          %dma_start3A_765 = arith.constant 0 : i32
          %dma_start3A_766 = tpu.memref_slice %arg4[%dma_start3A_764, %dma_start3A_765] : memref<106496x128xf32, #tpu.memory_space<hbm>> -> memref<106496x128xf32, #tpu.memory_space<hbm>>
          tpu.enqueue_indirect_dma source(%dma_start3A_760 : memref<64x128xf32, #tpu.memory_space<vmem>>) target(%dma_start3A_766 : memref<106496x128xf32, #tpu.memory_space<hbm>>) offsets(%dma_start3A_763 : memref<64xi32, #tpu.memory_space<vmem>>) semaphore(%arg10 : memref<!tpu.dma_semaphore, #tpu.memory_space<semaphore_mem>>)
        } else {
        }
        %eq3A_742 = arith.constant 1 : i32
        %eq3A_743 = arith.cmpi eq, %select_n3A_153, %eq3A_742 : i32
        %convert_element_type3A_744 = arith.extui %eq3A_743 : i1 to i32
        %cond3A_745 = arith.constant 0 : i32
        %cond3A_746 = arith.cmpi ne, %convert_element_type3A_744, %cond3A_745 : i32
        scf.if %cond3A_746 {
          %dma_start3A_755 = arith.constant 1 : i32
          %dma_start3A_756 = arith.constant 1 : i32
          %dma_start3A_757 = arith.constant 0 : i32
          %dma_start3A_758 = arith.constant 0 : i32
          %dma_start3A_759 = tpu.memref_slice %arg8[%dma_start3A_755, %dma_start3A_757, %dma_start3A_758] : memref<2x64x128xf32, #tpu.memory_space<vmem>> -> memref<1x64x128xf32, #tpu.memory_space<vmem>>
          %dma_start3A_760 = tpu.memref_squeeze %dma_start3A_759 : memref<1x64x128xf32, #tpu.memory_space<vmem>> -> memref<64x128xf32, #tpu.memory_space<vmem>>
          %dma_start3A_761 = arith.constant 0 : i32
          %dma_start3A_762 = tpu.memref_slice %arg9[%dma_start3A_756, %dma_start3A_761] : memref<2x64xi32, #tpu.memory_space<vmem>> -> memref<1x64xi32, #tpu.memory_space<vmem>>
          %dma_start3A_763 = tpu.memref_squeeze %dma_start3A_762 : memref<1x64xi32, #tpu.memory_space<vmem>> -> memref<64xi32, #tpu.memory_space<vmem>>
          %dma_start3A_764 = arith.constant 0 : i32
          %dma_start3A_765 = arith.constant 0 : i32
          %dma_start3A_766 = tpu.memref_slice %arg4[%dma_start3A_764, %dma_start3A_765] : memref<106496x128xf32, #tpu.memory_space<hbm>> -> memref<106496x128xf32, #tpu.memory_space<hbm>>
          tpu.enqueue_indirect_dma source(%dma_start3A_760 : memref<64x128xf32, #tpu.memory_space<vmem>>) target(%dma_start3A_766 : memref<106496x128xf32, #tpu.memory_space<hbm>>) offsets(%dma_start3A_763 : memref<64xi32, #tpu.memory_space<vmem>>) semaphore(%arg11 : memref<!tpu.dma_semaphore, #tpu.memory_space<semaphore_mem>>)
        } else {
        }
        %eq3A_747 = arith.constant 0 : i32
        %eq3A_748 = arith.cmpi eq, %select_n3A_153, %eq3A_747 : i32
        %jit3A_749 = arith.constant 1 : i32
        %select_n3A_750 = arith.select %eq3A_748, %jit3A_749, %while3A_135 : i32
        %eq3A_751 = arith.constant 1 : i32
        %eq3A_752 = arith.cmpi eq, %select_n3A_153, %eq3A_751 : i32
        %jit3A_753 = arith.constant 1 : i32
        %select_n3A_754 = arith.select %eq3A_752, %jit3A_753, %while3A_136 : i32
        scf.yield %select_n3A_750, %select_n3A_754 : i32, i32
      }
      %add3A_118 = arith.addi %scan3A_39, %select_n3A_107 : i32
      %jit3A_119 = arith.constant 2 : i32
      %eq3A_120 = arith.constant 0 : i32
      %eq3A_121 = arith.cmpi eq, %jit3A_119, %eq3A_120 : i32
      %jit3A_122 = arith.constant 1 : i32
      %select_n3A_123 = arith.select %eq3A_121, %jit3A_122, %jit3A_119 : i32
      %rem3A_124 = arith.remsi %add3A_118, %select_n3A_123 : i32
      %ne3A_125 = arith.constant 0 : i32
      %ne3A_126 = arith.cmpi ne, %rem3A_124, %ne3A_125 : i32
      %lt3A = arith.constant 0 : i32
      %lt3A_127 = arith.cmpi slt, %rem3A_124, %lt3A : i32
      %lt3A_128 = arith.constant 0 : i32
      %lt3A_129 = arith.cmpi slt, %select_n3A_123, %lt3A_128 : i32
      %ne3A_130 = arith.xori %lt3A_127, %lt3A_129 : i1
      %and3A_131 = arith.andi %ne3A_130, %ne3A_126 : i1
      %add3A_132 = arith.addi %rem3A_124, %select_n3A_123 : i32
      %select_n3A_133 = arith.select %and3A_131, %add3A_132, %rem3A_124 : i32
      scf.yield %select_n3A_133, %while3A_117#0, %while3A_117#1 : i32, i32, i32
    }
    %scan3A_29 = arith.constant 13 : i32
    %eq3A_30 = arith.constant 1 : i32
    %eq3A_31 = arith.cmpi eq, %scan3A_28#1, %eq3A_30 : i32
    %convert_element_type3A = arith.extui %eq3A_31 : i1 to i32
    %cond3A = arith.constant 0 : i32
    %cond3A_32 = arith.cmpi ne, %convert_element_type3A, %cond3A : i32
    scf.if %cond3A_32 {
      %dma_wait3A = arith.constant 0 : i32
      %dma_wait3A_38 = arith.constant 0 : i32
      %dma_wait3A_39 = arith.constant 0 : i32
      %dma_wait3A_40 = arith.constant 0 : i32
      %dma_wait3A_41 = tpu.memref_slice %arg8[%dma_wait3A, %dma_wait3A_39, %dma_wait3A_40] : memref<2x64x128xf32, #tpu.memory_space<vmem>> -> memref<1x64x128xf32, #tpu.memory_space<vmem>>
      %dma_wait3A_42 = tpu.memref_squeeze %dma_wait3A_41 : memref<1x64x128xf32, #tpu.memory_space<vmem>> -> memref<64x128xf32, #tpu.memory_space<vmem>>
      %dma_wait3A_43 = arith.constant 0 : i32
      %dma_wait3A_44 = tpu.memref_slice %arg9[%dma_wait3A_38, %dma_wait3A_43] : memref<2x64xi32, #tpu.memory_space<vmem>> -> memref<1x64xi32, #tpu.memory_space<vmem>>
      %dma_wait3A_45 = tpu.memref_squeeze %dma_wait3A_44 : memref<1x64xi32, #tpu.memory_space<vmem>> -> memref<64xi32, #tpu.memory_space<vmem>>
      %dma_wait3A_46 = arith.constant 0 : i32
      %dma_wait3A_47 = arith.constant 0 : i32
      %dma_wait3A_48 = tpu.memref_slice %arg4[%dma_wait3A_46, %dma_wait3A_47] : memref<106496x128xf32, #tpu.memory_space<hbm>> -> memref<106496x128xf32, #tpu.memory_space<hbm>>
      tpu.wait_indirect_dma semaphore(%arg10 : memref<!tpu.dma_semaphore, #tpu.memory_space<semaphore_mem>>) src(%dma_wait3A_42 : memref<64x128xf32, #tpu.memory_space<vmem>>) dst(%dma_wait3A_48 : memref<106496x128xf32, #tpu.memory_space<hbm>>)
    } else {
    }
    %eq3A_33 = arith.constant 1 : i32
    %eq3A_34 = arith.cmpi eq, %scan3A_28#2, %eq3A_33 : i32
    %convert_element_type3A_35 = arith.extui %eq3A_34 : i1 to i32
    %cond3A_36 = arith.constant 0 : i32
    %cond3A_37 = arith.cmpi ne, %convert_element_type3A_35, %cond3A_36 : i32
    scf.if %cond3A_37 {
      %dma_wait3A = arith.constant 1 : i32
      %dma_wait3A_38 = arith.constant 1 : i32
      %dma_wait3A_39 = arith.constant 0 : i32
      %dma_wait3A_40 = arith.constant 0 : i32
      %dma_wait3A_41 = tpu.memref_slice %arg8[%dma_wait3A, %dma_wait3A_39, %dma_wait3A_40] : memref<2x64x128xf32, #tpu.memory_space<vmem>> -> memref<1x64x128xf32, #tpu.memory_space<vmem>>
      %dma_wait3A_42 = tpu.memref_squeeze %dma_wait3A_41 : memref<1x64x128xf32, #tpu.memory_space<vmem>> -> memref<64x128xf32, #tpu.memory_space<vmem>>
      %dma_wait3A_43 = arith.constant 0 : i32
      %dma_wait3A_44 = tpu.memref_slice %arg9[%dma_wait3A_38, %dma_wait3A_43] : memref<2x64xi32, #tpu.memory_space<vmem>> -> memref<1x64xi32, #tpu.memory_space<vmem>>
      %dma_wait3A_45 = tpu.memref_squeeze %dma_wait3A_44 : memref<1x64xi32, #tpu.memory_space<vmem>> -> memref<64xi32, #tpu.memory_space<vmem>>
      %dma_wait3A_46 = arith.constant 0 : i32
      %dma_wait3A_47 = arith.constant 0 : i32
      %dma_wait3A_48 = tpu.memref_slice %arg4[%dma_wait3A_46, %dma_wait3A_47] : memref<106496x128xf32, #tpu.memory_space<hbm>> -> memref<106496x128xf32, #tpu.memory_space<hbm>>
      tpu.wait_indirect_dma semaphore(%arg11 : memref<!tpu.dma_semaphore, #tpu.memory_space<semaphore_mem>>) src(%dma_wait3A_42 : memref<64x128xf32, #tpu.memory_space<vmem>>) dst(%dma_wait3A_48 : memref<106496x128xf32, #tpu.memory_space<hbm>>)
    } else {
    }
    return
  }
}

module attributes {stable_mosaic.version = 14 : i64} {
  func.func @_dense_body(%arg0: i32, %arg1: memref<1024x416xf32, #tpu.memory_space<vmem>>, %arg2: memref<416x256xf32, #tpu.memory_space<vmem>>, %arg3: memref<1x256xf32, #tpu.memory_space<vmem>>, %arg4: memref<256x64xf32, #tpu.memory_space<vmem>>, %arg5: memref<1x64xf32, #tpu.memory_space<vmem>>, %arg6: memref<64x26xf32, #tpu.memory_space<vmem>>, %arg7: memref<1024x1xf32, #tpu.memory_space<vmem>>) attributes {dimension_semantics = [#tpu.dimension_semantics<arbitrary>], iteration_bounds = array<i64: 4>, scalar_prefetch = 0 : i64, scratch_operands = 0 : i64, tpu.core_type = #tpu.core_type<tc>, window_params = [{transform_indices = @transform_0, window_bounds = array<i64: 1024, 416>}, {pipeline_mode = #tpu.pipeline_mode<synchronous>, transform_indices = @transform_1, window_bounds = array<i64: 416, 256>}, {pipeline_mode = #tpu.pipeline_mode<synchronous>, transform_indices = @transform_2, window_bounds = array<i64: 1, 256>}, {pipeline_mode = #tpu.pipeline_mode<synchronous>, transform_indices = @transform_3, window_bounds = array<i64: 256, 64>}, {pipeline_mode = #tpu.pipeline_mode<synchronous>, transform_indices = @transform_4, window_bounds = array<i64: 1, 64>}, {pipeline_mode = #tpu.pipeline_mode<synchronous>, transform_indices = @transform_5, window_bounds = array<i64: 64, 26>}, {transform_indices = @transform_6, window_bounds = array<i64: 1024, 1>}]} {
    %get3A = arith.constant 0 : index
    %get3A_0 = arith.constant 0 : index
    %get3A_1 = vector.load %arg1[%get3A, %get3A_0] : memref<1024x416xf32, #tpu.memory_space<vmem>>, vector<1024x416xf32>
    %get3A_2 = arith.constant 0 : index
    %get3A_3 = arith.constant 0 : index
    %get3A_4 = vector.load %arg2[%get3A_2, %get3A_3] : memref<416x256xf32, #tpu.memory_space<vmem>>, vector<416x256xf32>
    %dot_general3A = arith.constant dense<0.000000e+00> : vector<1024x256xf32>
    %dot_general3A_5 = tpu.matmul %get3A_1, %get3A_4, %dot_general3A {dimension_numbers = #tpu.dot_dimension_numbers<[1], [0], [0], [1], [0, 0, 1, 1], [], []>, transpose_lhs_hint = false} : vector<1024x416xf32>, vector<416x256xf32>, vector<1024x256xf32> -> vector<1024x256xf32>
    %get3A_6 = arith.constant 0 : index
    %get3A_7 = arith.constant 0 : index
    %get3A_8 = vector.load %arg3[%get3A_6, %get3A_7] : memref<1x256xf32, #tpu.memory_space<vmem>>, vector<1x256xf32>
    %add3A = vector.broadcast %get3A_8 : vector<1x256xf32> to vector<1024x256xf32>
    %add3A_9 = arith.addf %dot_general3A_5, %add3A : vector<1024x256xf32>
    %max3A = arith.constant 0.000000e+00 : f32
    %max3A_10 = vector.broadcast %max3A : f32 to vector<1024x256xf32>
    %max3A_11 = arith.maximumf %add3A_9, %max3A_10 : vector<1024x256xf32>
    %get3A_12 = arith.constant 0 : index
    %get3A_13 = arith.constant 0 : index
    %get3A_14 = vector.load %arg4[%get3A_12, %get3A_13] : memref<256x64xf32, #tpu.memory_space<vmem>>, vector<256x64xf32>
    %dot_general3A_15 = arith.constant dense<0.000000e+00> : vector<1024x64xf32>
    %dot_general3A_16 = tpu.matmul %max3A_11, %get3A_14, %dot_general3A_15 {dimension_numbers = #tpu.dot_dimension_numbers<[1], [0], [0], [1], [0, 0, 1, 1], [], []>, transpose_lhs_hint = false} : vector<1024x256xf32>, vector<256x64xf32>, vector<1024x64xf32> -> vector<1024x64xf32>
    %get3A_17 = arith.constant 0 : index
    %get3A_18 = arith.constant 0 : index
    %get3A_19 = vector.load %arg5[%get3A_17, %get3A_18] : memref<1x64xf32, #tpu.memory_space<vmem>>, vector<1x64xf32>
    %add3A_20 = vector.broadcast %get3A_19 : vector<1x64xf32> to vector<1024x64xf32>
    %add3A_21 = arith.addf %dot_general3A_16, %add3A_20 : vector<1024x64xf32>
    %max3A_22 = arith.constant 0.000000e+00 : f32
    %max3A_23 = vector.broadcast %max3A_22 : f32 to vector<1024x64xf32>
    %max3A_24 = arith.maximumf %add3A_21, %max3A_23 : vector<1024x64xf32>
    %get3A_25 = arith.constant 0 : index
    %get3A_26 = arith.constant 0 : index
    %get3A_27 = vector.load %arg6[%get3A_25, %get3A_26] : memref<64x26xf32, #tpu.memory_space<vmem>>, vector<64x26xf32>
    %dot_general3A_28 = arith.constant dense<0.000000e+00> : vector<1024x26xf32>
    %dot_general3A_29 = tpu.matmul %max3A_24, %get3A_27, %dot_general3A_28 {dimension_numbers = #tpu.dot_dimension_numbers<[1], [0], [0], [1], [0, 0, 1, 1], [], []>, transpose_lhs_hint = false} : vector<1024x64xf32>, vector<64x26xf32>, vector<1024x26xf32> -> vector<1024x26xf32>
    %reduce_max3A = arith.constant dense<0xFF800000> : vector<1024xf32>
    %reduce_max3A_30 = vector.multi_reduction <maximumf>, %dot_general3A_29, %reduce_max3A [1] : vector<1024x26xf32> to vector<1024xf32>
    %broadcast_in_dim3A = vector.shape_cast %reduce_max3A_30 : vector<1024xf32> to vector<1024x1xf32>
    %sub3A = vector.broadcast %broadcast_in_dim3A : vector<1024x1xf32> to vector<1024x26xf32>
    %sub3A_31 = arith.subf %dot_general3A_29, %sub3A : vector<1024x26xf32>
    %exp3A = math.exp %sub3A_31 : vector<1024x26xf32>
    %mul3A = arith.constant 2.600000e+01 : f32
    %mul3A_32 = vector.broadcast %mul3A : f32 to vector<1024x26xf32>
    %mul3A_33 = arith.mulf %mul3A_32, %exp3A : vector<1024x26xf32>
    %reduce_sum3A = arith.constant dense<0.000000e+00> : vector<1024xf32>
    %reduce_sum3A_34 = vector.multi_reduction <add>, %exp3A, %reduce_sum3A [1] : vector<1024x26xf32> to vector<1024xf32>
    %broadcast_in_dim3A_35 = vector.shape_cast %reduce_sum3A_34 : vector<1024xf32> to vector<1024x1xf32>
    %div3A = vector.broadcast %broadcast_in_dim3A_35 : vector<1024x1xf32> to vector<1024x26xf32>
    %div3A_36 = arith.divf %mul3A_33, %div3A : vector<1024x26xf32>
    %iota3A = tpu.iota {dimensions = array<i32: 1>} : vector<26x416xi32>
    %iota3A_37 = tpu.iota {dimensions = array<i32: 0>} : vector<26x416xi32>
    %jit3A = arith.constant 16 : i32
    %div3A_38 = vector.broadcast %jit3A : i32 to vector<26x416xi32>
    %div3A_39 = arith.divsi %iota3A, %div3A_38 : vector<26x416xi32>
    %sign3A = arith.constant 0 : i32
    %sign3A_40 = vector.broadcast %sign3A : i32 to vector<26x416xi32>
    %sign3A_41 = arith.cmpi sgt, %iota3A, %sign3A_40 : vector<26x416xi32>
    %sign3A_42 = arith.extui %sign3A_41 : vector<26x416xi1> to vector<26x416xi32>
    %sign3A_43 = arith.constant 0 : i32
    %sign3A_44 = vector.broadcast %sign3A_43 : i32 to vector<26x416xi32>
    %sign3A_45 = arith.cmpi slt, %iota3A, %sign3A_44 : vector<26x416xi32>
    %sign3A_46 = arith.extui %sign3A_45 : vector<26x416xi1> to vector<26x416xi32>
    %sign3A_47 = arith.subi %sign3A_42, %sign3A_46 : vector<26x416xi32>
    %sign3A_48 = arith.constant 0 : i32
    %sign3A_49 = arith.cmpi sgt, %jit3A, %sign3A_48 : i32
    %sign3A_50 = arith.extui %sign3A_49 : i1 to i32
    %sign3A_51 = arith.constant 0 : i32
    %sign3A_52 = arith.cmpi slt, %jit3A, %sign3A_51 : i32
    %sign3A_53 = arith.extui %sign3A_52 : i1 to i32
    %sign3A_54 = arith.subi %sign3A_50, %sign3A_53 : i32
    %ne3A = vector.broadcast %sign3A_54 : i32 to vector<26x416xi32>
    %ne3A_55 = arith.cmpi ne, %sign3A_47, %ne3A : vector<26x416xi32>
    %rem3A = vector.broadcast %jit3A : i32 to vector<26x416xi32>
    %rem3A_56 = arith.remsi %iota3A, %rem3A : vector<26x416xi32>
    %ne3A_57 = arith.constant 0 : i32
    %ne3A_58 = vector.broadcast %ne3A_57 : i32 to vector<26x416xi32>
    %ne3A_59 = arith.cmpi ne, %rem3A_56, %ne3A_58 : vector<26x416xi32>
    %and3A = arith.andi %ne3A_55, %ne3A_59 : vector<26x416xi1>
    %sub3A_60 = arith.constant 1 : i32
    %sub3A_61 = vector.broadcast %sub3A_60 : i32 to vector<26x416xi32>
    %sub3A_62 = arith.subi %div3A_39, %sub3A_61 : vector<26x416xi32>
    %select_n3A = arith.select %and3A, %sub3A_62, %div3A_39 : vector<26x416xi1>, vector<26x416xi32>
    %eq3A = arith.cmpi eq, %select_n3A, %iota3A_37 : vector<26x416xi32>
    %jit3A_63 = arith.constant 1.000000e+00 : f32
    %jit3A_64 = arith.constant 0.000000e+00 : f32
    %broadcast_in_dim3A_65 = vector.broadcast %jit3A_63 : f32 to vector<26x416xf32>
    %broadcast_in_dim3A_66 = vector.broadcast %jit3A_64 : f32 to vector<26x416xf32>
    %select_n3A_67 = arith.select %eq3A, %broadcast_in_dim3A_65, %broadcast_in_dim3A_66 : vector<26x416xi1>, vector<26x416xf32>
    %dot_general3A_68 = arith.constant dense<0.000000e+00> : vector<1024x416xf32>
    %dot_general3A_69 = tpu.matmul %div3A_36, %select_n3A_67, %dot_general3A_68 {dimension_numbers = #tpu.dot_dimension_numbers<[1], [0], [0], [1], [0, 0, 1, 1], [], []>, transpose_lhs_hint = false} : vector<1024x26xf32>, vector<26x416xf32>, vector<1024x416xf32> -> vector<1024x416xf32>
    %mul3A_70 = arith.mulf %dot_general3A_69, %get3A_1 : vector<1024x416xf32>
    %iota3A_71 = tpu.iota {dimensions = array<i32: 0>} : vector<416x16xi32>
    %iota3A_72 = tpu.iota {dimensions = array<i32: 1>} : vector<416x16xi32>
    %jit3A_73 = arith.constant 16 : i32
    %eq3A_74 = arith.constant 0 : i32
    %eq3A_75 = arith.cmpi eq, %jit3A_73, %eq3A_74 : i32
    %jit3A_76 = arith.constant 1 : i32
    %select_n3A_77 = arith.select %eq3A_75, %jit3A_76, %jit3A_73 : i32
    %rem3A_78 = vector.broadcast %select_n3A_77 : i32 to vector<416x16xi32>
    %rem3A_79 = arith.remsi %iota3A_71, %rem3A_78 : vector<416x16xi32>
    %ne3A_80 = arith.constant 0 : i32
    %ne3A_81 = vector.broadcast %ne3A_80 : i32 to vector<416x16xi32>
    %ne3A_82 = arith.cmpi ne, %rem3A_79, %ne3A_81 : vector<416x16xi32>
    %lt3A = arith.constant 0 : i32
    %lt3A_83 = vector.broadcast %lt3A : i32 to vector<416x16xi32>
    %lt3A_84 = arith.cmpi slt, %rem3A_79, %lt3A_83 : vector<416x16xi32>
    %lt3A_85 = arith.constant 0 : i32
    %lt3A_86 = arith.cmpi slt, %select_n3A_77, %lt3A_85 : i32
    %ne3A_87 = vector.broadcast %lt3A_86 : i1 to vector<416x16xi1>
    %ne3A_88 = vector.broadcast %ne3A_87 : vector<416x16xi1> to vector<416x16xi1>
    %ne3A_89 = arith.xori %lt3A_84, %ne3A_88 : vector<416x16xi1>
    %and3A_90 = arith.andi %ne3A_89, %ne3A_82 : vector<416x16xi1>
    %add3A_91 = vector.broadcast %select_n3A_77 : i32 to vector<416x16xi32>
    %add3A_92 = arith.addi %rem3A_79, %add3A_91 : vector<416x16xi32>
    %select_n3A_93 = arith.select %and3A_90, %add3A_92, %rem3A_79 : vector<416x16xi1>, vector<416x16xi32>
    %eq3A_94 = arith.cmpi eq, %select_n3A_93, %iota3A_72 : vector<416x16xi32>
    %jit3A_95 = arith.constant 1.000000e+00 : f32
    %jit3A_96 = arith.constant 0.000000e+00 : f32
    %broadcast_in_dim3A_97 = vector.broadcast %jit3A_95 : f32 to vector<416x16xf32>
    %broadcast_in_dim3A_98 = vector.broadcast %jit3A_96 : f32 to vector<416x16xf32>
    %select_n3A_99 = arith.select %eq3A_94, %broadcast_in_dim3A_97, %broadcast_in_dim3A_98 : vector<416x16xi1>, vector<416x16xf32>
    %dot_general3A_100 = arith.constant dense<0.000000e+00> : vector<1024x16xf32>
    %dot_general3A_101 = tpu.matmul %mul3A_70, %select_n3A_99, %dot_general3A_100 {dimension_numbers = #tpu.dot_dimension_numbers<[1], [0], [0], [1], [0, 0, 1, 1], [], []>, transpose_lhs_hint = false} : vector<1024x416xf32>, vector<416x16xf32>, vector<1024x16xf32> -> vector<1024x16xf32>
    %mul3A_102 = arith.mulf %mul3A_70, %mul3A_70 : vector<1024x416xf32>
    %dot_general3A_103 = arith.constant dense<0.000000e+00> : vector<1024x16xf32>
    %dot_general3A_104 = tpu.matmul %mul3A_102, %select_n3A_99, %dot_general3A_103 {dimension_numbers = #tpu.dot_dimension_numbers<[1], [0], [0], [1], [0, 0, 1, 1], [], []>, transpose_lhs_hint = false} : vector<1024x416xf32>, vector<416x16xf32>, vector<1024x16xf32> -> vector<1024x16xf32>
    %mul3A_105 = arith.mulf %dot_general3A_101, %dot_general3A_101 : vector<1024x16xf32>
    %sub3A_106 = arith.subf %mul3A_105, %dot_general3A_104 : vector<1024x16xf32>
    %reduce_sum3A_107 = arith.constant dense<0.000000e+00> : vector<1024xf32>
    %reduce_sum3A_108 = vector.multi_reduction <add>, %sub3A_106, %reduce_sum3A_107 [1] : vector<1024x16xf32> to vector<1024xf32>
    %broadcast_in_dim3A_109 = vector.shape_cast %reduce_sum3A_108 : vector<1024xf32> to vector<1024x1xf32>
    %mul3A_110 = arith.constant 5.000000e-01 : f32
    %mul3A_111 = vector.broadcast %mul3A_110 : f32 to vector<1024x1xf32>
    %mul3A_112 = arith.mulf %mul3A_111, %broadcast_in_dim3A_109 : vector<1024x1xf32>
    %swap3A = arith.constant 0 : index
    %swap3A_113 = arith.constant 0 : index
    %swap3A_114 = vector.load %arg7[%swap3A, %swap3A_113] : memref<1024x1xf32, #tpu.memory_space<vmem>>, vector<1024x1xf32>
    tpu.vector_store %arg7[%swap3A, %swap3A_113], %mul3A_112 {strides = array<i32>} : memref<1024x1xf32, #tpu.memory_space<vmem>>, vector<1024x1xf32>,
    return
  }
  func.func @transform_0(%arg0: i32) -> (i32, i32) {
    %c0_i32 = arith.constant 0 : i32
    %c0_i32_0 = arith.constant 0 : i32
    return %arg0, %c0_i32 : i32, i32
  }
  func.func @transform_1(%arg0: i32) -> (i32, i32) {
    %c0_i32 = arith.constant 0 : i32
    %c0_i32_0 = arith.constant 0 : i32
    %c0_i32_1 = arith.constant 0 : i32
    return %c0_i32, %c0_i32_0 : i32, i32
  }
  func.func @transform_2(%arg0: i32) -> (i32, i32) {
    %c0_i32 = arith.constant 0 : i32
    %c0_i32_0 = arith.constant 0 : i32
    %c0_i32_1 = arith.constant 0 : i32
    return %c0_i32, %c0_i32_0 : i32, i32
  }
  func.func @transform_3(%arg0: i32) -> (i32, i32) {
    %c0_i32 = arith.constant 0 : i32
    %c0_i32_0 = arith.constant 0 : i32
    %c0_i32_1 = arith.constant 0 : i32
    return %c0_i32, %c0_i32_0 : i32, i32
  }
  func.func @transform_4(%arg0: i32) -> (i32, i32) {
    %c0_i32 = arith.constant 0 : i32
    %c0_i32_0 = arith.constant 0 : i32
    %c0_i32_1 = arith.constant 0 : i32
    return %c0_i32, %c0_i32_0 : i32, i32
  }
  func.func @transform_5(%arg0: i32) -> (i32, i32) {
    %c0_i32 = arith.constant 0 : i32
    %c0_i32_0 = arith.constant 0 : i32
    %c0_i32_1 = arith.constant 0 : i32
    return %c0_i32, %c0_i32_0 : i32, i32
  }
  func.func @transform_6(%arg0: i32) -> (i32, i32) {
    %c0_i32 = arith.constant 0 : i32
    %c0_i32_0 = arith.constant 0 : i32
    return %arg0, %c0_i32 : i32, i32
  }
}

</mosaic_0001>

<sc_bundles>
// kernel: kernel.4.cloned.1.call-start
scs
__scs_entry_jumppad:
0x0: {  	(pc) =	sbr.rel $0x88, $3  }
0x1: {  	(tag) =	ssettag $0x0;
	lr =	simm.s32 $0x1  }
0x2: {  	[smem:$0x3F9A] =	sst lr;
	_ =	strace $0xD0000000  }
0x3: {  	_ = 	snop  }
0x4: {  	_ = 	snop  }
0x5: {  	_ = 	snop  }
0x6: {  	_ = 	snop  }
0x7: {  	_ = 	snop  }
__scs_overlays_trampoline_lowered:
0x8: {  	[smem:$0x3FA9] =	sst s0  }
0x9: {  	[smem:$0x3FAA] =	sst s1  }
0xa: {  	[smem:$0x3FAB] =	sst s2  }
0xb: {  	[smem:$0x3FAC] =	sst s3  }
0xc: {  	[smem:$0x3FAD] =	sst s4  }
0xd: {  	[smem:$0x3FAE] =	sst s5  }
0xe: {  	[smem:$0x3FAF] =	sst s6  }
0xf: {  	[smem:$0x3FB0] =	sst s7  }
0x10: {  	[smem:$0x3FB1] =	sst s8  }
0x11: {  	[smem:$0x3FB2] =	sst s9;
	s0 =	simm.s32 @!p0 $0x0  }
0x12: {  	s1 =	sld [smem:$0x3F98];
	s0 =	simm.s32 @p0 $0x1  }
0x13: {  	[smem:$0x3FB3] =	sst s0;
	s0 =	simm.s32 @!p1 $0x0  }
0x14: {  	s2 =	sld [smem:$0x3F97];
	s0 =	simm.s32 @p1 $0x1  }
0x15: {  	[smem:$0x3FB4] =	sst s0;
	s0 =	simm.s32 @!p2 $0x0  }
0x16: {  	s3 =	sld [smem:$0x3FDB];
	s0 =	simm.s32 @p2 $0x1  }
0x17: {  	s4 =	simm.s32 $0x1BF5;
	[smem:$0x3FB6] =	sst s0  }
0x18: {  	s0 =	sld [smem:$0x3F99];
	_ =	swait.ge [sflag:s4], $0x0  }
0x19: {  	s7 =	sld [smem:$0x3F9A]  }
0x1a: {  	s8 =	sadd.s32 $0xFFFFE003, lr  }
0x1b: {  	s9 =	sadd.s32 $0xFFFFFEF7, lr;
	s5 =	simm.s32 $0xFFFFFFFF;
	p2 =	slt.u32 s8, $0xFFFFF086  }
0x1c: {  	p1 =	slt.u32 s9, $0xF7A;
	s5 =	simm.s32 @!p2 $0x0  }
0x1d: {  	s5 =	simm.s32 @p1 $0x1;
	p0 =	seq.s32 s7, s2  }
0x1e: {  	s7 =	smul.u32 @!p0 $0xF7A, s2;
	p2 =	seq.s32 @!p0 s5, $0x0  }
0x1f: {  	s9 =	smul.u32 $0xF7A, s1;
	s8 =	simm.s32 @!p0 $0x1BF5;
	p2 =	por !p2, p0  }
0x20: {  	[sflag:s8] =	ssyncset.s32 @!p0 $0xFFFFF086;
	s6 =	sadd.s32 @!p0 s3, s7;
	s7 =	simm.s32 @!p0 $0x108  }
0x21: {  	s3 =	sadd.s32 s3, s9;
	s6 =	sadd.s32 @!p0 $0x88, s6;
	s7 =	simm.s32 @p2 $0x1082  }
0x22: {  	[simem:s7], [sflag:s8] =	dma.local @!p0 [hbm:s6], $0xF7A  }
0x23: {  	s9 =	sor.u32 $0xD0000000, s2;
	s6 =	simm.s32 $0x108;
	_ =	swait.ge @!p0 [sflag:s8], $0x0  }
0x24: {  	s3 =	sadd.s32 $0x88, s3;
	s6 =	simm.s32 @!p1 $0x1082;
	[sflag:s4] =	ssyncset.s32 $0xFFFFF086  }
0x25: {  	[simem:s6], [sflag:s4] =	dma.local [hbm:s3], $0xF7A  }
0x26: {  	[smem:$0x3F9A] =	sst s1;
	(tag) =	ssettag s2;
	_ =	strace s9  }
0x27: {  	s1 =	sld [smem:$0x3FAA]  }
0x28: {  	s2 =	sld [smem:$0x3FAB]  }
0x29: {  	s4 =	sld [smem:$0x3FAD]  }
0x2a: {  	p0 =	seq.s32 s5, $0x0;
	s5 =	sld [smem:$0x3FAE]  }
0x2b: {  	s6 =	sld [smem:$0x3FAF]  }
0x2c: {  	s7 =	sld [smem:$0x3FB0]  }
0x2d: {  	s3 =	simm.s32 $0x108;
	s8 =	sld [smem:$0x3FB1]  }
0x2e: {  	s3 =	simm.s32 @!p0 $0x1082;
	s9 =	sld [smem:$0x3FB2]  }
0x2f: {  	lr =	sadd.s32 s0, s3;
	s0 =	sld [smem:$0x3FA9]  }
0x30: {  	s3 =	sld [smem:$0x3FAC]  }
0x31: {  	[smem:$0x3FB5] =	sst s10  }
0x32: {  	s10 =	sld [smem:$0x3FB3];
	_ =	sdelay $0x3  }
0x33: {  	p0 =	seq.s32 s10, $0x1;
	s10 =	sld [smem:$0x3FB5];
	_ =	sdelay $0x3  }
0x34: {  	[smem:$0x3FB5] =	sst s10  }
0x35: {  	s10 =	sld [smem:$0x3FB4];
	_ =	sdelay $0x3  }
0x36: {  	p1 =	seq.s32 s10, $0x1;
	s10 =	sld [smem:$0x3FB5];
	_ =	sdelay $0x3  }
0x37: {  	[smem:$0x3FB5] =	sst s10  }
0x38: {  	s10 =	sld [smem:$0x3FB6]  }
0x39: {  	_ = 	snop;
	(pc) =	sbr.ind lr, $3  }
0x3a: {  	_ = 	snop  }
0x3b: {  	_ = 	snop  }
0x3c: {  	p2 =	seq.s32 s10, $0x1;
	s10 =	sld [smem:$0x3FB5]  }
0x3d: {  	_ =	shalt  }
0x3e: {  	_ =	shalt  }
0x3f: {  	_ =	shalt  }
0x40: {  	_ =	shalt  }
0x41: {  	_ =	shalt  }
0x42: {  	_ =	shalt  }
0x43: {  	_ =	shalt  }
0x44: {  	_ =	shalt  }
0x45: {  	_ =	shalt  }
0x46: {  	_ =	shalt  }
0x47: {  	_ =	shalt  }
0x48: {  	_ =	shalt  }
0x49: {  	_ =	shalt  }
0x4a: {  	_ =	shalt  }
0x4b: {  	_ =	shalt  }
0x4c: {  	_ =	shalt  }
0x4d: {  	_ =	shalt  }
0x4e: {  	_ =	shalt  }
0x4f: {  	_ =	shalt  }
0x50: {  	_ =	shalt  }
0x51: {  	_ =	shalt  }
0x52: {  	_ =	shalt  }
0x53: {  	_ =	shalt  }
0x54: {  	_ =	shalt  }
0x55: {  	_ =	shalt  }
0x56: {  	_ =	shalt  }
0x57: {  	_ =	shalt  }
0x58: {  	_ =	shalt  }
0x59: {  	_ =	shalt  }
0x5a: {  	_ =	shalt  }
0x5b: {  	_ =	shalt  }
0x5c: {  	_ =	shalt  }
0x5d: {  	_ =	shalt  }
0x5e: {  	_ =	shalt  }
0x5f: {  	_ =	shalt  }
0x60: {  	_ =	shalt  }
0x61: {  	_ =	shalt  }
0x62: {  	_ =	shalt  }
0x63: {  	_ =	shalt  }
0x64: {  	_ =	shalt  }
0x65: {  	_ =	shalt  }
0x66: {  	_ =	shalt  }
0x67: {  	_ =	shalt  }
0x68: {  	_ =	shalt  }
0x69: {  	_ =	shalt  }
0x6a: {  	_ =	shalt  }
0x6b: {  	_ =	shalt  }
0x6c: {  	_ =	shalt  }
0x6d: {  	_ =	shalt  }
0x6e: {  	_ =	shalt  }
0x6f: {  	_ =	shalt  }
0x70: {  	_ =	shalt  }
0x71: {  	_ =	shalt  }
0x72: {  	_ =	shalt  }
0x73: {  	_ =	shalt  }
0x74: {  	_ =	shalt  }
0x75: {  	_ =	shalt  }
0x76: {  	_ =	shalt  }
0x77: {  	_ =	shalt  }
0x78: {  	_ =	shalt  }
0x79: {  	_ =	shalt  }
0x7a: {  	_ =	shalt  }
0x7b: {  	_ =	shalt  }
0x7c: {  	_ =	shalt  }
0x7d: {  	_ =	shalt  }
0x7e: {  	_ =	shalt  }
0x7f: {  	_ =	shalt  }
0x80: {  	_ =	shalt  }
0x81: {  	_ =	shalt  }
0x82: {  	_ =	shalt  }
0x83: {  	_ =	shalt  }
0x84: {  	_ =	shalt  }
0x85: {  	_ =	shalt  }
0x86: {  	_ =	shalt  }
0x87: {  	_ =	shalt  }
.Lfunc_end0:
.L_simem_size_0:
called_computation_lowered:
.L_overlay_start_0:
0x88: {  	s2 =	sld [smem:$0x3FD9]  }
0x89: {  	s3 =	sld [smem:$0x3FFE];
	_ =	sdelay $0x1  }
0x8a: {  	s1 =	srdreg.scid  }
0x8b: {  	s0 =	sand.u32 $0x1, s1  }
0x8c: {  	s17 =	sshll.u32 s0, $0xA;
	s2 =	sadd.s32 s3, s2  }
0x8d: {  	s2 =	sadd.s32 s2, s17  }
0x8e: {  	[smem:$0x3FC1] =	sst s2  }
0x8f: {  	_ = 	snop  }
0x90: {  	s2 =	sld [smem:$0x3FC8];
	(tm) =	ssettm $0x1  }
0x91: {  	s18 =	sld [smem:$0x3FFB];
	_ =	sdelay $0x3  }
0x92: {  	_ =	strace s18  }
0x93: {  	s3 =	sld [smem:$0x3FFC];
	_ =	sdelay $0x3  }
0x94: {  	_ =	strace s3  }
0x95: {  	s3 =	sld [smem:$0x3FFD];
	_ =	sdelay $0x3  }
0x96: {  	_ =	strace s3  }
0x97: {  	_ =	strace $0x8FFFFFFF  }
0x98: {  	s19 =	sld [smem:$0x3FDB];
	_ =	sdelay $0x1  }
0x99: {  	s4 =	simm.s32 $_scs_section_size  }
0x9a: {  	s5 =	simm.s32 $_size__tile_overlayer_lowered;
	s6 =	simm.s32 $_tile_overlayer_lowered  }
0x9b: {  	s22 =	simm.s32 $0x1BFF;
	s21 =	sshll.u32 s6, $0x1;
	s3 =	sadd.s32 s4, s19  }
0x9c: {  	s7 =	simm.s32 $0x0;
	s20 =	sshll.u32 s5, $0x1;
	s5 =	sadd.s32 s21, s3  }
0x9d: {  	[timem:s7], [sflag:s22] =	dma.local [hbm:s5], s20  }
0x9e: {  	_ =	swait.ge [sflag:s22], s20  }
0x9f: {  	s4 =	ssub.s32 $0x0, s20;
	[sflag:s22] =	ssyncset.done $0x0  }
0xa0: {  	[sflag:s22] =	ssyncadd.s32 s4;
	_ =	sdelay $0x1  }
0xa1: {  	s23 =	simm.s32 $0x1B8B  }
0xa2: {  	_ =	swait.ge [sflag:s23], $0x1  }
0xa3: {  	[sflag:s23] =	ssyncset.done $0x0  }
0xa4: {  	s25 =	simm.s32 $0x1B8E;
	s24 =	sld [smem:$0x3FFE];
	[sflag:s23] =	ssyncadd.s32 $0xFFFFFFFF  }
0xa5: {  	s26 =	simm.s32 $execute0_lowered;
	[smem:$0x3FD2] =	sst s25  }
0xa6: {  	s5 =	sshll.u32 s26, $0x1;
	_ =	strace $0x80000046;
	[dreg:$0x1] =	wrdreg $0xFFFFFFFF  }
0xa7: {  	s28 =	simm.s32 $_size_execute0_lowered;
	s3 =	sadd.s32 s3, s5;
	[dreg:$0x0] =	wrdreg $0x0  }
0xa8: {  	s5 =	sshll.u32 s28, $0x1;
	[dreg:$0x2] =	wrdreg s3  }
0xa9: {  	[dreg:$0x3] =	wrdreg s5  }
0xaa: {  	[dreg:$0x4] =	wrdreg $0xC0  }
0xab: {  	_ =	task [dreg:s7], $0x5FFFF  }
0xac: {  	[dreg:$0x1] =	wrdreg $0xFFFFFFFF  }
0xad: {  	[dreg:$0x0] =	wrdreg $0x60  }
0xae: {  	[dreg:$0x2] =	wrdreg s2  }
0xaf: {  	[dreg:$0x3] =	wrdreg s24  }
0xb0: {  	[dreg:$0x4] =	wrdreg $0x9  }
0xb1: {  	_ =	task.clear_ibuf [dreg:s7], $0x5FFFF;
	_ =	strace $0x90000046  }
0xb2: {  	s29 =	simm.s32 $0x9;
	_ =	strace $0x80000048  }
0xb3: {  	_ =	swait.ge [sflag:s29], $0x1  }
0xb4: {  	[sflag:s29] =	ssyncadd.s32 $0xFFFFFFFF  }
0xb5: {  	_ =	strace $0x90000048  }
0xb6: {  	_ =	sfence  }
0xb7: {  	s30 =	sld [smem:$0x0];
	_ =	sdelay $0x2  }
0xb8: {  	s31 =	sshll.u32 s1, $0xD;
	s1 =	sshrl.u32 s1, $0x2  }
0xb9: {  	s3 =	sand.u32 $0x4000, s31;
	s1 =	sadd.s32 s1, s30  }
0xba: {  	s0 =	sor.u32 s3, s0;
	s1 =	sshll.u32 s1, $0x11  }
0xbb: {  	s0 =	sor.u32 s1, s0  }
0xbc: {  	s0 =	sadd.s32 $0x8F2B, s0  }
0xbd: {  	[sflag:s0] =	ssyncadd.remote.s32 $0x1  }
0xbe: {  	_ =	sfence.sel $0xFFFF  }
0xbf: {  	[dreg:$0x0] =	wrdreg $0xFFFFFFFF;
	(pc) =	sbr.abs _section_cstart, $3  }
0xc0: {  	[dreg:$0x1] =	wrdreg $0xFFFFFFFF  }
0xc1: {  	_ =	task.clear_ibuf [dreg:s7], $0x2FFFF;
	_ =	strace $0x9FFFFFFF  }
0xc2: {  	(tm) =	ssettm $0x7FFFFFFF  }
0xc3: {  	_ =	shalt  }
tec
execute0_lowered:
.L_overlay_start_1:
0x0: {  	(tag) =	ssettag $0x1  }
0x1: {  	s0 =	stileid.u32;
	v0 =	vlaneseq.u32  }
0x2: {  	s1 =	smul.u32 $0x186A, s0;
	v1 =	vmul.u32 $0x80, v0;
	_ =	sdelay $0x1  }
0x3: {  	v2 =	vmov s1;
	v5 =	vor.u32 $0x1, v1  }
0x4: {  	v61 =	vor.u32 $0x2, v1;
	v8 =	vor.u32 $0x3, v1;
	v9 =	vor.u32 $0x4, v1  }
0x5: {  	v10 =	vor.u32 $0x5, v1;
	v11 =	vor.u32 $0x6, v1;
	v12 =	vor.u32 $0x7, v1  }
0x6: {  	v14 =	vor.u32 $0x9, v1;
	v15 =	vor.u32 $0xA, v1;
	v16 =	vor.u32 $0xB, v1  }
0x7: {  	v17 =	vor.u32 $0xC, v1;
	v18 =	vor.u32 $0xD, v1;
	v19 =	vor.u32 $0xE, v1  }
0x8: {  	v20 =	vor.u32 $0xF, v1;
	v21 =	vor.u32 $0x800, v1;
	v22 =	vor.u32 $0x801, v1  }
0x9: {  	v23 =	vor.u32 $0x802, v1;
	v24 =	vor.u32 $0x803, v1;
	v25 =	vor.u32 $0x804, v1  }
0xa: {  	v26 =	vor.u32 $0x805, v1;
	v27 =	vor.u32 $0x806, v1;
	v28 =	vor.u32 $0x807, v1  }
0xb: {  	v29 =	vor.u32 $0x808, v1;
	v30 =	vor.u32 $0x809, v1;
	v31 =	vor.u32 $0x80A, v1  }
0xc: {  	v32 =	vor.u32 $0x80B, v1;
	v33 =	vor.u32 $0x80C, v1;
	v34 =	vor.u32 $0x80D, v1  }
0xd: {  	s5 =	rddreg [dreg:$0x1];
	s4 =	srdreg.scid;
	s3 =	simm.s32 $0x0;
	v35 =	vor.u32 $0x80E, v1;
	v36 =	vor.u32 $0x80F, v1;
	v37 =	vor.u32 $0x1000, v1  }
0xe: {  	s10 =	simm.s32 $0x19800;
	s11 =	simm.s32 $0x4;
	s12 =	simm.s32 $0x3;
	v38 =	vor.u32 $0x1001, v1;
	v39 =	vor.u32 $0x1002, v1;
	v40 =	vor.u32 $0x1003, v1  }
0xf: {  	s13 =	simm.s32 $0x0;
	p0 =	seq.s32 s0, $0xF;
	s6 =	sand.u32 $0x1, s4;
	v41 =	vor.u32 $0x1004, v1;
	v42 =	vor.u32 $0x1005, v1;
	v43 =	vor.u32 $0x1006, v1  }
0x10: {  	[smem:$0x7FF] =	sst s3;
	s8 =	ssub.s32 $0x2, s6;
	s6 =	smul.u32 $0xD, s6;
	v44 =	vor.u32 $0x1007, v1;
	v45 =	vor.u32 $0x1008, v1;
	v46 =	vor.u32 $0x1009, v1  }
.Ltmp0:
0x11: {  	s4 =	sadd.s32 $0xE00, s5;
	s5 =	sadd.s32 $0x4200, s5;
	v47 =	vor.u32 $0x100A, v1;
	v48 =	vor.u32 $0x100B, v1;
	v49 =	vor.u32 $0x100C, v1;
	(pc) =	sbr.rel .LBB2_1-.Ltmp0, $4  }
0x12: {  	s7 =	sand.u32 $0x1FF80, s1;
	s2 =	sadd.s32 $0x186A, s1;
	s1 =	rddreg [dreg:$0x0];
	v50 =	vor.u32 $0x100D, v1;
	v51 =	vor.u32 $0x100E, v1;
	v52 =	vor.u32 $0x100F, v1  }
0x13: {  	s9 =	sshrl.u32 s8, $0x1;
	v53 =	vor.u32 $0x1800, v1;
	v54 =	vor.u32 $0x1801, v1;
	s7 =	simm.s32 @p0 $0x16D80;
	v3 =	vmov s2;
	s2 =	rddreg [dreg:$0x2]  }
0x14: {  	v13 =	vor.u32 $0x8, v1;
	v55 =	vor.u32 $0x1802, v1;
	v56 =	vor.u32 $0x1803, v1;
	_ =	strace $0x80000047;
	s8 =	ssub.s32 s8, s9;
	s9 =	simm.s32 $0xCC00;
	[tilespmem:$0x1FFE0] =	vst v5  }
0x15: {  	v57 =	vor.u32 $0x1804, v1;
	v7 =	vor.u32 $0x1805, v1;
	p0 =	sne.s32 s0, $0xF;
	[tilespmem:$0x1FFF0] =	vst v61;
	v4 =	vmov s7;
	s7 =	sadd.s32 s1, s7;
	s8 =	smax.u32 s8, $0x1  }
.LBB2_9:
0x16: {  	p1 =	sne.s32 s15, $0x1  }
0x17: {  	s15 =	simm.s32 @!p1 $0x1  }
0x18: {  	_ =	swait.ge @!p1 [sflag:s15], $0x2000  }
0x19: {  	s13 =	sadd.s32 $0x1, s13;
	[sflag:s15] =	ssyncset.done @!p1 $0x0  }
0x1a: {  	[sflag:s15] =	ssyncadd.s32 @!p1 $0xFFFFE000;
	p1 =	sne.s32 s13, s8  }
.Ltmp1:
0x1b: {  	p2 =	sne.s32 s14, $0x1;
	(pc) =	sbr.rel @!p1 .LBB2_10-.Ltmp1, $4  }
0x1c: {  	s14 =	simm.s32 @!p2 $0x2  }
0x1d: {  	_ =	swait.ge @!p2 [sflag:s14], $0x2000  }
0x1e: {  	[sflag:s14] =	ssyncset.done @!p2 $0x0  }
0x1f: {  	[sflag:s14] =	ssyncadd.s32 @!p2 $0xFFFFE000  }
.LBB2_1:
.Ltmp2:
0x20: {  	(pc) =	sbr.rel .LBB2_2-.Ltmp2, $3  }
0x21: {  	_ =	sdelay $0x1  }
0x22: {  	s14 =	simm.s32 $0x0  }
0x23: {  	s15 =	simm.s32 $0x0;
	s16 =	simm.s32 $0x0;
	s17 =	simm.s32 $0x0  }
.LBB2_5:
0x24: {  	v7 =	vmov v60  }
.LBB2_8:
0x25: {  	s17 =	sadd.s32 $0x1, s17  }
0x26: {  	p1 =	sne.s32 s17, $0xD  }
.Ltmp3:
0x27: {  	_ = 	snop;
	(pc) =	sbr.rel @!p1 .LBB2_9-.Ltmp3, $2  }
0x28: {  	_ =	sdelay $0x2  }
0x29: {  	s16 =	sadd.s32 s16, s18  }
.LBB2_2:
0x2a: {  	s19 =	sadd.s32 s6, s17  }
0x2b: {  	s18 =	smul.u32 $0x187000, s19;
	_ =	sdelay $0x1  }
0x2c: {  	s20 =	sshrl.u32 s18, $0x3  }
0x2d: {  	s21 =	simm.s32 $0x0;
	s20 =	sadd.s32 s20, s7  }
0x2e: {  	[tilespmem:s21], [sflag:$0x3] =	stream.linear.gather [hbm4b:s20+s21], $0xC800, $0x38;
	[tilespmem:$0x1F980] =	vst v63  }
0x2f: {  	s25 =	sshll.u32 s19, $0x9;
	s20 =	sadd.s32 $0x18700, s20  }
0x30: {  	[tilespmem:s9], [sflag:$0x3] =	stream.linear.gather [hbm4b:s20+s21], $0xC800, $0x38;
	[tilespmem:$0x1F980] =	vst v63  }
0x31: {  	s20 =	sadd.s32 s4, s25  }
0x32: {  	[tilespmem:s10], [sflag:$0x4] =	stream.linear.gather [hbm4b:s20+s21], $0x1000, $0x38;
	[tilespmem:$0x1F980] =	vst v63  }
0x33: {  	_ =	swait.ge [sflag:s11], $0x1000  }
0x34: {  	[sflag:s11] =	ssyncset.done $0x0  }
0x35: {  	s26 =	simm.s32 $0x19820;
	[sflag:s11] =	ssyncadd.s32 $0xFFFFF000  }
0x36: {  	v58 =	vld [tilespmem:s26+$0xFFFFFFE0];
	_ =	sdelay $0x4  }
0x37: {  	vm0 =	vge.s32 v58, v2;
	vm1 =	vlt.s32 v58, v3  }
0x38: {  	v60 =	vor.u32 s21, v0;
	vm0 =	vmand vm0, vm1  }
0x39: {  	v59 =	vmpcnt.ones.xlane vm0;
	[tilespmem:s21+$0x1A800] =	vst.msk vm0, v60  }
0x3a: {  	v58 =	vld [tilespmem:s26+$0xFFFFFFF0]  }
0x3b: {  	(v2sf) =	vpush v59, $0x0;
	_ =	sdelay $0x3  }
0x3c: {  	vm0 =	vge.s32 v58, v2;
	vm1 =	vlt.s32 v58, v3  }
0x3d: {  	vm0 =	vmand vm0, vm1  }
0x3e: {  	v61 =	vmpcnt.ones.xlane vm0;
	_ =	sdelay $0x1  }
0x3f: {  	(v2sf) =	vpush v61, $0x0;
	_ =	sdelay $0x6  }
0x40: {  	s28 =	simm.s32 $0x10;
	s22 =	spop (v2sf)  }
0x41: {  	v62 =	vor.u32 s28, v0;
	s22 =	sadd.s32 $0x0, s22  }
0x42: {  	[tilespmem:s22+$0x1A800] =	vst.msk vm0, v62  }
0x43: {  	v58 =	vld [tilespmem:s26+$0x0];
	_ =	sdelay $0x4  }
0x44: {  	s29 =	simm.s32 $0x20;
	vm0 =	vge.s32 v58, v2;
	vm1 =	vlt.s32 v58, v3;
	s23 =	spop (v2sf)  }
0x45: {  	v63 =	vor.u32 s29, v0;
	s22 =	sadd.s32 s22, s23;
	vm0 =	vmand vm0, vm1  }
0x46: {  	v60 =	vmpcnt.ones.xlane vm0;
	[tilespmem:s22+$0x1A800] =	vst.msk vm0, v63  }
0x47: {  	v58 =	vld [tilespmem:s26+$0x10]  }
0x48: {  	(v2sf) =	vpush v60, $0x0;
	_ =	sdelay $0x3  }
0x49: {  	vm0 =	vge.s32 v58, v2;
	vm1 =	vlt.s32 v58, v3  }
0x4a: {  	vm0 =	vmand vm0, vm1  }
0x4b: {  	v61 =	vmpcnt.ones.xlane vm0;
	_ =	sdelay $0x1  }
0x4c: {  	(v2sf) =	vpush v61, $0x0;
	_ =	sdelay $0x6  }
0x4d: {  	s30 =	simm.s32 $0x30;
	s31 =	spop (v2sf)  }
0x4e: {  	v62 =	vor.u32 s30, v0;
	s23 =	sadd.s32 s22, s31  }
0x4f: {  	s21 =	simm.s32 $0x19860;
	[tilespmem:s23+$0x1A800] =	vst.msk vm0, v62  }
0x50: {  	v63 =	vld [tilespmem:s21+$0xFFFFFFE0];
	_ =	sdelay $0x3  }
0x51: {  	s20 =	simm.s32 $0x40  }
0x52: {  	v58 =	vor.u32 s20, v0;
	s22 =	simm.s32 $0x80;
	vm0 =	vge.s32 v63, v2;
	vm1 =	vlt.s32 v63, v3;
	s24 =	spop (v2sf)  }
.LBB2_3:
0x53: {  	p1 =	sne.s32 s22, $0xFC0  }
0x54: {  	v59 =	vor.u32 s22, v0;
	vm0 =	vmand vm0, vm1;
	s24 =	sadd.s32 s23, s24;
	s23 =	smov.u32 s22;
	s22 =	sadd.s32 $0x40, s22  }
0x55: {  	v60 =	vmpcnt.ones.xlane vm0;
	[tilespmem:s24+$0x1A800] =	vst.msk vm0, v58;
	v58 =	vmov v59  }
0x56: {  	v59 =	vld [tilespmem:s21+$0xFFFFFFF0]  }
0x57: {  	(v2sf) =	vpush v60, $0x0;
	_ =	sdelay $0x3  }
0x58: {  	vm0 =	vge.s32 v59, v2;
	vm1 =	vlt.s32 v59, v3  }
0x59: {  	vm0 =	vmand vm0, vm1  }
0x5a: {  	v59 =	vmpcnt.ones.xlane vm0;
	_ =	sdelay $0x1  }
0x5b: {  	(v2sf) =	vpush v59, $0x0;
	_ =	sdelay $0x6  }
0x5c: {  	s25 =	sadd.s32 $0x10, s20;
	s26 =	spop (v2sf)  }
0x5d: {  	v59 =	vor.u32 s25, v0;
	s24 =	sadd.s32 s24, s26  }
0x5e: {  	[tilespmem:s24+$0x1A800] =	vst.msk vm0, v59  }
0x5f: {  	v59 =	vld [tilespmem:s21+$0x0];
	_ =	sdelay $0x4  }
0x60: {  	s25 =	sadd.s32 $0x20, s20;
	vm0 =	vge.s32 v59, v2;
	vm1 =	vlt.s32 v59, v3;
	s26 =	spop (v2sf)  }
0x61: {  	v59 =	vor.u32 s25, v0;
	s24 =	sadd.s32 s24, s26;
	vm0 =	vmand vm0, vm1  }
0x62: {  	v60 =	vmpcnt.ones.xlane vm0;
	[tilespmem:s24+$0x1A800] =	vst.msk vm0, v59  }
0x63: {  	v59 =	vld [tilespmem:s21+$0x10]  }
0x64: {  	(v2sf) =	vpush v60, $0x0;
	_ =	sdelay $0x3  }
0x65: {  	vm0 =	vge.s32 v59, v2;
	vm1 =	vlt.s32 v59, v3  }
0x66: {  	vm0 =	vmand vm0, vm1  }
0x67: {  	v59 =	vmpcnt.ones.xlane vm0;
	_ =	sdelay $0x1  }
0x68: {  	(v2sf) =	vpush v59, $0x0;
	_ =	sdelay $0x6  }
0x69: {  	s25 =	sadd.s32 $0x30, s20;
	s20 =	smov.u32 s23;
	s26 =	spop (v2sf)  }
0x6a: {  	v59 =	vor.u32 s25, v0;
	s23 =	sadd.s32 s24, s26  }
0x6b: {  	s21 =	sadd.s32 $0x40, s21;
	[tilespmem:s23+$0x1A800] =	vst.msk vm0, v59  }
0x6c: {  	v59 =	vld [tilespmem:s21+$0xFFFFFFE0]  }
.Ltmp4:
0x6d: {  	(pc) =	sbr.rel @p1 .LBB2_3-.Ltmp4, $2  }
0x6e: {  	_ =	sdelay $0x2  }
0x6f: {  	vm0 =	vge.s32 v59, v2;
	vm1 =	vlt.s32 v59, v3;
	s24 =	spop (v2sf)  }
0x70: {  	vm0 =	vmand vm0, vm1;
	s22 =	sadd.s32 s23, s24  }
0x71: {  	v59 =	vmpcnt.ones.xlane vm0;
	[tilespmem:s22+$0x1A800] =	vst.msk vm0, v58  }
0x72: {  	v58 =	vld [tilespmem:s21+$0xFFFFFFF0]  }
0x73: {  	(v2sf) =	vpush v59, $0x0;
	_ =	sdelay $0x3  }
0x74: {  	vm10 =	vge.s32 v58, v2;
	vm11 =	vlt.s32 v58, v3  }
0x75: {  	vm0 =	vmand vm10, vm11  }
0x76: {  	v61 =	vmpcnt.ones.xlane vm0;
	_ =	sdelay $0x1  }
0x77: {  	(v2sf) =	vpush v61, $0x0;
	_ =	sdelay $0x6  }
0x78: {  	s28 =	sadd.s32 $0x10, s20;
	s29 =	spop (v2sf)  }
0x79: {  	v62 =	vor.u32 s28, v0;
	s22 =	sadd.s32 s22, s29  }
0x7a: {  	[tilespmem:s22+$0x1A800] =	vst.msk vm0, v62  }
0x7b: {  	v58 =	vld [tilespmem:s21+$0x0];
	_ =	sdelay $0x4  }
0x7c: {  	s30 =	sadd.s32 $0x20, s20;
	vm12 =	vge.s32 v58, v2;
	vm13 =	vlt.s32 v58, v3;
	s31 =	spop (v2sf)  }
0x7d: {  	v63 =	vor.u32 s30, v0;
	s22 =	sadd.s32 s22, s31;
	vm0 =	vmand vm12, vm13  }
0x7e: {  	[tilespmem:s22+$0x1A800] =	vst.msk vm0, v63  }
0x7f: {  	v58 =	vld [tilespmem:s21+$0x10];
	_ =	sdelay $0x4  }
0x80: {  	v61 =	vmpcnt.ones.xlane vm0;
	vm14 =	vge.s32 v58, v2;
	vm15 =	vlt.s32 v58, v3  }
0x81: {  	vm0 =	vmand vm14, vm15  }
0x82: {  	(v2sf) =	vpush v61, $0x0;
	v62 =	vmpcnt.ones.xlane vm0;
	_ =	sdelay $0x1  }
0x83: {  	(v2sf) =	vpush v62, $0x0;
	_ =	sdelay $0xc  }
0x84: {  	s24 =	sadd.s32 $0x30, s20;
	s25 =	spop (v2sf)  }
0x85: {  	s18 =	sshrl.u32 @!p0 s18, $0x3;
	v63 =	vor.u32 s24, v0;
	s21 =	sadd.s32 s22, s25  }
0x86: {  	s23 =	simm.s32 @!p0 $0x0;
	s18 =	sadd.s32 @!p0 s1, s18;
	[tilespmem:s21+$0x1A800] =	vst.msk vm0, v63;
	s26 =	spop (v2sf)  }
0x87: {  	s24 =	simm.s32 @!p0 $0xC800;
	_ =	swait.ge [sflag:s12], $0x19000;
	s20 =	sadd.s32 s21, s26  }
0x88: {  	s22 =	sadd.s32 @!p0 $0x18680, s18;
	[sflag:s12] =	ssyncset.done $0x0;
	s28 =	sadd.s32 $0x3F, s20  }
0x89: {  	s18 =	sadd.s32 @!p0 $0x30D80, s18;
	[sflag:s12] =	ssyncadd.s32 $0xFFFE7000;
	s29 =	sand.u32 $0x3F, s28  }
0x8a: {  	[tilespmem:s24], [sflag:$0x4] =	stream.linear.gather @!p0 [hbm4b:s22+s23], $0x400, $0x38;
	[tilespmem:$0x1F980] =	vst v63  }
0x8b: {  	s30 =	sshra.s32 s28, $0x1F;
	p1 =	slt.s32 s28, $0x1;
	p2 =	sne.s32 s29, $0x0  }
0x8c: {  	s21 =	simm.s32 @!p0 $0x19400;
	s31 =	sshrl.u32 s30, $0x1A;
	p1 =	por !p1, !p2  }
0x8d: {  	[tilespmem:s21], [sflag:$0x4] =	stream.linear.gather @!p0 [hbm4b:s18+s23], $0x400, $0x38;
	[tilespmem:$0x1F980] =	vst v63  }
0x8e: {  	s18 =	sadd.s32 s31, s28;
	p1 =	por !p1, !p1;
	s21 =	simm.s32 $0x1  }
0x8f: {  	s18 =	sshra.s32 s18, $0x6;
	s21 =	simm.s32 @!p1 $0x0  }
0x90: {  	s18 =	ssub.s32 s18, s21  }
0x91: {  	p1 =	slt.s32 s18, $0x1  }
.Ltmp5:
0x92: {  	_ = 	snop;
	(pc) =	sbr.rel @p1 .LBB2_5-.Ltmp5, $4  }
0x93: {  	s22 =	simm.s32 @!p0 $0x4  }
0x94: {  	_ =	swait.ge @!p0 [sflag:s22], $0x800  }
0x95: {  	[sflag:s22] =	ssyncset.done @!p0 $0x0  }
0x96: {  	v60 =	vmov v7;
	[sflag:s22] =	ssyncadd.s32 @!p0 $0xFFFFF800  }
0x97: {  	v59 =	vmov s19;
	s19 =	simm.s32 $0x30  }
0x98: {  	v58 =	vmov s20;
	s20 =	simm.s32 $0x1A820;
	s21 =	smov.u32 s16;
	s22 =	smov.u32 s18;
	v7 =	vmov v60  }
.LBB2_7:
0x99: {  	s23 =	sand.u32 $0x1, s21;
	p1 =	seq.s32 s15, $0x0  }
0x9a: {  	p2 =	sne.s32 @!p1 s23, $0x0  }
0x9b: {  	p2 =	por p2, p1  }
0x9c: {  	s24 =	simm.s32 @!p2 $0x1  }
0x9d: {  	p3 =	seq.s32 s14, $0x0;
	p1 =	seq.s32 s23, $0x1;
	_ =	swait.ge @!p2 [sflag:s24], $0x2000  }
0x9e: {  	p3 =	por !p1, p3;
	[sflag:s24] =	ssyncset.done @!p2 $0x0  }
0x9f: {  	[sflag:s24] =	ssyncadd.s32 @!p2 $0xFFFFE000;
	s24 =	simm.s32 @!p3 $0x2  }
0xa0: {  	_ =	swait.ge @!p3 [sflag:s24], $0x2000  }
0xa1: {  	[sflag:s24] =	ssyncset.done @!p3 $0x0  }
0xa2: {  	[sflag:s24] =	ssyncadd.s32 @!p3 $0xFFFFE000  }
0xa3: {  	v61 =	vld [tilespmem:s20+$0xFFFFFFE0];
	_ =	sdelay $0x3  }
0xa4: {  	s29 =	sadd.s32 $0xFFFFFFD0, s19  }
0xa5: {  	v62 =	vor.u32 s29, v0;
	v60 =	vbroadcast v61, $0x0  }
0xa6: {  	vm0 =	vlt.s32 v62, v58  }
0xa7: {  	v61 =	vsel vm0, v61, v60;
	_ =	sdelay $0x4  }
0xa8: {  	v62 =	vld.idx.msk [tilespmem:v61+s10+$0x0], $0xffff;
	_ =	sdelay $0x4  }
0xa9: {  	v63 =	vsub.s32 v62, v4  }
0xaa: {  	v63 =	vshll.u32 v63, $0x3  }
0xab: {  	v62 =	vand.u32 $0x7F, v62;
	v63 =	vand.u32 $0xFFFFFC00, v63  }
0xac: {  	v62 =	vor.u32 v62, v63;
	_ =	sdelay $0x4  }
0xad: {  	v63 =	vld.idx.msk [tilespmem:v62+s3+$0x0], $0xffff  }
0xae: {  	v5 =	vor.u32 $0x80, v62;
	_ =	sdelay $0x1  }
0xaf: {  	v6 =	vld [tilespmem:$0x1FFE0]  }
0xb0: {  	s30 =	sshll.u32 s23, $0xD  }
0xb1: {  	[tilespmem:v1+s30+$0x1B880] =	vst.idx.msk $0xffff, v63  }
0xb2: {  	v5 =	vld.idx.msk [tilespmem:v5+s3+$0x0], $0xffff;
	_ =	sdelay $0x2  }
0xb3: {  	v63 =	vor.u32 $0x100, v62;
	_ =	sdelay $0x1  }
0xb4: {  	[tilespmem:v6+s30+$0x1B880] =	vst.idx.msk $0xffff, v5;
	v6 =	vld [tilespmem:$0x1FFF0];
	_ =	sdelay $0x2  }
0xb5: {  	v5 =	vld.idx.msk [tilespmem:v63+s3+$0x0], $0xffff  }
0xb6: {  	v63 =	vor.u32 $0x180, v62;
	_ =	sdelay $0x3  }
0xb7: {  	[tilespmem:v6+s30+$0x1B880] =	vst.idx.msk $0xffff, v5  }
0xb8: {  	v5 =	vld.idx.msk [tilespmem:v63+s3+$0x0], $0xffff  }
0xb9: {  	v63 =	vor.u32 $0x200, v62;
	_ =	sdelay $0x3  }
0xba: {  	[tilespmem:v8+s30+$0x1B880] =	vst.idx.msk $0xffff, v5  }
0xbb: {  	v5 =	vld.idx.msk [tilespmem:v63+s3+$0x0], $0xffff  }
0xbc: {  	v63 =	vor.u32 $0x280, v62;
	_ =	sdelay $0x3  }
0xbd: {  	[tilespmem:v9+s30+$0x1B880] =	vst.idx.msk $0xffff, v5  }
0xbe: {  	v5 =	vld.idx.msk [tilespmem:v63+s3+$0x0], $0xffff  }
0xbf: {  	v63 =	vor.u32 $0x300, v62;
	_ =	sdelay $0x3  }
0xc0: {  	[tilespmem:v10+s30+$0x1B880] =	vst.idx.msk $0xffff, v5  }
0xc1: {  	v5 =	vld.idx.msk [tilespmem:v63+s3+$0x0], $0xffff  }
0xc2: {  	v63 =	vor.u32 $0x380, v62;
	_ =	sdelay $0x3  }
0xc3: {  	[tilespmem:v11+s30+$0x1B880] =	vst.idx.msk $0xffff, v5  }
0xc4: {  	v5 =	vld.idx.msk [tilespmem:v63+s3+$0x0], $0xffff  }
0xc5: {  	v63 =	vadd.s32 $0xCC00, v62;
	_ =	sdelay $0x3  }
0xc6: {  	[tilespmem:v12+s30+$0x1B880] =	vst.idx.msk $0xffff, v5  }
0xc7: {  	v5 =	vld.idx.msk [tilespmem:v63+s3+$0x0], $0xffff  }
0xc8: {  	v63 =	vadd.s32 $0xCC80, v62;
	_ =	sdelay $0x3  }
0xc9: {  	[tilespmem:v13+s30+$0x1B880] =	vst.idx.msk $0xffff, v5  }
0xca: {  	v5 =	vld.idx.msk [tilespmem:v63+s3+$0x0], $0xffff  }
0xcb: {  	v63 =	vadd.s32 $0xCD00, v62;
	_ =	sdelay $0x3  }
0xcc: {  	[tilespmem:v14+s30+$0x1B880] =	vst.idx.msk $0xffff, v5  }
0xcd: {  	v5 =	vld.idx.msk [tilespmem:v63+s3+$0x0], $0xffff  }
0xce: {  	v63 =	vadd.s32 $0xCD80, v62;
	_ =	sdelay $0x3  }
0xcf: {  	[tilespmem:v15+s30+$0x1B880] =	vst.idx.msk $0xffff, v5  }
0xd0: {  	v5 =	vld.idx.msk [tilespmem:v63+s3+$0x0], $0xffff  }
0xd1: {  	v63 =	vadd.s32 $0xCE00, v62;
	_ =	sdelay $0x3  }
0xd2: {  	[tilespmem:v16+s30+$0x1B880] =	vst.idx.msk $0xffff, v5  }
0xd3: {  	v5 =	vld.idx.msk [tilespmem:v63+s3+$0x0], $0xffff  }
0xd4: {  	v63 =	vadd.s32 $0xCE80, v62;
	_ =	sdelay $0x3  }
0xd5: {  	[tilespmem:v17+s30+$0x1B880] =	vst.idx.msk $0xffff, v5  }
0xd6: {  	v5 =	vld.idx.msk [tilespmem:v63+s3+$0x0], $0xffff  }
0xd7: {  	v63 =	vadd.s32 $0xCF00, v62;
	_ =	sdelay $0x3  }
0xd8: {  	[tilespmem:v18+s30+$0x1B880] =	vst.idx.msk $0xffff, v5  }
0xd9: {  	v5 =	vld.idx.msk [tilespmem:v63+s3+$0x0], $0xffff  }
0xda: {  	v62 =	vadd.s32 $0xCF80, v62;
	_ =	sdelay $0x3  }
0xdb: {  	[tilespmem:v19+s30+$0x1B880] =	vst.idx.msk $0xffff, v5  }
0xdc: {  	v5 =	vld.idx.msk [tilespmem:v62+s3+$0x0], $0xffff;
	_ =	sdelay $0x2  }
0xdd: {  	v61 =	vmul.u32 $0x1A, v61;
	_ =	sdelay $0x1  }
0xde: {  	s25 =	sshll.u32 s23, $0x7;
	[tilespmem:v20+s30+$0x1B880] =	vst.idx.msk $0xffff, v5;
	v5 =	vadd.s32 v59, v61  }
0xdf: {  	[tilespmem:s25+$0x1F880] =	vst v5  }
0xe0: {  	v5 =	vld [tilespmem:s20+$0xFFFFFFF0];
	_ =	sdelay $0x1  }
0xe1: {  	s26 =	sadd.s32 $0xFFFFFFE0, s19  }
0xe2: {  	v61 =	vor.u32 s26, v0  }
0xe3: {  	vm13 =	vlt.s32 v61, v58  }
0xe4: {  	v5 =	vsel vm13, v5, v60;
	_ =	sdelay $0x4  }
0xe5: {  	v61 =	vld.idx.msk [tilespmem:v5+s10+$0x0], $0xffff;
	_ =	sdelay $0x4  }
0xe6: {  	v62 =	vsub.s32 v61, v4  }
0xe7: {  	v62 =	vshll.u32 v62, $0x3  }
0xe8: {  	v61 =	vand.u32 $0x7F, v61;
	v62 =	vand.u32 $0xFFFFFC00, v62  }
0xe9: {  	v61 =	vor.u32 v61, v62;
	_ =	sdelay $0x4  }
0xea: {  	v62 =	vld.idx.msk [tilespmem:v61+s3+$0x0], $0xffff  }
0xeb: {  	v63 =	vor.u32 $0x80, v61;
	_ =	sdelay $0x3  }
0xec: {  	[tilespmem:v21+s30+$0x1B880] =	vst.idx.msk $0xffff, v62  }
0xed: {  	v62 =	vld.idx.msk [tilespmem:v63+s3+$0x0], $0xffff  }
0xee: {  	v63 =	vor.u32 $0x100, v61;
	_ =	sdelay $0x3  }
0xef: {  	[tilespmem:v22+s30+$0x1B880] =	vst.idx.msk $0xffff, v62  }
0xf0: {  	v62 =	vld.idx.msk [tilespmem:v63+s3+$0x0], $0xffff  }
0xf1: {  	v63 =	vor.u32 $0x180, v61;
	_ =	sdelay $0x3  }
0xf2: {  	[tilespmem:v23+s30+$0x1B880] =	vst.idx.msk $0xffff, v62  }
0xf3: {  	v62 =	vld.idx.msk [tilespmem:v63+s3+$0x0], $0xffff  }
0xf4: {  	v63 =	vor.u32 $0x200, v61;
	_ =	sdelay $0x3  }
0xf5: {  	[tilespmem:v24+s30+$0x1B880] =	vst.idx.msk $0xffff, v62  }
0xf6: {  	v62 =	vld.idx.msk [tilespmem:v63+s3+$0x0], $0xffff  }
0xf7: {  	v63 =	vor.u32 $0x280, v61;
	_ =	sdelay $0x3  }
0xf8: {  	[tilespmem:v25+s30+$0x1B880] =	vst.idx.msk $0xffff, v62  }
0xf9: {  	v62 =	vld.idx.msk [tilespmem:v63+s3+$0x0], $0xffff  }
0xfa: {  	v63 =	vor.u32 $0x300, v61;
	_ =	sdelay $0x3  }
0xfb: {  	[tilespmem:v26+s30+$0x1B880] =	vst.idx.msk $0xffff, v62  }
0xfc: {  	v62 =	vld.idx.msk [tilespmem:v63+s3+$0x0], $0xffff  }
0xfd: {  	v63 =	vor.u32 $0x380, v61;
	_ =	sdelay $0x3  }
0xfe: {  	[tilespmem:v27+s30+$0x1B880] =	vst.idx.msk $0xffff, v62  }
0xff: {  	v62 =	vld.idx.msk [tilespmem:v63+s3+$0x0], $0xffff  }
0x100: {  	v63 =	vadd.s32 $0xCC00, v61;
	_ =	sdelay $0x3  }
0x101: {  	[tilespmem:v28+s30+$0x1B880] =	vst.idx.msk $0xffff, v62  }
0x102: {  	v62 =	vld.idx.msk [tilespmem:v63+s3+$0x0], $0xffff  }
0x103: {  	v63 =	vadd.s32 $0xCC80, v61;
	_ =	sdelay $0x3  }
0x104: {  	[tilespmem:v29+s30+$0x1B880] =	vst.idx.msk $0xffff, v62  }
0x105: {  	v62 =	vld.idx.msk [tilespmem:v63+s3+$0x0], $0xffff  }
0x106: {  	v63 =	vadd.s32 $0xCD00, v61;
	_ =	sdelay $0x3  }
0x107: {  	[tilespmem:v30+s30+$0x1B880] =	vst.idx.msk $0xffff, v62  }
0x108: {  	v62 =	vld.idx.msk [tilespmem:v63+s3+$0x0], $0xffff  }
0x109: {  	v63 =	vadd.s32 $0xCD80, v61;
	_ =	sdelay $0x3  }
0x10a: {  	[tilespmem:v31+s30+$0x1B880] =	vst.idx.msk $0xffff, v62  }
0x10b: {  	v62 =	vld.idx.msk [tilespmem:v63+s3+$0x0], $0xffff  }
0x10c: {  	v63 =	vadd.s32 $0xCE00, v61;
	_ =	sdelay $0x3  }
0x10d: {  	[tilespmem:v32+s30+$0x1B880] =	vst.idx.msk $0xffff, v62  }
0x10e: {  	v62 =	vld.idx.msk [tilespmem:v63+s3+$0x0], $0xffff  }
0x10f: {  	v63 =	vadd.s32 $0xCE80, v61;
	_ =	sdelay $0x3  }
0x110: {  	[tilespmem:v33+s30+$0x1B880] =	vst.idx.msk $0xffff, v62  }
0x111: {  	v62 =	vld.idx.msk [tilespmem:v63+s3+$0x0], $0xffff  }
0x112: {  	v63 =	vadd.s32 $0xCF00, v61;
	_ =	sdelay $0x3  }
0x113: {  	[tilespmem:v34+s30+$0x1B880] =	vst.idx.msk $0xffff, v62  }
0x114: {  	v62 =	vld.idx.msk [tilespmem:v63+s3+$0x0], $0xffff  }
0x115: {  	v61 =	vadd.s32 $0xCF80, v61;
	_ =	sdelay $0x3  }
0x116: {  	[tilespmem:v35+s30+$0x1B880] =	vst.idx.msk $0xffff, v62  }
0x117: {  	v61 =	vld.idx.msk [tilespmem:v61+s3+$0x0], $0xffff;
	_ =	sdelay $0x2  }
0x118: {  	v5 =	vmul.u32 $0x1A, v5;
	_ =	sdelay $0x1  }
0x119: {  	v5 =	vadd.s32 v59, v5;
	[tilespmem:v36+s30+$0x1B880] =	vst.idx.msk $0xffff, v61  }
0x11a: {  	[tilespmem:s25+$0x1F890] =	vst v5  }
0x11b: {  	v5 =	vld [tilespmem:s20+$0x0];
	_ =	sdelay $0x1  }
0x11c: {  	s31 =	sadd.s32 $0xFFFFFFF0, s19  }
0x11d: {  	v61 =	vor.u32 s31, v0  }
0x11e: {  	vm14 =	vlt.s32 v61, v58  }
0x11f: {  	v5 =	vsel vm14, v5, v60;
	_ =	sdelay $0x4  }
0x120: {  	v61 =	vld.idx.msk [tilespmem:v5+s10+$0x0], $0xffff;
	_ =	sdelay $0x4  }
0x121: {  	v62 =	vsub.s32 v61, v4  }
0x122: {  	v62 =	vshll.u32 v62, $0x3  }
0x123: {  	v61 =	vand.u32 $0x7F, v61;
	v62 =	vand.u32 $0xFFFFFC00, v62  }
0x124: {  	v61 =	vor.u32 v61, v62;
	_ =	sdelay $0x4  }
0x125: {  	v62 =	vld.idx.msk [tilespmem:v61+s3+$0x0], $0xffff  }
0x126: {  	v63 =	vor.u32 $0x80, v61;
	_ =	sdelay $0x3  }
0x127: {  	[tilespmem:v37+s30+$0x1B880] =	vst.idx.msk $0xffff, v62  }
0x128: {  	v62 =	vld.idx.msk [tilespmem:v63+s3+$0x0], $0xffff  }
0x129: {  	v63 =	vor.u32 $0x100, v61;
	_ =	sdelay $0x3  }
0x12a: {  	[tilespmem:v38+s30+$0x1B880] =	vst.idx.msk $0xffff, v62  }
0x12b: {  	v62 =	vld.idx.msk [tilespmem:v63+s3+$0x0], $0xffff  }
0x12c: {  	v63 =	vor.u32 $0x180, v61;
	_ =	sdelay $0x3  }
0x12d: {  	[tilespmem:v39+s30+$0x1B880] =	vst.idx.msk $0xffff, v62  }
0x12e: {  	v62 =	vld.idx.msk [tilespmem:v63+s3+$0x0], $0xffff  }
0x12f: {  	v63 =	vor.u32 $0x200, v61;
	_ =	sdelay $0x3  }
0x130: {  	[tilespmem:v40+s30+$0x1B880] =	vst.idx.msk $0xffff, v62  }
0x131: {  	v62 =	vld.idx.msk [tilespmem:v63+s3+$0x0], $0xffff  }
0x132: {  	v63 =	vor.u32 $0x280, v61;
	_ =	sdelay $0x3  }
0x133: {  	[tilespmem:v41+s30+$0x1B880] =	vst.idx.msk $0xffff, v62  }
0x134: {  	v62 =	vld.idx.msk [tilespmem:v63+s3+$0x0], $0xffff  }
0x135: {  	v63 =	vor.u32 $0x300, v61;
	_ =	sdelay $0x3  }
0x136: {  	[tilespmem:v42+s30+$0x1B880] =	vst.idx.msk $0xffff, v62  }
0x137: {  	v62 =	vld.idx.msk [tilespmem:v63+s3+$0x0], $0xffff  }
0x138: {  	v63 =	vor.u32 $0x380, v61;
	_ =	sdelay $0x3  }
0x139: {  	[tilespmem:v43+s30+$0x1B880] =	vst.idx.msk $0xffff, v62  }
0x13a: {  	v62 =	vld.idx.msk [tilespmem:v63+s3+$0x0], $0xffff  }
0x13b: {  	v63 =	vadd.s32 $0xCC00, v61;
	_ =	sdelay $0x3  }
0x13c: {  	[tilespmem:v44+s30+$0x1B880] =	vst.idx.msk $0xffff, v62  }
0x13d: {  	v62 =	vld.idx.msk [tilespmem:v63+s3+$0x0], $0xffff  }
0x13e: {  	v63 =	vadd.s32 $0xCC80, v61;
	_ =	sdelay $0x3  }
0x13f: {  	[tilespmem:v45+s30+$0x1B880] =	vst.idx.msk $0xffff, v62  }
0x140: {  	v62 =	vld.idx.msk [tilespmem:v63+s3+$0x0], $0xffff  }
0x141: {  	v63 =	vadd.s32 $0xCD00, v61;
	_ =	sdelay $0x3  }
0x142: {  	[tilespmem:v46+s30+$0x1B880] =	vst.idx.msk $0xffff, v62  }
0x143: {  	v62 =	vld.idx.msk [tilespmem:v63+s3+$0x0], $0xffff  }
0x144: {  	v63 =	vadd.s32 $0xCD80, v61;
	_ =	sdelay $0x3  }
0x145: {  	[tilespmem:v47+s30+$0x1B880] =	vst.idx.msk $0xffff, v62  }
0x146: {  	v62 =	vld.idx.msk [tilespmem:v63+s3+$0x0], $0xffff  }
0x147: {  	v63 =	vadd.s32 $0xCE00, v61;
	_ =	sdelay $0x3  }
0x148: {  	[tilespmem:v48+s30+$0x1B880] =	vst.idx.msk $0xffff, v62  }
0x149: {  	v62 =	vld.idx.msk [tilespmem:v63+s3+$0x0], $0xffff  }
0x14a: {  	v63 =	vadd.s32 $0xCE80, v61;
	_ =	sdelay $0x3  }
0x14b: {  	[tilespmem:v49+s30+$0x1B880] =	vst.idx.msk $0xffff, v62  }
0x14c: {  	v62 =	vld.idx.msk [tilespmem:v63+s3+$0x0], $0xffff  }
0x14d: {  	v63 =	vadd.s32 $0xCF00, v61;
	_ =	sdelay $0x3  }
0x14e: {  	[tilespmem:v50+s30+$0x1B880] =	vst.idx.msk $0xffff, v62  }
0x14f: {  	v62 =	vld.idx.msk [tilespmem:v63+s3+$0x0], $0xffff  }
0x150: {  	v61 =	vadd.s32 $0xCF80, v61;
	_ =	sdelay $0x3  }
0x151: {  	[tilespmem:v51+s30+$0x1B880] =	vst.idx.msk $0xffff, v62  }
0x152: {  	v61 =	vld.idx.msk [tilespmem:v61+s3+$0x0], $0xffff;
	_ =	sdelay $0x2  }
0x153: {  	v5 =	vmul.u32 $0x1A, v5;
	_ =	sdelay $0x1  }
0x154: {  	v5 =	vadd.s32 v59, v5;
	[tilespmem:v52+s30+$0x1B880] =	vst.idx.msk $0xffff, v61  }
0x155: {  	[tilespmem:s25+$0x1F8A0] =	vst v5  }
0x156: {  	v5 =	vld [tilespmem:s20+$0x10];
	_ =	sdelay $0x2  }
0x157: {  	v61 =	vor.u32 s19, v0  }
0x158: {  	vm15 =	vlt.s32 v61, v58  }
0x159: {  	v5 =	vsel vm15, v5, v60;
	_ =	sdelay $0x4  }
0x15a: {  	v60 =	vld.idx.msk [tilespmem:v5+s10+$0x0], $0xffff;
	_ =	sdelay $0x4  }
0x15b: {  	v61 =	vsub.s32 v60, v4  }
0x15c: {  	v61 =	vshll.u32 v61, $0x3  }
0x15d: {  	v60 =	vand.u32 $0x7F, v60;
	v61 =	vand.u32 $0xFFFFFC00, v61  }
0x15e: {  	v60 =	vor.u32 v60, v61;
	_ =	sdelay $0x4  }
0x15f: {  	v61 =	vld.idx.msk [tilespmem:v60+s3+$0x0], $0xffff  }
0x160: {  	v62 =	vor.u32 $0x80, v60;
	_ =	sdelay $0x3  }
0x161: {  	[tilespmem:v53+s30+$0x1B880] =	vst.idx.msk $0xffff, v61  }
0x162: {  	v61 =	vld.idx.msk [tilespmem:v62+s3+$0x0], $0xffff  }
0x163: {  	v62 =	vor.u32 $0x100, v60;
	_ =	sdelay $0x3  }
0x164: {  	[tilespmem:v54+s30+$0x1B880] =	vst.idx.msk $0xffff, v61  }
0x165: {  	v61 =	vld.idx.msk [tilespmem:v62+s3+$0x0], $0xffff  }
0x166: {  	v62 =	vor.u32 $0x180, v60;
	_ =	sdelay $0x3  }
0x167: {  	[tilespmem:v55+s30+$0x1B880] =	vst.idx.msk $0xffff, v61  }
0x168: {  	v61 =	vld.idx.msk [tilespmem:v62+s3+$0x0], $0xffff  }
0x169: {  	v62 =	vor.u32 $0x200, v60;
	_ =	sdelay $0x3  }
0x16a: {  	[tilespmem:v56+s30+$0x1B880] =	vst.idx.msk $0xffff, v61  }
0x16b: {  	v61 =	vld.idx.msk [tilespmem:v62+s3+$0x0], $0xffff  }
0x16c: {  	v62 =	vor.u32 $0x280, v60;
	_ =	sdelay $0x3  }
0x16d: {  	[tilespmem:v57+s30+$0x1B880] =	vst.idx.msk $0xffff, v61  }
0x16e: {  	v61 =	vld.idx.msk [tilespmem:v62+s3+$0x0], $0xffff  }
0x16f: {  	v62 =	vor.u32 $0x300, v60;
	_ =	sdelay $0x3  }
0x170: {  	[tilespmem:v7+s30+$0x1B880] =	vst.idx.msk $0xffff, v61  }
0x171: {  	v61 =	vld.idx.msk [tilespmem:v62+s3+$0x0], $0xffff;
	v62 =	vor.u32 $0x1806, v1  }
0x172: {  	v63 =	vor.u32 $0x380, v60;
	_ =	sdelay $0x3  }
0x173: {  	[tilespmem:v62+s30+$0x1B880] =	vst.idx.msk $0xffff, v61  }
0x174: {  	v62 =	vor.u32 $0x1807, v1;
	v61 =	vld.idx.msk [tilespmem:v63+s3+$0x0], $0xffff  }
0x175: {  	v63 =	vadd.s32 $0xCC00, v60;
	_ =	sdelay $0x3  }
0x176: {  	[tilespmem:v62+s30+$0x1B880] =	vst.idx.msk $0xffff, v61  }
0x177: {  	v62 =	vor.u32 $0x1808, v1;
	v61 =	vld.idx.msk [tilespmem:v63+s3+$0x0], $0xffff  }
0x178: {  	v63 =	vadd.s32 $0xCC80, v60;
	_ =	sdelay $0x3  }
0x179: {  	[tilespmem:v62+s30+$0x1B880] =	vst.idx.msk $0xffff, v61  }
0x17a: {  	v62 =	vor.u32 $0x1809, v1;
	v61 =	vld.idx.msk [tilespmem:v63+s3+$0x0], $0xffff  }
0x17b: {  	v63 =	vadd.s32 $0xCD00, v60;
	_ =	sdelay $0x3  }
0x17c: {  	[tilespmem:v62+s30+$0x1B880] =	vst.idx.msk $0xffff, v61  }
0x17d: {  	v62 =	vor.u32 $0x180A, v1;
	v61 =	vld.idx.msk [tilespmem:v63+s3+$0x0], $0xffff  }
0x17e: {  	v63 =	vadd.s32 $0xCD80, v60;
	_ =	sdelay $0x3  }
0x17f: {  	[tilespmem:v62+s30+$0x1B880] =	vst.idx.msk $0xffff, v61  }
0x180: {  	v62 =	vor.u32 $0x180B, v1;
	v61 =	vld.idx.msk [tilespmem:v63+s3+$0x0], $0xffff  }
0x181: {  	v63 =	vadd.s32 $0xCE00, v60;
	_ =	sdelay $0x3  }
0x182: {  	[tilespmem:v62+s30+$0x1B880] =	vst.idx.msk $0xffff, v61  }
0x183: {  	v62 =	vor.u32 $0x180C, v1;
	v61 =	vld.idx.msk [tilespmem:v63+s3+$0x0], $0xffff  }
0x184: {  	v63 =	vadd.s32 $0xCE80, v60;
	_ =	sdelay $0x3  }
0x185: {  	[tilespmem:v62+s30+$0x1B880] =	vst.idx.msk $0xffff, v61  }
0x186: {  	v62 =	vor.u32 $0x180D, v1;
	v61 =	vld.idx.msk [tilespmem:v63+s3+$0x0], $0xffff  }
0x187: {  	v63 =	vadd.s32 $0xCF00, v60;
	_ =	sdelay $0x3  }
0x188: {  	[tilespmem:v62+s30+$0x1B880] =	vst.idx.msk $0xffff, v61  }
0x189: {  	v62 =	vor.u32 $0x180E, v1;
	v61 =	vld.idx.msk [tilespmem:v63+s3+$0x0], $0xffff  }
0x18a: {  	v60 =	vadd.s32 $0xCF80, v60;
	_ =	sdelay $0x3  }
0x18b: {  	[tilespmem:v62+s30+$0x1B880] =	vst.idx.msk $0xffff, v61  }
0x18c: {  	v61 =	vor.u32 $0x180F, v1;
	v60 =	vld.idx.msk [tilespmem:v60+s3+$0x0], $0xffff;
	_ =	sdelay $0x2  }
0x18d: {  	v5 =	vmul.u32 $0x1A, v5;
	_ =	sdelay $0x1  }
0x18e: {  	s22 =	sadd.s32 $0xFFFFFFFF, s22;
	p2 =	sne.s32 s23, $0x0;
	v5 =	vadd.s32 v59, v5;
	[tilespmem:v61+s30+$0x1B880] =	vst.idx.msk $0xffff, v60  }
0x18f: {  	s24 =	simm.s32 @!p2 $0x40;
	s26 =	simm.s32 @!p2 $0x1B880;
	[tilespmem:s25+$0x1F8B0] =	vst v5;
	s25 =	simm.s32 @!p2 $0x1F880  }
0x190: {  	[hbm4b:s5+s24] =	stream.indirect.scatter @!p2 [tilespmem:s26], [sflag:$0x1], $0x80, s25, s24, $0xb8;
	[tilespmem:$0x1F980] =	vst v63  }
0x191: {  	s24 =	simm.s32 @p1 $0x40;
	s25 =	simm.s32 @p1 $0x1F900;
	s26 =	simm.s32 @p1 $0x1D880  }
0x192: {  	[hbm4b:s5+s24] =	stream.indirect.scatter @p1 [tilespmem:s26], [sflag:$0x2], $0x80, s25, s24, $0xb8;
	[tilespmem:$0x1F980] =	vst v63  }
0x193: {  	s14 =	simm.s32 @p1 $0x1;
	p1 =	sne.s32 s22, $0x0  }
.Ltmp6:
0x194: {  	_ = 	snop;
	(pc) =	sbr.rel @p1 .LBB2_7-.Ltmp6, $3  }
0x195: {  	_ =	sdelay $0x1  }
0x196: {  	s21 =	sadd.s32 $0x1, s21;
	p2 =	seq.s32 s23, $0x0  }
0x197: {  	s19 =	sadd.s32 $0x40, s19;
	s20 =	sadd.s32 $0x40, s20;
	s15 =	simm.s32 @p2 $0x1  }
.Ltmp7:
0x198: {  	_ = 	snop;
	(pc) =	sbr.rel .LBB2_8-.Ltmp7, $1  }
0x199: {  	_ =	sdelay $0x3  }
.LBB2_10:
0x19a: {  	_ =	sfence.sel $0x180000  }
0x19b: {  	[bflag:$0x0] =	sbarrier.arrive $0xFFFF  }
0x19c: {  	p0 =	sne.s32 s0, $0x0;
	_ =	strace $0x90000047  }
0x19d: {  	s0 =	sadd.s32 @!p0 $0x100000, s2;
	[bflag:$0x2] =	sbarrier.arrive $0xFFFF  }
0x19e: {  	[sflag:s0] =	ssyncadd.tile.s32 @!p0 $0x1;
	_ =	shalt  }
.Lfunc_end2:
_tile_overlayer_lowered:
.L_overlay_start_2:
0x19f: {  	(tag) =	ssettag $0x2  }
0x1a0: {  	s0 =	rddreg [dreg:$0x0];
	s2 =	stileid.u32  }
0x1a1: {  	s1 =	rddreg [dreg:$0x1];
	p0 =	sne.s32 s2, $0x0  }
0x1a2: {  	s3 =	rddreg [dreg:$0x2];
	[bflag:$0x3] =	sbarrier.arrive $0xFFFF;
	s2 =	simm.s32 @!p0 $0x1C04  }
0x1a3: {  	[timem:s3], [sflag:s2] =	dma.local @!p0 [hbm:s0], s1  }
0x1a4: {  	s0 =	simm.s32 @!p0 $0x4  }
0x1a5: {  	_ =	swait.ge @!p0 [sflag:s0], s1  }
0x1a6: {  	s1 =	ssub.s32 @!p0 $0x0, s1;
	[sflag:s0] =	ssyncset.done @!p0 $0x0  }
0x1a7: {  	[sflag:s0] =	ssyncadd.s32 @!p0 s1  }
0x1a8: {  	[bflag:$0x3] =	sbarrier.arrive $0xFFFF  }
0x1a9: {  	_ =	shalt  }

</sc_bundles>
